<compile_context>
chip_gen: v7x
topology: tpu7x:2x2x1
jax: 0.10.2.dev20260603
libtpu: 0.0.44.dev20260713+nightly
codegen_flags: <defaults>
</compile_context>

<pallas_src>
import functools

import jax
import jax.numpy as jnp
from jax import lax
from jax.experimental import pallas as pl
from jax.experimental.pallas import tpu as pltpu
from jax.experimental.pallas import tpu_sc as plsc

K_SEL = 5000
B = 4
HF, WF = 512, 512
HQ, WQ = 128, 128
NPB = HQ * WQ
NC, NS, L = 2, 16, 16
WPB = 8
QR_W = HQ // WPB
VALS = QR_W * WQ
NV = VALS // L
NBK = 18
ROWW = 128


def _mask_kernel(err_hbm, out_hbm, band, qbits, cand, hist, outbuf, pub,
                 rdbuf, shared, dsem):
    c = lax.axis_index("c")
    s = lax.axis_index("s")
    bat = c * 2 + s // WPB
    w = s % WPB
    g0 = (s // WPB) * WPB

    lanes = lax.iota(jnp.int32, L)
    lanes4 = lanes * 4
    zero16 = jnp.zeros((L,), jnp.int32)
    ones16 = jnp.ones((L,), jnp.int32)

    copies = [
        pltpu.async_copy(
            err_hbm.at[bat, pl.ds(w * 4 * QR_W + b8 * 8, 8),
                       pl.ds(t * 128, 128)],
            band.at[pl.ds((b8 * 4 + t) * 8, 8)], dsem)
        for b8 in range(QR_W // 2) for t in range(WF // 128)
    ]
    for j in range(NBK):
        hist[pl.ds(j * L, L)] = zero16
    for cp in copies:
        cp.wait()

    def body_a(t, _):
        i = t >> 3
        vc = t & 7
        row1 = (i >> 1) * 32 + (vc >> 1) * 8 + ((i & 1) * 4 + 1)
        r1 = jnp.full((L,), row1, jnp.int32)
        r2 = r1 + 1
        c1 = ((vc & 1) * 64 + 1) + lanes4
        g = ((plsc.load_gather(band, [r1, c1])
              + plsc.load_gather(band, [r2, c1]))
             + (plsc.load_gather(band, [r1, c1 + 1])
                + plsc.load_gather(band, [r2, c1 + 1])))
        bits = plsc.bitcast(g * 0.25, jnp.int32)
        qbits[pl.ds(t * L, L)] = bits
        cand[pl.ds(t * L, L)] = bits
        idx = ((bits >> 28) + 1) * L + lanes
        plsc.addupdate_scatter(hist, [idx], ones16)
        return 0

    lax.fori_loop(0, NV, body_a, 0)

    lanes16 = lanes * L + L

    def round_body(r, carry):
        lo, n_ge, eqb, ceq, m = carry
        tot = zero16
        for l in range(L):
            tot = tot + plsc.load_gather(hist, [lanes16 + l])

        par = r & 1
        pub[pl.ds(0, L)] = tot
        pltpu.sync_copy(pub, shared.at[par, s])
        plsc.subcore_barrier()
        pltpu.sync_copy(shared.at[par, pl.ds(g0, WPB)], rdbuf)
        rows = [rdbuf[j, pl.ds(0, L)] for j in range(WPB)]
        gtot = rows[0]
        for j in range(1, WPB):
            gtot = gtot + rows[j]

        sfx = lax.rev(jnp.cumsum(lax.rev(gtot, (0,))), (0,))
        ge_k = (sfx + n_ge) >= K_SEL
        jstar = jnp.max(plsc.all_reduce_population_count(ge_k)) - 1
        above = jnp.sum(jnp.where(lanes == jstar + 1, sfx, 0))
        shift = 28 - 4 * r
        lo = lo + jnp.left_shift(jstar, shift)
        n_ge = n_ge + above
        sel_j = lanes == jstar
        ceq = jnp.sum(jnp.where(sel_j, tot, 0))
        eqb = jnp.int32(0)
        for j in range(WPB):
            vj = jnp.sum(jnp.where(sel_j, rows[j], 0))
            eqb = eqb + jnp.where(jnp.int32(j) < w, vj, 0)

        nshift = shift - 4
        slo1 = (lo >> nshift) - 1

        def hist_body(v, off):
            valid = (v * L + lanes) < m
            bits = cand[pl.ds(v * L, L)]
            bucket = jnp.clip((bits >> nshift) - slo1, 0, NBK - 1)
            bucket = jnp.where(valid, bucket, 0)
            plsc.addupdate_scatter(hist, [bucket * L + lanes], ones16)
            inwin = valid & (bucket >= 1) & (bucket <= 16)
            plsc.store_compressed(cand.at[pl.ds(off, L)], bits, mask=inwin)
            return off + jnp.max(plsc.all_reduce_population_count(inwin))

        @pl.when(r < 7)
        def _():
            for j in range(NBK):
                hist[pl.ds(j * L, L)] = zero16

        m_next = lax.cond(
            r < 7,
            lambda: lax.fori_loop(0, (m + L - 1) >> 4, hist_body,
                                  jnp.int32(0)),
            lambda: m)

        return lo, n_ge, eqb, ceq, m_next

    thr, n_gt, eq_before, cnt_eq, _m = lax.fori_loop(
        0, 8, round_body,
        (jnp.int32(0), jnp.int32(0), jnp.int32(0), jnp.int32(0),
         jnp.int32(VALS)))

    take = jnp.clip(K_SEL - n_gt - eq_before, 0, cnt_eq)
    partial = (take > 0) & (take < cnt_eq)

    @pl.when(jnp.logical_not(partial))
    def _():
        any_eq = take > 0

        def out_simple(v, _):
            bits = qbits[pl.ds(v * L, L)]
            sel = (bits > thr) | ((bits == thr) & any_eq)
            outbuf[v >> 3, pl.ds((v & 7) * L, L)] = jnp.where(sel, 1.0, 0.0)
            return 0

        lax.fori_loop(0, NV, out_simple, 0)

    @pl.when(partial)
    def _():
        def out_ranked(v, running):
            bits = qbits[pl.ds(v * L, L)]
            gt = bits > thr
            eq = bits == thr
            eqi = jnp.where(eq, 1, 0)
            cum = plsc.cumsum(eqi)
            rank = (running + cum) - 1
            sel = gt | (eq & (rank < take))
            outbuf[v >> 3, pl.ds((v & 7) * L, L)] = jnp.where(sel, 1.0, 0.0)
            return running + jnp.sum(eqi)

        lax.fori_loop(0, NV, out_ranked, jnp.int32(0))

    pltpu.sync_copy(outbuf, out_hbm.at[bat, 0, pl.ds(w * QR_W, QR_W)])


@jax.jit
def _refine_mask(err):
    run = functools.partial(
        pl.kernel,
        out_type=jax.ShapeDtypeStruct((B, 1, HQ, WQ), jnp.float32),
        mesh=plsc.VectorSubcoreMesh(
            core_axis_name="c", subcore_axis_name="s",
            num_cores=NC, num_subcores=NS),
        compiler_params=pltpu.CompilerParams(needs_layout_passes=False),
        scratch_types=[
            pltpu.VMEM((QR_W * 4 * WF // 128, 128), jnp.float32),
            pltpu.VMEM((VALS,), jnp.int32),
            pltpu.VMEM((VALS + L,), jnp.int32),
            pltpu.VMEM((NBK * L,), jnp.int32),
            pltpu.VMEM((QR_W, WQ), jnp.float32),
            pltpu.VMEM((ROWW,), jnp.int32),
            pltpu.VMEM((WPB, ROWW), jnp.int32),
            pltpu.VMEM_SHARED((2, NS, ROWW), jnp.int32),
            pltpu.SemaphoreType.DMA,
        ],
    )(_mask_kernel)
    return run(err)


def kernel(src, bck, alp, fgr, err, hid):
    return _refine_mask(err.reshape(B, HF, WF))

# --- scband reference (transcript-rebuilt; emitter-appended) ---
"""Pipeline reference for scband-refine-14439680049169 (READ-ONLY COPY).

The authoritative reference and input builder live on the scoring server;
editing this copy changes nothing except your own understanding.
"""

import jax, jax.numpy as jnp
import numpy as np

K_PATCHES = 5000


def setup_inputs(seed: int = 0) -> dict:
    key = jax.random.key(seed)
    ks = jax.random.split(key, 6)
    B, H, W = 4, 512, 512
    src = jax.random.normal(ks[0], (B, 3, H, W), dtype=jnp.float32)
    bck = jax.random.normal(ks[1], (B, 3, H, W), dtype=jnp.float32)
    alp = jax.random.uniform(ks[2], (B, 1, H, W), dtype=jnp.float32)
    fgr = jax.random.normal(ks[3], (B, 3, H, W), dtype=jnp.float32)
    err = jax.random.uniform(ks[4], (B, 1, H, W), dtype=jnp.float32)
    hid = jax.random.normal(ks[5], (B, 32, H // 2, W // 2), dtype=jnp.float32)
    return {"src": src, "bck": bck, "alp": alp, "fgr": fgr, "err": err, "hid": hid}


def _resize_bilinear(x, out_hw):
    # matches F.interpolate(mode='bilinear', align_corners=False)
    B, C, H, W = x.shape
    return jax.image.resize(x, (B, C, out_hw[0], out_hw[1]), method='linear', antialias=False)


def _select_pixel_to_refine(err_q, k):
    b, _, err_h, err_w = err_q.shape
    flat = err_q.reshape(b, -1)
    _, indices = jax.lax.top_k(flat, k)  # topk over flattened error map, per batch
    selected = jnp.zeros_like(flat)
    batch_idx = jnp.arange(b)[:, None]
    selected = selected.at[batch_idx, indices].set(1.0)  # scatter-overwrite of 1.0
    return selected.reshape(b, 1, err_h, err_w)


def reference(src, bck, alp, fgr, err, hid):
    H_full = src.shape[2]
    W_full = src.shape[3]
    H_quat = H_full // 4
    W_quat = W_full // 4
    # step 1: resize error map to quarter resolution (bilinear, align_corners=False)
    err_q = _resize_bilinear(err, (H_quat, W_quat))
    # step 2: select top-k pixels to refine -> binary selection map
    selected = _select_pixel_to_refine(err_q, K_PATCHES)
    return selected

if __name__ == "__main__":
    import jax
    _d = setup_inputs()
    print(jax.jit(kernel)(*tuple(_d.values())))

</pallas_src>

<mosaic_0001>
#map = affine_map<(d0, d1) -> (0, 0, 0)>
#map1 = affine_map<(d0, d1) -> (0, 0, 0, 0)>
module attributes {stable_mosaic.version = 14 : i64} {
  func.func @_mask_kernel(%arg0: i32, %arg1: i32, %arg2: memref<4x512x512xf32, #tpu.memory_space<hbm>>, %arg3: memref<4x1x128x128xf32, #tpu.memory_space<hbm>>, %arg4: memref<256x128xf32, #tpu.memory_space<vmem>>, %arg5: memref<2048xi32, #tpu.memory_space<vmem>>, %arg6: memref<2064xi32, #tpu.memory_space<vmem>>, %arg7: memref<288xi32, #tpu.memory_space<vmem>>, %arg8: memref<16x128xf32, #tpu.memory_space<vmem>>, %arg9: memref<128xi32, #tpu.memory_space<vmem>>, %arg10: memref<8x128xi32, #tpu.memory_space<vmem>>, %arg11: memref<2x16x128xi32, #tpu.memory_space<vmem_shared>>, %arg12: memref<!tpu.dma_semaphore, #tpu.memory_space<semaphore_mem>>) attributes {dimension_semantics = [#tpu.dimension_semantics<core_parallel>, #tpu.dimension_semantics<subcore_parallel>], iteration_bounds = array<i64: 2, 16>, scalar_prefetch = 0 : i64, scratch_operands = 9 : i64, tpu.core_type = #tpu.core_type<sc_vector_subcore>, window_params = [{transform_indices = #map}, {transform_indices = #map1}]} {
    %mul3A = arith.constant 2 : i32
    %mul3A_0 = arith.muli %arg0, %mul3A : i32
    %jit3A = arith.constant 8 : i32
    %div3A = arith.divsi %arg1, %jit3A : i32
    %sign3A = arith.constant 0 : i32
    %sign3A_1 = arith.cmpi sgt, %arg1, %sign3A : i32
    %sign3A_2 = arith.extui %sign3A_1 : i1 to i32
    %sign3A_3 = arith.constant 0 : i32
    %sign3A_4 = arith.cmpi slt, %arg1, %sign3A_3 : i32
    %sign3A_5 = arith.extui %sign3A_4 : i1 to i32
    %sign3A_6 = arith.subi %sign3A_2, %sign3A_5 : i32
    %sign3A_7 = arith.constant 0 : i32
    %sign3A_8 = arith.cmpi sgt, %jit3A, %sign3A_7 : i32
    %sign3A_9 = arith.extui %sign3A_8 : i1 to i32
    %sign3A_10 = arith.constant 0 : i32
    %sign3A_11 = arith.cmpi slt, %jit3A, %sign3A_10 : i32
    %sign3A_12 = arith.extui %sign3A_11 : i1 to i32
    %sign3A_13 = arith.subi %sign3A_9, %sign3A_12 : i32
    %ne3A = arith.cmpi ne, %sign3A_6, %sign3A_13 : i32
    %rem3A = arith.remsi %arg1, %jit3A : i32
    %ne3A_14 = arith.constant 0 : i32
    %ne3A_15 = arith.cmpi ne, %rem3A, %ne3A_14 : i32
    %and3A = arith.andi %ne3A, %ne3A_15 : i1
    %sub3A = arith.constant 1 : i32
    %sub3A_16 = arith.subi %div3A, %sub3A : i32
    %select_n3A = arith.select %and3A, %sub3A_16, %div3A : i32
    %add3A = arith.addi %mul3A_0, %select_n3A : i32
    %jit3A_17 = arith.constant 8 : i32
    %eq3A = arith.constant 0 : i32
    %eq3A_18 = arith.cmpi eq, %jit3A_17, %eq3A : i32
    %jit3A_19 = arith.constant 1 : i32
    %select_n3A_20 = arith.select %eq3A_18, %jit3A_19, %jit3A_17 : i32
    %rem3A_21 = arith.remsi %arg1, %select_n3A_20 : i32
    %ne3A_22 = arith.constant 0 : i32
    %ne3A_23 = arith.cmpi ne, %rem3A_21, %ne3A_22 : i32
    %lt3A = arith.constant 0 : i32
    %lt3A_24 = arith.cmpi slt, %rem3A_21, %lt3A : i32
    %lt3A_25 = arith.constant 0 : i32
    %lt3A_26 = arith.cmpi slt, %select_n3A_20, %lt3A_25 : i32
    %ne3A_27 = arith.xori %lt3A_24, %lt3A_26 : i1
    %and3A_28 = arith.andi %ne3A_27, %ne3A_23 : i1
    %add3A_29 = arith.addi %rem3A_21, %select_n3A_20 : i32
    %select_n3A_30 = arith.select %and3A_28, %add3A_29, %rem3A_21 : i32
    %jit3A_31 = arith.constant 8 : i32
    %div3A_32 = arith.divsi %arg1, %jit3A_31 : i32
    %sign3A_33 = arith.constant 0 : i32
    %sign3A_34 = arith.cmpi sgt, %arg1, %sign3A_33 : i32
    %sign3A_35 = arith.extui %sign3A_34 : i1 to i32
    %sign3A_36 = arith.constant 0 : i32
    %sign3A_37 = arith.cmpi slt, %arg1, %sign3A_36 : i32
    %sign3A_38 = arith.extui %sign3A_37 : i1 to i32
    %sign3A_39 = arith.subi %sign3A_35, %sign3A_38 : i32
    %sign3A_40 = arith.constant 0 : i32
    %sign3A_41 = arith.cmpi sgt, %jit3A_31, %sign3A_40 : i32
    %sign3A_42 = arith.extui %sign3A_41 : i1 to i32
    %sign3A_43 = arith.constant 0 : i32
    %sign3A_44 = arith.cmpi slt, %jit3A_31, %sign3A_43 : i32
    %sign3A_45 = arith.extui %sign3A_44 : i1 to i32
    %sign3A_46 = arith.subi %sign3A_42, %sign3A_45 : i32
    %ne3A_47 = arith.cmpi ne, %sign3A_39, %sign3A_46 : i32
    %rem3A_48 = arith.remsi %arg1, %jit3A_31 : i32
    %ne3A_49 = arith.constant 0 : i32
    %ne3A_50 = arith.cmpi ne, %rem3A_48, %ne3A_49 : i32
    %and3A_51 = arith.andi %ne3A_47, %ne3A_50 : i1
    %sub3A_52 = arith.constant 1 : i32
    %sub3A_53 = arith.subi %div3A_32, %sub3A_52 : i32
    %select_n3A_54 = arith.select %and3A_51, %sub3A_53, %div3A_32 : i32
    %mul3A_55 = arith.constant 8 : i32
    %mul3A_56 = arith.muli %select_n3A_54, %mul3A_55 : i32
    %iota3A = tpu.iota {dimensions = array<i32: 0>} : vector<16xi32>
    %mul3A_57 = arith.constant 4 : i32
    %mul3A_58 = vector.broadcast %mul3A_57 : i32 to vector<16xi32>
    %mul3A_59 = arith.muli %iota3A, %mul3A_58 : vector<16xi32>
    %broadcast_in_dim3A = arith.constant 0 : i32
    %broadcast_in_dim3A_60 = vector.broadcast %broadcast_in_dim3A : i32 to vector<16xi32>
    %broadcast_in_dim3A_61 = arith.constant 1 : i32
    %broadcast_in_dim3A_62 = vector.broadcast %broadcast_in_dim3A_61 : i32 to vector<16xi32>
    %mul3A_63 = arith.constant 4 : i32
    %mul3A_64 = arith.muli %select_n3A_30, %mul3A_63 : i32
    %mul3A_65 = arith.constant 16 : i32
    %mul3A_66 = arith.muli %mul3A_64, %mul3A_65 : i32
    %add3A_67 = arith.constant 0 : i32
    %add3A_68 = arith.addi %mul3A_66, %add3A_67 : i32
    %dma_start3A = arith.constant 0 : i32
    %dma_start3A_69 = arith.constant 0 : i32
    %dma_start3A_70 = tpu.memref_slice %arg4[%dma_start3A, %dma_start3A_69] : memref<256x128xf32, #tpu.memory_space<vmem>> -> memref<8x128xf32, #tpu.memory_space<vmem>>
    %dma_start3A_71 = arith.constant 0 : i32
    %dma_start3A_72 = tpu.memref_slice %arg2[%add3A, %add3A_68, %dma_start3A_71] : memref<4x512x512xf32, #tpu.memory_space<hbm>> -> memref<1x8x128xf32, #tpu.memory_space<hbm>>
    %dma_start3A_73 = tpu.memref_squeeze %dma_start3A_72 : memref<1x8x128xf32, #tpu.memory_space<hbm>> -> memref<8x128xf32, #tpu.memory_space<hbm>>
    %dma_start3A_74 = arith.constant 0 : i32
    %dma_start3A_75 = arith.constant 0 : i32
    %dma_start3A_76 = tpu.memref_slice %arg4[%dma_start3A_74, %dma_start3A_75] : memref<256x128xf32, #tpu.memory_space<vmem>> -> memref<8x128xf32, #tpu.memory_space<vmem>>
    %dma_start3A_77 = arith.constant 0 : i32
    %dma_start3A_78 = tpu.memref_slice %arg2[%add3A, %add3A_68, %dma_start3A_77] : memref<4x512x512xf32, #tpu.memory_space<hbm>> -> memref<1x8x128xf32, #tpu.memory_space<hbm>>
    %dma_start3A_79 = tpu.memref_squeeze %dma_start3A_78 : memref<1x8x128xf32, #tpu.memory_space<hbm>> -> memref<8x128xf32, #tpu.memory_space<hbm>>
    tpu.enqueue_dma source(%dma_start3A_79 : memref<8x128xf32, #tpu.memory_space<hbm>>) target(%dma_start3A_76 : memref<8x128xf32, #tpu.memory_space<vmem>>) target_semaphore(%arg12 : memref<!tpu.dma_semaphore, #tpu.memory_space<semaphore_mem>>)
    %mul3A_80 = arith.constant 4 : i32
    %mul3A_81 = arith.muli %select_n3A_30, %mul3A_80 : i32
    %mul3A_82 = arith.constant 16 : i32
    %mul3A_83 = arith.muli %mul3A_81, %mul3A_82 : i32
    %add3A_84 = arith.constant 0 : i32
    %add3A_85 = arith.addi %mul3A_83, %add3A_84 : i32
    %dma_start3A_86 = arith.constant 8 : i32
    %dma_start3A_87 = arith.constant 0 : i32
    %dma_start3A_88 = tpu.memref_slice %arg4[%dma_start3A_86, %dma_start3A_87] : memref<256x128xf32, #tpu.memory_space<vmem>> -> memref<8x128xf32, #tpu.memory_space<vmem>>
    %dma_start3A_89 = arith.constant 128 : i32
    %dma_start3A_90 = tpu.memref_slice %arg2[%add3A, %add3A_85, %dma_start3A_89] : memref<4x512x512xf32, #tpu.memory_space<hbm>> -> memref<1x8x128xf32, #tpu.memory_space<hbm>>
    %dma_start3A_91 = tpu.memref_squeeze %dma_start3A_90 : memref<1x8x128xf32, #tpu.memory_space<hbm>> -> memref<8x128xf32, #tpu.memory_space<hbm>>
    %dma_start3A_92 = arith.constant 8 : i32
    %dma_start3A_93 = arith.constant 0 : i32
    %dma_start3A_94 = tpu.memref_slice %arg4[%dma_start3A_92, %dma_start3A_93] : memref<256x128xf32, #tpu.memory_space<vmem>> -> memref<8x128xf32, #tpu.memory_space<vmem>>
    %dma_start3A_95 = arith.constant 128 : i32
    %dma_start3A_96 = tpu.memref_slice %arg2[%add3A, %add3A_85, %dma_start3A_95] : memref<4x512x512xf32, #tpu.memory_space<hbm>> -> memref<1x8x128xf32, #tpu.memory_space<hbm>>
    %dma_start3A_97 = tpu.memref_squeeze %dma_start3A_96 : memref<1x8x128xf32, #tpu.memory_space<hbm>> -> memref<8x128xf32, #tpu.memory_space<hbm>>
    tpu.enqueue_dma source(%dma_start3A_97 : memref<8x128xf32, #tpu.memory_space<hbm>>) target(%dma_start3A_94 : memref<8x128xf32, #tpu.memory_space<vmem>>) target_semaphore(%arg12 : memref<!tpu.dma_semaphore, #tpu.memory_space<semaphore_mem>>)
    %mul3A_98 = arith.constant 4 : i32
    %mul3A_99 = arith.muli %select_n3A_30, %mul3A_98 : i32
    %mul3A_100 = arith.constant 16 : i32
    %mul3A_101 = arith.muli %mul3A_99, %mul3A_100 : i32
    %add3A_102 = arith.constant 0 : i32
    %add3A_103 = arith.addi %mul3A_101, %add3A_102 : i32
    %dma_start3A_104 = arith.constant 16 : i32
    %dma_start3A_105 = arith.constant 0 : i32
    %dma_start3A_106 = tpu.memref_slice %arg4[%dma_start3A_104, %dma_start3A_105] : memref<256x128xf32, #tpu.memory_space<vmem>> -> memref<8x128xf32, #tpu.memory_space<vmem>>
    %dma_start3A_107 = arith.constant 256 : i32
    %dma_start3A_108 = tpu.memref_slice %arg2[%add3A, %add3A_103, %dma_start3A_107] : memref<4x512x512xf32, #tpu.memory_space<hbm>> -> memref<1x8x128xf32, #tpu.memory_space<hbm>>
    %dma_start3A_109 = tpu.memref_squeeze %dma_start3A_108 : memref<1x8x128xf32, #tpu.memory_space<hbm>> -> memref<8x128xf32, #tpu.memory_space<hbm>>
    %dma_start3A_110 = arith.constant 16 : i32
    %dma_start3A_111 = arith.constant 0 : i32
    %dma_start3A_112 = tpu.memref_slice %arg4[%dma_start3A_110, %dma_start3A_111] : memref<256x128xf32, #tpu.memory_space<vmem>> -> memref<8x128xf32, #tpu.memory_space<vmem>>
    %dma_start3A_113 = arith.constant 256 : i32
    %dma_start3A_114 = tpu.memref_slice %arg2[%add3A, %add3A_103, %dma_start3A_113] : memref<4x512x512xf32, #tpu.memory_space<hbm>> -> memref<1x8x128xf32, #tpu.memory_space<hbm>>
    %dma_start3A_115 = tpu.memref_squeeze %dma_start3A_114 : memref<1x8x128xf32, #tpu.memory_space<hbm>> -> memref<8x128xf32, #tpu.memory_space<hbm>>
    tpu.enqueue_dma source(%dma_start3A_115 : memref<8x128xf32, #tpu.memory_space<hbm>>) target(%dma_start3A_112 : memref<8x128xf32, #tpu.memory_space<vmem>>) target_semaphore(%arg12 : memref<!tpu.dma_semaphore, #tpu.memory_space<semaphore_mem>>)
    %mul3A_116 = arith.constant 4 : i32
    %mul3A_117 = arith.muli %select_n3A_30, %mul3A_116 : i32
    %mul3A_118 = arith.constant 16 : i32
    %mul3A_119 = arith.muli %mul3A_117, %mul3A_118 : i32
    %add3A_120 = arith.constant 0 : i32
    %add3A_121 = arith.addi %mul3A_119, %add3A_120 : i32
    %dma_start3A_122 = arith.constant 24 : i32
    %dma_start3A_123 = arith.constant 0 : i32
    %dma_start3A_124 = tpu.memref_slice %arg4[%dma_start3A_122, %dma_start3A_123] : memref<256x128xf32, #tpu.memory_space<vmem>> -> memref<8x128xf32, #tpu.memory_space<vmem>>
    %dma_start3A_125 = arith.constant 384 : i32
    %dma_start3A_126 = tpu.memref_slice %arg2[%add3A, %add3A_121, %dma_start3A_125] : memref<4x512x512xf32, #tpu.memory_space<hbm>> -> memref<1x8x128xf32, #tpu.memory_space<hbm>>
    %dma_start3A_127 = tpu.memref_squeeze %dma_start3A_126 : memref<1x8x128xf32, #tpu.memory_space<hbm>> -> memref<8x128xf32, #tpu.memory_space<hbm>>
    %dma_start3A_128 = arith.constant 24 : i32
    %dma_start3A_129 = arith.constant 0 : i32
    %dma_start3A_130 = tpu.memref_slice %arg4[%dma_start3A_128, %dma_start3A_129] : memref<256x128xf32, #tpu.memory_space<vmem>> -> memref<8x128xf32, #tpu.memory_space<vmem>>
    %dma_start3A_131 = arith.constant 384 : i32
    %dma_start3A_132 = tpu.memref_slice %arg2[%add3A, %add3A_121, %dma_start3A_131] : memref<4x512x512xf32, #tpu.memory_space<hbm>> -> memref<1x8x128xf32, #tpu.memory_space<hbm>>
    %dma_start3A_133 = tpu.memref_squeeze %dma_start3A_132 : memref<1x8x128xf32, #tpu.memory_space<hbm>> -> memref<8x128xf32, #tpu.memory_space<hbm>>
    tpu.enqueue_dma source(%dma_start3A_133 : memref<8x128xf32, #tpu.memory_space<hbm>>) target(%dma_start3A_130 : memref<8x128xf32, #tpu.memory_space<vmem>>) target_semaphore(%arg12 : memref<!tpu.dma_semaphore, #tpu.memory_space<semaphore_mem>>)
    %mul3A_134 = arith.constant 4 : i32
    %mul3A_135 = arith.muli %select_n3A_30, %mul3A_134 : i32
    %mul3A_136 = arith.constant 16 : i32
    %mul3A_137 = arith.muli %mul3A_135, %mul3A_136 : i32
    %add3A_138 = arith.constant 8 : i32
    %add3A_139 = arith.addi %mul3A_137, %add3A_138 : i32
    %dma_start3A_140 = arith.constant 32 : i32
    %dma_start3A_141 = arith.constant 0 : i32
    %dma_start3A_142 = tpu.memref_slice %arg4[%dma_start3A_140, %dma_start3A_141] : memref<256x128xf32, #tpu.memory_space<vmem>> -> memref<8x128xf32, #tpu.memory_space<vmem>>
    %dma_start3A_143 = arith.constant 0 : i32
    %dma_start3A_144 = tpu.memref_slice %arg2[%add3A, %add3A_139, %dma_start3A_143] : memref<4x512x512xf32, #tpu.memory_space<hbm>> -> memref<1x8x128xf32, #tpu.memory_space<hbm>>
    %dma_start3A_145 = tpu.memref_squeeze %dma_start3A_144 : memref<1x8x128xf32, #tpu.memory_space<hbm>> -> memref<8x128xf32, #tpu.memory_space<hbm>>
    %dma_start3A_146 = arith.constant 32 : i32
    %dma_start3A_147 = arith.constant 0 : i32
    %dma_start3A_148 = tpu.memref_slice %arg4[%dma_start3A_146, %dma_start3A_147] : memref<256x128xf32, #tpu.memory_space<vmem>> -> memref<8x128xf32, #tpu.memory_space<vmem>>
    %dma_start3A_149 = arith.constant 0 : i32
    %dma_start3A_150 = tpu.memref_slice %arg2[%add3A, %add3A_139, %dma_start3A_149] : memref<4x512x512xf32, #tpu.memory_space<hbm>> -> memref<1x8x128xf32, #tpu.memory_space<hbm>>
    %dma_start3A_151 = tpu.memref_squeeze %dma_start3A_150 : memref<1x8x128xf32, #tpu.memory_space<hbm>> -> memref<8x128xf32, #tpu.memory_space<hbm>>
    tpu.enqueue_dma source(%dma_start3A_151 : memref<8x128xf32, #tpu.memory_space<hbm>>) target(%dma_start3A_148 : memref<8x128xf32, #tpu.memory_space<vmem>>) target_semaphore(%arg12 : memref<!tpu.dma_semaphore, #tpu.memory_space<semaphore_mem>>)
    %mul3A_152 = arith.constant 4 : i32
    %mul3A_153 = arith.muli %select_n3A_30, %mul3A_152 : i32
    %mul3A_154 = arith.constant 16 : i32
    %mul3A_155 = arith.muli %mul3A_153, %mul3A_154 : i32
    %add3A_156 = arith.constant 8 : i32
    %add3A_157 = arith.addi %mul3A_155, %add3A_156 : i32
    %dma_start3A_158 = arith.constant 40 : i32
    %dma_start3A_159 = arith.constant 0 : i32
    %dma_start3A_160 = tpu.memref_slice %arg4[%dma_start3A_158, %dma_start3A_159] : memref<256x128xf32, #tpu.memory_space<vmem>> -> memref<8x128xf32, #tpu.memory_space<vmem>>
    %dma_start3A_161 = arith.constant 128 : i32
    %dma_start3A_162 = tpu.memref_slice %arg2[%add3A, %add3A_157, %dma_start3A_161] : memref<4x512x512xf32, #tpu.memory_space<hbm>> -> memref<1x8x128xf32, #tpu.memory_space<hbm>>
    %dma_start3A_163 = tpu.memref_squeeze %dma_start3A_162 : memref<1x8x128xf32, #tpu.memory_space<hbm>> -> memref<8x128xf32, #tpu.memory_space<hbm>>
    %dma_start3A_164 = arith.constant 40 : i32
    %dma_start3A_165 = arith.constant 0 : i32
    %dma_start3A_166 = tpu.memref_slice %arg4[%dma_start3A_164, %dma_start3A_165] : memref<256x128xf32, #tpu.memory_space<vmem>> -> memref<8x128xf32, #tpu.memory_space<vmem>>
    %dma_start3A_167 = arith.constant 128 : i32
    %dma_start3A_168 = tpu.memref_slice %arg2[%add3A, %add3A_157, %dma_start3A_167] : memref<4x512x512xf32, #tpu.memory_space<hbm>> -> memref<1x8x128xf32, #tpu.memory_space<hbm>>
    %dma_start3A_169 = tpu.memref_squeeze %dma_start3A_168 : memref<1x8x128xf32, #tpu.memory_space<hbm>> -> memref<8x128xf32, #tpu.memory_space<hbm>>
    tpu.enqueue_dma source(%dma_start3A_169 : memref<8x128xf32, #tpu.memory_space<hbm>>) target(%dma_start3A_166 : memref<8x128xf32, #tpu.memory_space<vmem>>) target_semaphore(%arg12 : memref<!tpu.dma_semaphore, #tpu.memory_space<semaphore_mem>>)
    %mul3A_170 = arith.constant 4 : i32
    %mul3A_171 = arith.muli %select_n3A_30, %mul3A_170 : i32
    %mul3A_172 = arith.constant 16 : i32
    %mul3A_173 = arith.muli %mul3A_171, %mul3A_172 : i32
    %add3A_174 = arith.constant 8 : i32
    %add3A_175 = arith.addi %mul3A_173, %add3A_174 : i32
    %dma_start3A_176 = arith.constant 48 : i32
    %dma_start3A_177 = arith.constant 0 : i32
    %dma_start3A_178 = tpu.memref_slice %arg4[%dma_start3A_176, %dma_start3A_177] : memref<256x128xf32, #tpu.memory_space<vmem>> -> memref<8x128xf32, #tpu.memory_space<vmem>>
    %dma_start3A_179 = arith.constant 256 : i32
    %dma_start3A_180 = tpu.memref_slice %arg2[%add3A, %add3A_175, %dma_start3A_179] : memref<4x512x512xf32, #tpu.memory_space<hbm>> -> memref<1x8x128xf32, #tpu.memory_space<hbm>>
    %dma_start3A_181 = tpu.memref_squeeze %dma_start3A_180 : memref<1x8x128xf32, #tpu.memory_space<hbm>> -> memref<8x128xf32, #tpu.memory_space<hbm>>
    %dma_start3A_182 = arith.constant 48 : i32
    %dma_start3A_183 = arith.constant 0 : i32
    %dma_start3A_184 = tpu.memref_slice %arg4[%dma_start3A_182, %dma_start3A_183] : memref<256x128xf32, #tpu.memory_space<vmem>> -> memref<8x128xf32, #tpu.memory_space<vmem>>
    %dma_start3A_185 = arith.constant 256 : i32
    %dma_start3A_186 = tpu.memref_slice %arg2[%add3A, %add3A_175, %dma_start3A_185] : memref<4x512x512xf32, #tpu.memory_space<hbm>> -> memref<1x8x128xf32, #tpu.memory_space<hbm>>
    %dma_start3A_187 = tpu.memref_squeeze %dma_start3A_186 : memref<1x8x128xf32, #tpu.memory_space<hbm>> -> memref<8x128xf32, #tpu.memory_space<hbm>>
    tpu.enqueue_dma source(%dma_start3A_187 : memref<8x128xf32, #tpu.memory_space<hbm>>) target(%dma_start3A_184 : memref<8x128xf32, #tpu.memory_space<vmem>>) target_semaphore(%arg12 : memref<!tpu.dma_semaphore, #tpu.memory_space<semaphore_mem>>)
    %mul3A_188 = arith.constant 4 : i32
    %mul3A_189 = arith.muli %select_n3A_30, %mul3A_188 : i32
    %mul3A_190 = arith.constant 16 : i32
    %mul3A_191 = arith.muli %mul3A_189, %mul3A_190 : i32
    %add3A_192 = arith.constant 8 : i32
    %add3A_193 = arith.addi %mul3A_191, %add3A_192 : i32
    %dma_start3A_194 = arith.constant 56 : i32
    %dma_start3A_195 = arith.constant 0 : i32
    %dma_start3A_196 = tpu.memref_slice %arg4[%dma_start3A_194, %dma_start3A_195] : memref<256x128xf32, #tpu.memory_space<vmem>> -> memref<8x128xf32, #tpu.memory_space<vmem>>
    %dma_start3A_197 = arith.constant 384 : i32
    %dma_start3A_198 = tpu.memref_slice %arg2[%add3A, %add3A_193, %dma_start3A_197] : memref<4x512x512xf32, #tpu.memory_space<hbm>> -> memref<1x8x128xf32, #tpu.memory_space<hbm>>
    %dma_start3A_199 = tpu.memref_squeeze %dma_start3A_198 : memref<1x8x128xf32, #tpu.memory_space<hbm>> -> memref<8x128xf32, #tpu.memory_space<hbm>>
    %dma_start3A_200 = arith.constant 56 : i32
    %dma_start3A_201 = arith.constant 0 : i32
    %dma_start3A_202 = tpu.memref_slice %arg4[%dma_start3A_200, %dma_start3A_201] : memref<256x128xf32, #tpu.memory_space<vmem>> -> memref<8x128xf32, #tpu.memory_space<vmem>>
    %dma_start3A_203 = arith.constant 384 : i32
    %dma_start3A_204 = tpu.memref_slice %arg2[%add3A, %add3A_193, %dma_start3A_203] : memref<4x512x512xf32, #tpu.memory_space<hbm>> -> memref<1x8x128xf32, #tpu.memory_space<hbm>>
    %dma_start3A_205 = tpu.memref_squeeze %dma_start3A_204 : memref<1x8x128xf32, #tpu.memory_space<hbm>> -> memref<8x128xf32, #tpu.memory_space<hbm>>
    tpu.enqueue_dma source(%dma_start3A_205 : memref<8x128xf32, #tpu.memory_space<hbm>>) target(%dma_start3A_202 : memref<8x128xf32, #tpu.memory_space<vmem>>) target_semaphore(%arg12 : memref<!tpu.dma_semaphore, #tpu.memory_space<semaphore_mem>>)
    %mul3A_206 = arith.constant 4 : i32
    %mul3A_207 = arith.muli %select_n3A_30, %mul3A_206 : i32
    %mul3A_208 = arith.constant 16 : i32
    %mul3A_209 = arith.muli %mul3A_207, %mul3A_208 : i32
    %add3A_210 = arith.constant 16 : i32
    %add3A_211 = arith.addi %mul3A_209, %add3A_210 : i32
    %dma_start3A_212 = arith.constant 64 : i32
    %dma_start3A_213 = arith.constant 0 : i32
    %dma_start3A_214 = tpu.memref_slice %arg4[%dma_start3A_212, %dma_start3A_213] : memref<256x128xf32, #tpu.memory_space<vmem>> -> memref<8x128xf32, #tpu.memory_space<vmem>>
    %dma_start3A_215 = arith.constant 0 : i32
    %dma_start3A_216 = tpu.memref_slice %arg2[%add3A, %add3A_211, %dma_start3A_215] : memref<4x512x512xf32, #tpu.memory_space<hbm>> -> memref<1x8x128xf32, #tpu.memory_space<hbm>>
    %dma_start3A_217 = tpu.memref_squeeze %dma_start3A_216 : memref<1x8x128xf32, #tpu.memory_space<hbm>> -> memref<8x128xf32, #tpu.memory_space<hbm>>
    %dma_start3A_218 = arith.constant 64 : i32
    %dma_start3A_219 = arith.constant 0 : i32
    %dma_start3A_220 = tpu.memref_slice %arg4[%dma_start3A_218, %dma_start3A_219] : memref<256x128xf32, #tpu.memory_space<vmem>> -> memref<8x128xf32, #tpu.memory_space<vmem>>
    %dma_start3A_221 = arith.constant 0 : i32
    %dma_start3A_222 = tpu.memref_slice %arg2[%add3A, %add3A_211, %dma_start3A_221] : memref<4x512x512xf32, #tpu.memory_space<hbm>> -> memref<1x8x128xf32, #tpu.memory_space<hbm>>
    %dma_start3A_223 = tpu.memref_squeeze %dma_start3A_222 : memref<1x8x128xf32, #tpu.memory_space<hbm>> -> memref<8x128xf32, #tpu.memory_space<hbm>>
    tpu.enqueue_dma source(%dma_start3A_223 : memref<8x128xf32, #tpu.memory_space<hbm>>) target(%dma_start3A_220 : memref<8x128xf32, #tpu.memory_space<vmem>>) target_semaphore(%arg12 : memref<!tpu.dma_semaphore, #tpu.memory_space<semaphore_mem>>)
    %mul3A_224 = arith.constant 4 : i32
    %mul3A_225 = arith.muli %select_n3A_30, %mul3A_224 : i32
    %mul3A_226 = arith.constant 16 : i32
    %mul3A_227 = arith.muli %mul3A_225, %mul3A_226 : i32
    %add3A_228 = arith.constant 16 : i32
    %add3A_229 = arith.addi %mul3A_227, %add3A_228 : i32
    %dma_start3A_230 = arith.constant 72 : i32
    %dma_start3A_231 = arith.constant 0 : i32
    %dma_start3A_232 = tpu.memref_slice %arg4[%dma_start3A_230, %dma_start3A_231] : memref<256x128xf32, #tpu.memory_space<vmem>> -> memref<8x128xf32, #tpu.memory_space<vmem>>
    %dma_start3A_233 = arith.constant 128 : i32
    %dma_start3A_234 = tpu.memref_slice %arg2[%add3A, %add3A_229, %dma_start3A_233] : memref<4x512x512xf32, #tpu.memory_space<hbm>> -> memref<1x8x128xf32, #tpu.memory_space<hbm>>
    %dma_start3A_235 = tpu.memref_squeeze %dma_start3A_234 : memref<1x8x128xf32, #tpu.memory_space<hbm>> -> memref<8x128xf32, #tpu.memory_space<hbm>>
    %dma_start3A_236 = arith.constant 72 : i32
    %dma_start3A_237 = arith.constant 0 : i32
    %dma_start3A_238 = tpu.memref_slice %arg4[%dma_start3A_236, %dma_start3A_237] : memref<256x128xf32, #tpu.memory_space<vmem>> -> memref<8x128xf32, #tpu.memory_space<vmem>>
    %dma_start3A_239 = arith.constant 128 : i32
    %dma_start3A_240 = tpu.memref_slice %arg2[%add3A, %add3A_229, %dma_start3A_239] : memref<4x512x512xf32, #tpu.memory_space<hbm>> -> memref<1x8x128xf32, #tpu.memory_space<hbm>>
    %dma_start3A_241 = tpu.memref_squeeze %dma_start3A_240 : memref<1x8x128xf32, #tpu.memory_space<hbm>> -> memref<8x128xf32, #tpu.memory_space<hbm>>
    tpu.enqueue_dma source(%dma_start3A_241 : memref<8x128xf32, #tpu.memory_space<hbm>>) target(%dma_start3A_238 : memref<8x128xf32, #tpu.memory_space<vmem>>) target_semaphore(%arg12 : memref<!tpu.dma_semaphore, #tpu.memory_space<semaphore_mem>>)
    %mul3A_242 = arith.constant 4 : i32
    %mul3A_243 = arith.muli %select_n3A_30, %mul3A_242 : i32
    %mul3A_244 = arith.constant 16 : i32
    %mul3A_245 = arith.muli %mul3A_243, %mul3A_244 : i32
    %add3A_246 = arith.constant 16 : i32
    %add3A_247 = arith.addi %mul3A_245, %add3A_246 : i32
    %dma_start3A_248 = arith.constant 80 : i32
    %dma_start3A_249 = arith.constant 0 : i32
    %dma_start3A_250 = tpu.memref_slice %arg4[%dma_start3A_248, %dma_start3A_249] : memref<256x128xf32, #tpu.memory_space<vmem>> -> memref<8x128xf32, #tpu.memory_space<vmem>>
    %dma_start3A_251 = arith.constant 256 : i32
    %dma_start3A_252 = tpu.memref_slice %arg2[%add3A, %add3A_247, %dma_start3A_251] : memref<4x512x512xf32, #tpu.memory_space<hbm>> -> memref<1x8x128xf32, #tpu.memory_space<hbm>>
    %dma_start3A_253 = tpu.memref_squeeze %dma_start3A_252 : memref<1x8x128xf32, #tpu.memory_space<hbm>> -> memref<8x128xf32, #tpu.memory_space<hbm>>
    %dma_start3A_254 = arith.constant 80 : i32
    %dma_start3A_255 = arith.constant 0 : i32
    %dma_start3A_256 = tpu.memref_slice %arg4[%dma_start3A_254, %dma_start3A_255] : memref<256x128xf32, #tpu.memory_space<vmem>> -> memref<8x128xf32, #tpu.memory_space<vmem>>
    %dma_start3A_257 = arith.constant 256 : i32
    %dma_start3A_258 = tpu.memref_slice %arg2[%add3A, %add3A_247, %dma_start3A_257] : memref<4x512x512xf32, #tpu.memory_space<hbm>> -> memref<1x8x128xf32, #tpu.memory_space<hbm>>
    %dma_start3A_259 = tpu.memref_squeeze %dma_start3A_258 : memref<1x8x128xf32, #tpu.memory_space<hbm>> -> memref<8x128xf32, #tpu.memory_space<hbm>>
    tpu.enqueue_dma source(%dma_start3A_259 : memref<8x128xf32, #tpu.memory_space<hbm>>) target(%dma_start3A_256 : memref<8x128xf32, #tpu.memory_space<vmem>>) target_semaphore(%arg12 : memref<!tpu.dma_semaphore, #tpu.memory_space<semaphore_mem>>)
    %mul3A_260 = arith.constant 4 : i32
    %mul3A_261 = arith.muli %select_n3A_30, %mul3A_260 : i32
    %mul3A_262 = arith.constant 16 : i32
    %mul3A_263 = arith.muli %mul3A_261, %mul3A_262 : i32
    %add3A_264 = arith.constant 16 : i32
    %add3A_265 = arith.addi %mul3A_263, %add3A_264 : i32
    %dma_start3A_266 = arith.constant 88 : i32
    %dma_start3A_267 = arith.constant 0 : i32
    %dma_start3A_268 = tpu.memref_slice %arg4[%dma_start3A_266, %dma_start3A_267] : memref<256x128xf32, #tpu.memory_space<vmem>> -> memref<8x128xf32, #tpu.memory_space<vmem>>
    %dma_start3A_269 = arith.constant 384 : i32
    %dma_start3A_270 = tpu.memref_slice %arg2[%add3A, %add3A_265, %dma_start3A_269] : memref<4x512x512xf32, #tpu.memory_space<hbm>> -> memref<1x8x128xf32, #tpu.memory_space<hbm>>
    %dma_start3A_271 = tpu.memref_squeeze %dma_start3A_270 : memref<1x8x128xf32, #tpu.memory_space<hbm>> -> memref<8x128xf32, #tpu.memory_space<hbm>>
    %dma_start3A_272 = arith.constant 88 : i32
    %dma_start3A_273 = arith.constant 0 : i32
    %dma_start3A_274 = tpu.memref_slice %arg4[%dma_start3A_272, %dma_start3A_273] : memref<256x128xf32, #tpu.memory_space<vmem>> -> memref<8x128xf32, #tpu.memory_space<vmem>>
    %dma_start3A_275 = arith.constant 384 : i32
    %dma_start3A_276 = tpu.memref_slice %arg2[%add3A, %add3A_265, %dma_start3A_275] : memref<4x512x512xf32, #tpu.memory_space<hbm>> -> memref<1x8x128xf32, #tpu.memory_space<hbm>>
    %dma_start3A_277 = tpu.memref_squeeze %dma_start3A_276 : memref<1x8x128xf32, #tpu.memory_space<hbm>> -> memref<8x128xf32, #tpu.memory_space<hbm>>
    tpu.enqueue_dma source(%dma_start3A_277 : memref<8x128xf32, #tpu.memory_space<hbm>>) target(%dma_start3A_274 : memref<8x128xf32, #tpu.memory_space<vmem>>) target_semaphore(%arg12 : memref<!tpu.dma_semaphore, #tpu.memory_space<semaphore_mem>>)
    %mul3A_278 = arith.constant 4 : i32
    %mul3A_279 = arith.muli %select_n3A_30, %mul3A_278 : i32
    %mul3A_280 = arith.constant 16 : i32
    %mul3A_281 = arith.muli %mul3A_279, %mul3A_280 : i32
    %add3A_282 = arith.constant 24 : i32
    %add3A_283 = arith.addi %mul3A_281, %add3A_282 : i32
    %dma_start3A_284 = arith.constant 96 : i32
    %dma_start3A_285 = arith.constant 0 : i32
    %dma_start3A_286 = tpu.memref_slice %arg4[%dma_start3A_284, %dma_start3A_285] : memref<256x128xf32, #tpu.memory_space<vmem>> -> memref<8x128xf32, #tpu.memory_space<vmem>>
    %dma_start3A_287 = arith.constant 0 : i32
    %dma_start3A_288 = tpu.memref_slice %arg2[%add3A, %add3A_283, %dma_start3A_287] : memref<4x512x512xf32, #tpu.memory_space<hbm>> -> memref<1x8x128xf32, #tpu.memory_space<hbm>>
    %dma_start3A_289 = tpu.memref_squeeze %dma_start3A_288 : memref<1x8x128xf32, #tpu.memory_space<hbm>> -> memref<8x128xf32, #tpu.memory_space<hbm>>
    %dma_start3A_290 = arith.constant 96 : i32
    %dma_start3A_291 = arith.constant 0 : i32
    %dma_start3A_292 = tpu.memref_slice %arg4[%dma_start3A_290, %dma_start3A_291] : memref<256x128xf32, #tpu.memory_space<vmem>> -> memref<8x128xf32, #tpu.memory_space<vmem>>
    %dma_start3A_293 = arith.constant 0 : i32
    %dma_start3A_294 = tpu.memref_slice %arg2[%add3A, %add3A_283, %dma_start3A_293] : memref<4x512x512xf32, #tpu.memory_space<hbm>> -> memref<1x8x128xf32, #tpu.memory_space<hbm>>
    %dma_start3A_295 = tpu.memref_squeeze %dma_start3A_294 : memref<1x8x128xf32, #tpu.memory_space<hbm>> -> memref<8x128xf32, #tpu.memory_space<hbm>>
    tpu.enqueue_dma source(%dma_start3A_295 : memref<8x128xf32, #tpu.memory_space<hbm>>) target(%dma_start3A_292 : memref<8x128xf32, #tpu.memory_space<vmem>>) target_semaphore(%arg12 : memref<!tpu.dma_semaphore, #tpu.memory_space<semaphore_mem>>)
    %mul3A_296 = arith.constant 4 : i32
    %mul3A_297 = arith.muli %select_n3A_30, %mul3A_296 : i32
    %mul3A_298 = arith.constant 16 : i32
    %mul3A_299 = arith.muli %mul3A_297, %mul3A_298 : i32
    %add3A_300 = arith.constant 24 : i32
    %add3A_301 = arith.addi %mul3A_299, %add3A_300 : i32
    %dma_start3A_302 = arith.constant 104 : i32
    %dma_start3A_303 = arith.constant 0 : i32
    %dma_start3A_304 = tpu.memref_slice %arg4[%dma_start3A_302, %dma_start3A_303] : memref<256x128xf32, #tpu.memory_space<vmem>> -> memref<8x128xf32, #tpu.memory_space<vmem>>
    %dma_start3A_305 = arith.constant 128 : i32
    %dma_start3A_306 = tpu.memref_slice %arg2[%add3A, %add3A_301, %dma_start3A_305] : memref<4x512x512xf32, #tpu.memory_space<hbm>> -> memref<1x8x128xf32, #tpu.memory_space<hbm>>
    %dma_start3A_307 = tpu.memref_squeeze %dma_start3A_306 : memref<1x8x128xf32, #tpu.memory_space<hbm>> -> memref<8x128xf32, #tpu.memory_space<hbm>>
    %dma_start3A_308 = arith.constant 104 : i32
    %dma_start3A_309 = arith.constant 0 : i32
    %dma_start3A_310 = tpu.memref_slice %arg4[%dma_start3A_308, %dma_start3A_309] : memref<256x128xf32, #tpu.memory_space<vmem>> -> memref<8x128xf32, #tpu.memory_space<vmem>>
    %dma_start3A_311 = arith.constant 128 : i32
    %dma_start3A_312 = tpu.memref_slice %arg2[%add3A, %add3A_301, %dma_start3A_311] : memref<4x512x512xf32, #tpu.memory_space<hbm>> -> memref<1x8x128xf32, #tpu.memory_space<hbm>>
    %dma_start3A_313 = tpu.memref_squeeze %dma_start3A_312 : memref<1x8x128xf32, #tpu.memory_space<hbm>> -> memref<8x128xf32, #tpu.memory_space<hbm>>
    tpu.enqueue_dma source(%dma_start3A_313 : memref<8x128xf32, #tpu.memory_space<hbm>>) target(%dma_start3A_310 : memref<8x128xf32, #tpu.memory_space<vmem>>) target_semaphore(%arg12 : memref<!tpu.dma_semaphore, #tpu.memory_space<semaphore_mem>>)
    %mul3A_314 = arith.constant 4 : i32
    %mul3A_315 = arith.muli %select_n3A_30, %mul3A_314 : i32
    %mul3A_316 = arith.constant 16 : i32
    %mul3A_317 = arith.muli %mul3A_315, %mul3A_316 : i32
    %add3A_318 = arith.constant 24 : i32
    %add3A_319 = arith.addi %mul3A_317, %add3A_318 : i32
    %dma_start3A_320 = arith.constant 112 : i32
    %dma_start3A_321 = arith.constant 0 : i32
    %dma_start3A_322 = tpu.memref_slice %arg4[%dma_start3A_320, %dma_start3A_321] : memref<256x128xf32, #tpu.memory_space<vmem>> -> memref<8x128xf32, #tpu.memory_space<vmem>>
    %dma_start3A_323 = arith.constant 256 : i32
    %dma_start3A_324 = tpu.memref_slice %arg2[%add3A, %add3A_319, %dma_start3A_323] : memref<4x512x512xf32, #tpu.memory_space<hbm>> -> memref<1x8x128xf32, #tpu.memory_space<hbm>>
    %dma_start3A_325 = tpu.memref_squeeze %dma_start3A_324 : memref<1x8x128xf32, #tpu.memory_space<hbm>> -> memref<8x128xf32, #tpu.memory_space<hbm>>
    %dma_start3A_326 = arith.constant 112 : i32
    %dma_start3A_327 = arith.constant 0 : i32
    %dma_start3A_328 = tpu.memref_slice %arg4[%dma_start3A_326, %dma_start3A_327] : memref<256x128xf32, #tpu.memory_space<vmem>> -> memref<8x128xf32, #tpu.memory_space<vmem>>
    %dma_start3A_329 = arith.constant 256 : i32
    %dma_start3A_330 = tpu.memref_slice %arg2[%add3A, %add3A_319, %dma_start3A_329] : memref<4x512x512xf32, #tpu.memory_space<hbm>> -> memref<1x8x128xf32, #tpu.memory_space<hbm>>
    %dma_start3A_331 = tpu.memref_squeeze %dma_start3A_330 : memref<1x8x128xf32, #tpu.memory_space<hbm>> -> memref<8x128xf32, #tpu.memory_space<hbm>>
    tpu.enqueue_dma source(%dma_start3A_331 : memref<8x128xf32, #tpu.memory_space<hbm>>) target(%dma_start3A_328 : memref<8x128xf32, #tpu.memory_space<vmem>>) target_semaphore(%arg12 : memref<!tpu.dma_semaphore, #tpu.memory_space<semaphore_mem>>)
    %mul3A_332 = arith.constant 4 : i32
    %mul3A_333 = arith.muli %select_n3A_30, %mul3A_332 : i32
    %mul3A_334 = arith.constant 16 : i32
    %mul3A_335 = arith.muli %mul3A_333, %mul3A_334 : i32
    %add3A_336 = arith.constant 24 : i32
    %add3A_337 = arith.addi %mul3A_335, %add3A_336 : i32
    %dma_start3A_338 = arith.constant 120 : i32
    %dma_start3A_339 = arith.constant 0 : i32
    %dma_start3A_340 = tpu.memref_slice %arg4[%dma_start3A_338, %dma_start3A_339] : memref<256x128xf32, #tpu.memory_space<vmem>> -> memref<8x128xf32, #tpu.memory_space<vmem>>
    %dma_start3A_341 = arith.constant 384 : i32
    %dma_start3A_342 = tpu.memref_slice %arg2[%add3A, %add3A_337, %dma_start3A_341] : memref<4x512x512xf32, #tpu.memory_space<hbm>> -> memref<1x8x128xf32, #tpu.memory_space<hbm>>
    %dma_start3A_343 = tpu.memref_squeeze %dma_start3A_342 : memref<1x8x128xf32, #tpu.memory_space<hbm>> -> memref<8x128xf32, #tpu.memory_space<hbm>>
    %dma_start3A_344 = arith.constant 120 : i32
    %dma_start3A_345 = arith.constant 0 : i32
    %dma_start3A_346 = tpu.memref_slice %arg4[%dma_start3A_344, %dma_start3A_345] : memref<256x128xf32, #tpu.memory_space<vmem>> -> memref<8x128xf32, #tpu.memory_space<vmem>>
    %dma_start3A_347 = arith.constant 384 : i32
    %dma_start3A_348 = tpu.memref_slice %arg2[%add3A, %add3A_337, %dma_start3A_347] : memref<4x512x512xf32, #tpu.memory_space<hbm>> -> memref<1x8x128xf32, #tpu.memory_space<hbm>>
    %dma_start3A_349 = tpu.memref_squeeze %dma_start3A_348 : memref<1x8x128xf32, #tpu.memory_space<hbm>> -> memref<8x128xf32, #tpu.memory_space<hbm>>
    tpu.enqueue_dma source(%dma_start3A_349 : memref<8x128xf32, #tpu.memory_space<hbm>>) target(%dma_start3A_346 : memref<8x128xf32, #tpu.memory_space<vmem>>) target_semaphore(%arg12 : memref<!tpu.dma_semaphore, #tpu.memory_space<semaphore_mem>>)
    %mul3A_350 = arith.constant 4 : i32
    %mul3A_351 = arith.muli %select_n3A_30, %mul3A_350 : i32
    %mul3A_352 = arith.constant 16 : i32
    %mul3A_353 = arith.muli %mul3A_351, %mul3A_352 : i32
    %add3A_354 = arith.constant 32 : i32
    %add3A_355 = arith.addi %mul3A_353, %add3A_354 : i32
    %dma_start3A_356 = arith.constant 128 : i32
    %dma_start3A_357 = arith.constant 0 : i32
    %dma_start3A_358 = tpu.memref_slice %arg4[%dma_start3A_356, %dma_start3A_357] : memref<256x128xf32, #tpu.memory_space<vmem>> -> memref<8x128xf32, #tpu.memory_space<vmem>>
    %dma_start3A_359 = arith.constant 0 : i32
    %dma_start3A_360 = tpu.memref_slice %arg2[%add3A, %add3A_355, %dma_start3A_359] : memref<4x512x512xf32, #tpu.memory_space<hbm>> -> memref<1x8x128xf32, #tpu.memory_space<hbm>>
    %dma_start3A_361 = tpu.memref_squeeze %dma_start3A_360 : memref<1x8x128xf32, #tpu.memory_space<hbm>> -> memref<8x128xf32, #tpu.memory_space<hbm>>
    %dma_start3A_362 = arith.constant 128 : i32
    %dma_start3A_363 = arith.constant 0 : i32
    %dma_start3A_364 = tpu.memref_slice %arg4[%dma_start3A_362, %dma_start3A_363] : memref<256x128xf32, #tpu.memory_space<vmem>> -> memref<8x128xf32, #tpu.memory_space<vmem>>
    %dma_start3A_365 = arith.constant 0 : i32
    %dma_start3A_366 = tpu.memref_slice %arg2[%add3A, %add3A_355, %dma_start3A_365] : memref<4x512x512xf32, #tpu.memory_space<hbm>> -> memref<1x8x128xf32, #tpu.memory_space<hbm>>
    %dma_start3A_367 = tpu.memref_squeeze %dma_start3A_366 : memref<1x8x128xf32, #tpu.memory_space<hbm>> -> memref<8x128xf32, #tpu.memory_space<hbm>>
    tpu.enqueue_dma source(%dma_start3A_367 : memref<8x128xf32, #tpu.memory_space<hbm>>) target(%dma_start3A_364 : memref<8x128xf32, #tpu.memory_space<vmem>>) target_semaphore(%arg12 : memref<!tpu.dma_semaphore, #tpu.memory_space<semaphore_mem>>)
    %mul3A_368 = arith.constant 4 : i32
    %mul3A_369 = arith.muli %select_n3A_30, %mul3A_368 : i32
    %mul3A_370 = arith.constant 16 : i32
    %mul3A_371 = arith.muli %mul3A_369, %mul3A_370 : i32
    %add3A_372 = arith.constant 32 : i32
    %add3A_373 = arith.addi %mul3A_371, %add3A_372 : i32
    %dma_start3A_374 = arith.constant 136 : i32
    %dma_start3A_375 = arith.constant 0 : i32
    %dma_start3A_376 = tpu.memref_slice %arg4[%dma_start3A_374, %dma_start3A_375] : memref<256x128xf32, #tpu.memory_space<vmem>> -> memref<8x128xf32, #tpu.memory_space<vmem>>
    %dma_start3A_377 = arith.constant 128 : i32
    %dma_start3A_378 = tpu.memref_slice %arg2[%add3A, %add3A_373, %dma_start3A_377] : memref<4x512x512xf32, #tpu.memory_space<hbm>> -> memref<1x8x128xf32, #tpu.memory_space<hbm>>
    %dma_start3A_379 = tpu.memref_squeeze %dma_start3A_378 : memref<1x8x128xf32, #tpu.memory_space<hbm>> -> memref<8x128xf32, #tpu.memory_space<hbm>>
    %dma_start3A_380 = arith.constant 136 : i32
    %dma_start3A_381 = arith.constant 0 : i32
    %dma_start3A_382 = tpu.memref_slice %arg4[%dma_start3A_380, %dma_start3A_381] : memref<256x128xf32, #tpu.memory_space<vmem>> -> memref<8x128xf32, #tpu.memory_space<vmem>>
    %dma_start3A_383 = arith.constant 128 : i32
    %dma_start3A_384 = tpu.memref_slice %arg2[%add3A, %add3A_373, %dma_start3A_383] : memref<4x512x512xf32, #tpu.memory_space<hbm>> -> memref<1x8x128xf32, #tpu.memory_space<hbm>>
    %dma_start3A_385 = tpu.memref_squeeze %dma_start3A_384 : memref<1x8x128xf32, #tpu.memory_space<hbm>> -> memref<8x128xf32, #tpu.memory_space<hbm>>
    tpu.enqueue_dma source(%dma_start3A_385 : memref<8x128xf32, #tpu.memory_space<hbm>>) target(%dma_start3A_382 : memref<8x128xf32, #tpu.memory_space<vmem>>) target_semaphore(%arg12 : memref<!tpu.dma_semaphore, #tpu.memory_space<semaphore_mem>>)
    %mul3A_386 = arith.constant 4 : i32
    %mul3A_387 = arith.muli %select_n3A_30, %mul3A_386 : i32
    %mul3A_388 = arith.constant 16 : i32
    %mul3A_389 = arith.muli %mul3A_387, %mul3A_388 : i32
    %add3A_390 = arith.constant 32 : i32
    %add3A_391 = arith.addi %mul3A_389, %add3A_390 : i32
    %dma_start3A_392 = arith.constant 144 : i32
    %dma_start3A_393 = arith.constant 0 : i32
    %dma_start3A_394 = tpu.memref_slice %arg4[%dma_start3A_392, %dma_start3A_393] : memref<256x128xf32, #tpu.memory_space<vmem>> -> memref<8x128xf32, #tpu.memory_space<vmem>>
    %dma_start3A_395 = arith.constant 256 : i32
    %dma_start3A_396 = tpu.memref_slice %arg2[%add3A, %add3A_391, %dma_start3A_395] : memref<4x512x512xf32, #tpu.memory_space<hbm>> -> memref<1x8x128xf32, #tpu.memory_space<hbm>>
    %dma_start3A_397 = tpu.memref_squeeze %dma_start3A_396 : memref<1x8x128xf32, #tpu.memory_space<hbm>> -> memref<8x128xf32, #tpu.memory_space<hbm>>
    %dma_start3A_398 = arith.constant 144 : i32
    %dma_start3A_399 = arith.constant 0 : i32
    %dma_start3A_400 = tpu.memref_slice %arg4[%dma_start3A_398, %dma_start3A_399] : memref<256x128xf32, #tpu.memory_space<vmem>> -> memref<8x128xf32, #tpu.memory_space<vmem>>
    %dma_start3A_401 = arith.constant 256 : i32
    %dma_start3A_402 = tpu.memref_slice %arg2[%add3A, %add3A_391, %dma_start3A_401] : memref<4x512x512xf32, #tpu.memory_space<hbm>> -> memref<1x8x128xf32, #tpu.memory_space<hbm>>
    %dma_start3A_403 = tpu.memref_squeeze %dma_start3A_402 : memref<1x8x128xf32, #tpu.memory_space<hbm>> -> memref<8x128xf32, #tpu.memory_space<hbm>>
    tpu.enqueue_dma source(%dma_start3A_403 : memref<8x128xf32, #tpu.memory_space<hbm>>) target(%dma_start3A_400 : memref<8x128xf32, #tpu.memory_space<vmem>>) target_semaphore(%arg12 : memref<!tpu.dma_semaphore, #tpu.memory_space<semaphore_mem>>)
    %mul3A_404 = arith.constant 4 : i32
    %mul3A_405 = arith.muli %select_n3A_30, %mul3A_404 : i32
    %mul3A_406 = arith.constant 16 : i32
    %mul3A_407 = arith.muli %mul3A_405, %mul3A_406 : i32
    %add3A_408 = arith.constant 32 : i32
    %add3A_409 = arith.addi %mul3A_407, %add3A_408 : i32
    %dma_start3A_410 = arith.constant 152 : i32
    %dma_start3A_411 = arith.constant 0 : i32
    %dma_start3A_412 = tpu.memref_slice %arg4[%dma_start3A_410, %dma_start3A_411] : memref<256x128xf32, #tpu.memory_space<vmem>> -> memref<8x128xf32, #tpu.memory_space<vmem>>
    %dma_start3A_413 = arith.constant 384 : i32
    %dma_start3A_414 = tpu.memref_slice %arg2[%add3A, %add3A_409, %dma_start3A_413] : memref<4x512x512xf32, #tpu.memory_space<hbm>> -> memref<1x8x128xf32, #tpu.memory_space<hbm>>
    %dma_start3A_415 = tpu.memref_squeeze %dma_start3A_414 : memref<1x8x128xf32, #tpu.memory_space<hbm>> -> memref<8x128xf32, #tpu.memory_space<hbm>>
    %dma_start3A_416 = arith.constant 152 : i32
    %dma_start3A_417 = arith.constant 0 : i32
    %dma_start3A_418 = tpu.memref_slice %arg4[%dma_start3A_416, %dma_start3A_417] : memref<256x128xf32, #tpu.memory_space<vmem>> -> memref<8x128xf32, #tpu.memory_space<vmem>>
    %dma_start3A_419 = arith.constant 384 : i32
    %dma_start3A_420 = tpu.memref_slice %arg2[%add3A, %add3A_409, %dma_start3A_419] : memref<4x512x512xf32, #tpu.memory_space<hbm>> -> memref<1x8x128xf32, #tpu.memory_space<hbm>>
    %dma_start3A_421 = tpu.memref_squeeze %dma_start3A_420 : memref<1x8x128xf32, #tpu.memory_space<hbm>> -> memref<8x128xf32, #tpu.memory_space<hbm>>
    tpu.enqueue_dma source(%dma_start3A_421 : memref<8x128xf32, #tpu.memory_space<hbm>>) target(%dma_start3A_418 : memref<8x128xf32, #tpu.memory_space<vmem>>) target_semaphore(%arg12 : memref<!tpu.dma_semaphore, #tpu.memory_space<semaphore_mem>>)
    %mul3A_422 = arith.constant 4 : i32
    %mul3A_423 = arith.muli %select_n3A_30, %mul3A_422 : i32
    %mul3A_424 = arith.constant 16 : i32
    %mul3A_425 = arith.muli %mul3A_423, %mul3A_424 : i32
    %add3A_426 = arith.constant 40 : i32
    %add3A_427 = arith.addi %mul3A_425, %add3A_426 : i32
    %dma_start3A_428 = arith.constant 160 : i32
    %dma_start3A_429 = arith.constant 0 : i32
    %dma_start3A_430 = tpu.memref_slice %arg4[%dma_start3A_428, %dma_start3A_429] : memref<256x128xf32, #tpu.memory_space<vmem>> -> memref<8x128xf32, #tpu.memory_space<vmem>>
    %dma_start3A_431 = arith.constant 0 : i32
    %dma_start3A_432 = tpu.memref_slice %arg2[%add3A, %add3A_427, %dma_start3A_431] : memref<4x512x512xf32, #tpu.memory_space<hbm>> -> memref<1x8x128xf32, #tpu.memory_space<hbm>>
    %dma_start3A_433 = tpu.memref_squeeze %dma_start3A_432 : memref<1x8x128xf32, #tpu.memory_space<hbm>> -> memref<8x128xf32, #tpu.memory_space<hbm>>
    %dma_start3A_434 = arith.constant 160 : i32
    %dma_start3A_435 = arith.constant 0 : i32
    %dma_start3A_436 = tpu.memref_slice %arg4[%dma_start3A_434, %dma_start3A_435] : memref<256x128xf32, #tpu.memory_space<vmem>> -> memref<8x128xf32, #tpu.memory_space<vmem>>
    %dma_start3A_437 = arith.constant 0 : i32
    %dma_start3A_438 = tpu.memref_slice %arg2[%add3A, %add3A_427, %dma_start3A_437] : memref<4x512x512xf32, #tpu.memory_space<hbm>> -> memref<1x8x128xf32, #tpu.memory_space<hbm>>
    %dma_start3A_439 = tpu.memref_squeeze %dma_start3A_438 : memref<1x8x128xf32, #tpu.memory_space<hbm>> -> memref<8x128xf32, #tpu.memory_space<hbm>>
    tpu.enqueue_dma source(%dma_start3A_439 : memref<8x128xf32, #tpu.memory_space<hbm>>) target(%dma_start3A_436 : memref<8x128xf32, #tpu.memory_space<vmem>>) target_semaphore(%arg12 : memref<!tpu.dma_semaphore, #tpu.memory_space<semaphore_mem>>)
    %mul3A_440 = arith.constant 4 : i32
    %mul3A_441 = arith.muli %select_n3A_30, %mul3A_440 : i32
    %mul3A_442 = arith.constant 16 : i32
    %mul3A_443 = arith.muli %mul3A_441, %mul3A_442 : i32
    %add3A_444 = arith.constant 40 : i32
    %add3A_445 = arith.addi %mul3A_443, %add3A_444 : i32
    %dma_start3A_446 = arith.constant 168 : i32
    %dma_start3A_447 = arith.constant 0 : i32
    %dma_start3A_448 = tpu.memref_slice %arg4[%dma_start3A_446, %dma_start3A_447] : memref<256x128xf32, #tpu.memory_space<vmem>> -> memref<8x128xf32, #tpu.memory_space<vmem>>
    %dma_start3A_449 = arith.constant 128 : i32
    %dma_start3A_450 = tpu.memref_slice %arg2[%add3A, %add3A_445, %dma_start3A_449] : memref<4x512x512xf32, #tpu.memory_space<hbm>> -> memref<1x8x128xf32, #tpu.memory_space<hbm>>
    %dma_start3A_451 = tpu.memref_squeeze %dma_start3A_450 : memref<1x8x128xf32, #tpu.memory_space<hbm>> -> memref<8x128xf32, #tpu.memory_space<hbm>>
    %dma_start3A_452 = arith.constant 168 : i32
    %dma_start3A_453 = arith.constant 0 : i32
    %dma_start3A_454 = tpu.memref_slice %arg4[%dma_start3A_452, %dma_start3A_453] : memref<256x128xf32, #tpu.memory_space<vmem>> -> memref<8x128xf32, #tpu.memory_space<vmem>>
    %dma_start3A_455 = arith.constant 128 : i32
    %dma_start3A_456 = tpu.memref_slice %arg2[%add3A, %add3A_445, %dma_start3A_455] : memref<4x512x512xf32, #tpu.memory_space<hbm>> -> memref<1x8x128xf32, #tpu.memory_space<hbm>>
    %dma_start3A_457 = tpu.memref_squeeze %dma_start3A_456 : memref<1x8x128xf32, #tpu.memory_space<hbm>> -> memref<8x128xf32, #tpu.memory_space<hbm>>
    tpu.enqueue_dma source(%dma_start3A_457 : memref<8x128xf32, #tpu.memory_space<hbm>>) target(%dma_start3A_454 : memref<8x128xf32, #tpu.memory_space<vmem>>) target_semaphore(%arg12 : memref<!tpu.dma_semaphore, #tpu.memory_space<semaphore_mem>>)
    %mul3A_458 = arith.constant 4 : i32
    %mul3A_459 = arith.muli %select_n3A_30, %mul3A_458 : i32
    %mul3A_460 = arith.constant 16 : i32
    %mul3A_461 = arith.muli %mul3A_459, %mul3A_460 : i32
    %add3A_462 = arith.constant 40 : i32
    %add3A_463 = arith.addi %mul3A_461, %add3A_462 : i32
    %dma_start3A_464 = arith.constant 176 : i32
    %dma_start3A_465 = arith.constant 0 : i32
    %dma_start3A_466 = tpu.memref_slice %arg4[%dma_start3A_464, %dma_start3A_465] : memref<256x128xf32, #tpu.memory_space<vmem>> -> memref<8x128xf32, #tpu.memory_space<vmem>>
    %dma_start3A_467 = arith.constant 256 : i32
    %dma_start3A_468 = tpu.memref_slice %arg2[%add3A, %add3A_463, %dma_start3A_467] : memref<4x512x512xf32, #tpu.memory_space<hbm>> -> memref<1x8x128xf32, #tpu.memory_space<hbm>>
    %dma_start3A_469 = tpu.memref_squeeze %dma_start3A_468 : memref<1x8x128xf32, #tpu.memory_space<hbm>> -> memref<8x128xf32, #tpu.memory_space<hbm>>
    %dma_start3A_470 = arith.constant 176 : i32
    %dma_start3A_471 = arith.constant 0 : i32
    %dma_start3A_472 = tpu.memref_slice %arg4[%dma_start3A_470, %dma_start3A_471] : memref<256x128xf32, #tpu.memory_space<vmem>> -> memref<8x128xf32, #tpu.memory_space<vmem>>
    %dma_start3A_473 = arith.constant 256 : i32
    %dma_start3A_474 = tpu.memref_slice %arg2[%add3A, %add3A_463, %dma_start3A_473] : memref<4x512x512xf32, #tpu.memory_space<hbm>> -> memref<1x8x128xf32, #tpu.memory_space<hbm>>
    %dma_start3A_475 = tpu.memref_squeeze %dma_start3A_474 : memref<1x8x128xf32, #tpu.memory_space<hbm>> -> memref<8x128xf32, #tpu.memory_space<hbm>>
    tpu.enqueue_dma source(%dma_start3A_475 : memref<8x128xf32, #tpu.memory_space<hbm>>) target(%dma_start3A_472 : memref<8x128xf32, #tpu.memory_space<vmem>>) target_semaphore(%arg12 : memref<!tpu.dma_semaphore, #tpu.memory_space<semaphore_mem>>)
    %mul3A_476 = arith.constant 4 : i32
    %mul3A_477 = arith.muli %select_n3A_30, %mul3A_476 : i32
    %mul3A_478 = arith.constant 16 : i32
    %mul3A_479 = arith.muli %mul3A_477, %mul3A_478 : i32
    %add3A_480 = arith.constant 40 : i32
    %add3A_481 = arith.addi %mul3A_479, %add3A_480 : i32
    %dma_start3A_482 = arith.constant 184 : i32
    %dma_start3A_483 = arith.constant 0 : i32
    %dma_start3A_484 = tpu.memref_slice %arg4[%dma_start3A_482, %dma_start3A_483] : memref<256x128xf32, #tpu.memory_space<vmem>> -> memref<8x128xf32, #tpu.memory_space<vmem>>
    %dma_start3A_485 = arith.constant 384 : i32
    %dma_start3A_486 = tpu.memref_slice %arg2[%add3A, %add3A_481, %dma_start3A_485] : memref<4x512x512xf32, #tpu.memory_space<hbm>> -> memref<1x8x128xf32, #tpu.memory_space<hbm>>
    %dma_start3A_487 = tpu.memref_squeeze %dma_start3A_486 : memref<1x8x128xf32, #tpu.memory_space<hbm>> -> memref<8x128xf32, #tpu.memory_space<hbm>>
    %dma_start3A_488 = arith.constant 184 : i32
    %dma_start3A_489 = arith.constant 0 : i32
    %dma_start3A_490 = tpu.memref_slice %arg4[%dma_start3A_488, %dma_start3A_489] : memref<256x128xf32, #tpu.memory_space<vmem>> -> memref<8x128xf32, #tpu.memory_space<vmem>>
    %dma_start3A_491 = arith.constant 384 : i32
    %dma_start3A_492 = tpu.memref_slice %arg2[%add3A, %add3A_481, %dma_start3A_491] : memref<4x512x512xf32, #tpu.memory_space<hbm>> -> memref<1x8x128xf32, #tpu.memory_space<hbm>>
    %dma_start3A_493 = tpu.memref_squeeze %dma_start3A_492 : memref<1x8x128xf32, #tpu.memory_space<hbm>> -> memref<8x128xf32, #tpu.memory_space<hbm>>
    tpu.enqueue_dma source(%dma_start3A_493 : memref<8x128xf32, #tpu.memory_space<hbm>>) target(%dma_start3A_490 : memref<8x128xf32, #tpu.memory_space<vmem>>) target_semaphore(%arg12 : memref<!tpu.dma_semaphore, #tpu.memory_space<semaphore_mem>>)
    %mul3A_494 = arith.constant 4 : i32
    %mul3A_495 = arith.muli %select_n3A_30, %mul3A_494 : i32
    %mul3A_496 = arith.constant 16 : i32
    %mul3A_497 = arith.muli %mul3A_495, %mul3A_496 : i32
    %add3A_498 = arith.constant 48 : i32
    %add3A_499 = arith.addi %mul3A_497, %add3A_498 : i32
    %dma_start3A_500 = arith.constant 192 : i32
    %dma_start3A_501 = arith.constant 0 : i32
    %dma_start3A_502 = tpu.memref_slice %arg4[%dma_start3A_500, %dma_start3A_501] : memref<256x128xf32, #tpu.memory_space<vmem>> -> memref<8x128xf32, #tpu.memory_space<vmem>>
    %dma_start3A_503 = arith.constant 0 : i32
    %dma_start3A_504 = tpu.memref_slice %arg2[%add3A, %add3A_499, %dma_start3A_503] : memref<4x512x512xf32, #tpu.memory_space<hbm>> -> memref<1x8x128xf32, #tpu.memory_space<hbm>>
    %dma_start3A_505 = tpu.memref_squeeze %dma_start3A_504 : memref<1x8x128xf32, #tpu.memory_space<hbm>> -> memref<8x128xf32, #tpu.memory_space<hbm>>
    %dma_start3A_506 = arith.constant 192 : i32
    %dma_start3A_507 = arith.constant 0 : i32
    %dma_start3A_508 = tpu.memref_slice %arg4[%dma_start3A_506, %dma_start3A_507] : memref<256x128xf32, #tpu.memory_space<vmem>> -> memref<8x128xf32, #tpu.memory_space<vmem>>
    %dma_start3A_509 = arith.constant 0 : i32
    %dma_start3A_510 = tpu.memref_slice %arg2[%add3A, %add3A_499, %dma_start3A_509] : memref<4x512x512xf32, #tpu.memory_space<hbm>> -> memref<1x8x128xf32, #tpu.memory_space<hbm>>
    %dma_start3A_511 = tpu.memref_squeeze %dma_start3A_510 : memref<1x8x128xf32, #tpu.memory_space<hbm>> -> memref<8x128xf32, #tpu.memory_space<hbm>>
    tpu.enqueue_dma source(%dma_start3A_511 : memref<8x128xf32, #tpu.memory_space<hbm>>) target(%dma_start3A_508 : memref<8x128xf32, #tpu.memory_space<vmem>>) target_semaphore(%arg12 : memref<!tpu.dma_semaphore, #tpu.memory_space<semaphore_mem>>)
    %mul3A_512 = arith.constant 4 : i32
    %mul3A_513 = arith.muli %select_n3A_30, %mul3A_512 : i32
    %mul3A_514 = arith.constant 16 : i32
    %mul3A_515 = arith.muli %mul3A_513, %mul3A_514 : i32
    %add3A_516 = arith.constant 48 : i32
    %add3A_517 = arith.addi %mul3A_515, %add3A_516 : i32
    %dma_start3A_518 = arith.constant 200 : i32
    %dma_start3A_519 = arith.constant 0 : i32
    %dma_start3A_520 = tpu.memref_slice %arg4[%dma_start3A_518, %dma_start3A_519] : memref<256x128xf32, #tpu.memory_space<vmem>> -> memref<8x128xf32, #tpu.memory_space<vmem>>
    %dma_start3A_521 = arith.constant 128 : i32
    %dma_start3A_522 = tpu.memref_slice %arg2[%add3A, %add3A_517, %dma_start3A_521] : memref<4x512x512xf32, #tpu.memory_space<hbm>> -> memref<1x8x128xf32, #tpu.memory_space<hbm>>
    %dma_start3A_523 = tpu.memref_squeeze %dma_start3A_522 : memref<1x8x128xf32, #tpu.memory_space<hbm>> -> memref<8x128xf32, #tpu.memory_space<hbm>>
    %dma_start3A_524 = arith.constant 200 : i32
    %dma_start3A_525 = arith.constant 0 : i32
    %dma_start3A_526 = tpu.memref_slice %arg4[%dma_start3A_524, %dma_start3A_525] : memref<256x128xf32, #tpu.memory_space<vmem>> -> memref<8x128xf32, #tpu.memory_space<vmem>>
    %dma_start3A_527 = arith.constant 128 : i32
    %dma_start3A_528 = tpu.memref_slice %arg2[%add3A, %add3A_517, %dma_start3A_527] : memref<4x512x512xf32, #tpu.memory_space<hbm>> -> memref<1x8x128xf32, #tpu.memory_space<hbm>>
    %dma_start3A_529 = tpu.memref_squeeze %dma_start3A_528 : memref<1x8x128xf32, #tpu.memory_space<hbm>> -> memref<8x128xf32, #tpu.memory_space<hbm>>
    tpu.enqueue_dma source(%dma_start3A_529 : memref<8x128xf32, #tpu.memory_space<hbm>>) target(%dma_start3A_526 : memref<8x128xf32, #tpu.memory_space<vmem>>) target_semaphore(%arg12 : memref<!tpu.dma_semaphore, #tpu.memory_space<semaphore_mem>>)
    %mul3A_530 = arith.constant 4 : i32
    %mul3A_531 = arith.muli %select_n3A_30, %mul3A_530 : i32
    %mul3A_532 = arith.constant 16 : i32
    %mul3A_533 = arith.muli %mul3A_531, %mul3A_532 : i32
    %add3A_534 = arith.constant 48 : i32
    %add3A_535 = arith.addi %mul3A_533, %add3A_534 : i32
    %dma_start3A_536 = arith.constant 208 : i32
    %dma_start3A_537 = arith.constant 0 : i32
    %dma_start3A_538 = tpu.memref_slice %arg4[%dma_start3A_536, %dma_start3A_537] : memref<256x128xf32, #tpu.memory_space<vmem>> -> memref<8x128xf32, #tpu.memory_space<vmem>>
    %dma_start3A_539 = arith.constant 256 : i32
    %dma_start3A_540 = tpu.memref_slice %arg2[%add3A, %add3A_535, %dma_start3A_539] : memref<4x512x512xf32, #tpu.memory_space<hbm>> -> memref<1x8x128xf32, #tpu.memory_space<hbm>>
    %dma_start3A_541 = tpu.memref_squeeze %dma_start3A_540 : memref<1x8x128xf32, #tpu.memory_space<hbm>> -> memref<8x128xf32, #tpu.memory_space<hbm>>
    %dma_start3A_542 = arith.constant 208 : i32
    %dma_start3A_543 = arith.constant 0 : i32
    %dma_start3A_544 = tpu.memref_slice %arg4[%dma_start3A_542, %dma_start3A_543] : memref<256x128xf32, #tpu.memory_space<vmem>> -> memref<8x128xf32, #tpu.memory_space<vmem>>
    %dma_start3A_545 = arith.constant 256 : i32
    %dma_start3A_546 = tpu.memref_slice %arg2[%add3A, %add3A_535, %dma_start3A_545] : memref<4x512x512xf32, #tpu.memory_space<hbm>> -> memref<1x8x128xf32, #tpu.memory_space<hbm>>
    %dma_start3A_547 = tpu.memref_squeeze %dma_start3A_546 : memref<1x8x128xf32, #tpu.memory_space<hbm>> -> memref<8x128xf32, #tpu.memory_space<hbm>>
    tpu.enqueue_dma source(%dma_start3A_547 : memref<8x128xf32, #tpu.memory_space<hbm>>) target(%dma_start3A_544 : memref<8x128xf32, #tpu.memory_space<vmem>>) target_semaphore(%arg12 : memref<!tpu.dma_semaphore, #tpu.memory_space<semaphore_mem>>)
    %mul3A_548 = arith.constant 4 : i32
    %mul3A_549 = arith.muli %select_n3A_30, %mul3A_548 : i32
    %mul3A_550 = arith.constant 16 : i32
    %mul3A_551 = arith.muli %mul3A_549, %mul3A_550 : i32
    %add3A_552 = arith.constant 48 : i32
    %add3A_553 = arith.addi %mul3A_551, %add3A_552 : i32
    %dma_start3A_554 = arith.constant 216 : i32
    %dma_start3A_555 = arith.constant 0 : i32
    %dma_start3A_556 = tpu.memref_slice %arg4[%dma_start3A_554, %dma_start3A_555] : memref<256x128xf32, #tpu.memory_space<vmem>> -> memref<8x128xf32, #tpu.memory_space<vmem>>
    %dma_start3A_557 = arith.constant 384 : i32
    %dma_start3A_558 = tpu.memref_slice %arg2[%add3A, %add3A_553, %dma_start3A_557] : memref<4x512x512xf32, #tpu.memory_space<hbm>> -> memref<1x8x128xf32, #tpu.memory_space<hbm>>
    %dma_start3A_559 = tpu.memref_squeeze %dma_start3A_558 : memref<1x8x128xf32, #tpu.memory_space<hbm>> -> memref<8x128xf32, #tpu.memory_space<hbm>>
    %dma_start3A_560 = arith.constant 216 : i32
    %dma_start3A_561 = arith.constant 0 : i32
    %dma_start3A_562 = tpu.memref_slice %arg4[%dma_start3A_560, %dma_start3A_561] : memref<256x128xf32, #tpu.memory_space<vmem>> -> memref<8x128xf32, #tpu.memory_space<vmem>>
    %dma_start3A_563 = arith.constant 384 : i32
    %dma_start3A_564 = tpu.memref_slice %arg2[%add3A, %add3A_553, %dma_start3A_563] : memref<4x512x512xf32, #tpu.memory_space<hbm>> -> memref<1x8x128xf32, #tpu.memory_space<hbm>>
    %dma_start3A_565 = tpu.memref_squeeze %dma_start3A_564 : memref<1x8x128xf32, #tpu.memory_space<hbm>> -> memref<8x128xf32, #tpu.memory_space<hbm>>
    tpu.enqueue_dma source(%dma_start3A_565 : memref<8x128xf32, #tpu.memory_space<hbm>>) target(%dma_start3A_562 : memref<8x128xf32, #tpu.memory_space<vmem>>) target_semaphore(%arg12 : memref<!tpu.dma_semaphore, #tpu.memory_space<semaphore_mem>>)
    %mul3A_566 = arith.constant 4 : i32
    %mul3A_567 = arith.muli %select_n3A_30, %mul3A_566 : i32
    %mul3A_568 = arith.constant 16 : i32
    %mul3A_569 = arith.muli %mul3A_567, %mul3A_568 : i32
    %add3A_570 = arith.constant 56 : i32
    %add3A_571 = arith.addi %mul3A_569, %add3A_570 : i32
    %dma_start3A_572 = arith.constant 224 : i32
    %dma_start3A_573 = arith.constant 0 : i32
    %dma_start3A_574 = tpu.memref_slice %arg4[%dma_start3A_572, %dma_start3A_573] : memref<256x128xf32, #tpu.memory_space<vmem>> -> memref<8x128xf32, #tpu.memory_space<vmem>>
    %dma_start3A_575 = arith.constant 0 : i32
    %dma_start3A_576 = tpu.memref_slice %arg2[%add3A, %add3A_571, %dma_start3A_575] : memref<4x512x512xf32, #tpu.memory_space<hbm>> -> memref<1x8x128xf32, #tpu.memory_space<hbm>>
    %dma_start3A_577 = tpu.memref_squeeze %dma_start3A_576 : memref<1x8x128xf32, #tpu.memory_space<hbm>> -> memref<8x128xf32, #tpu.memory_space<hbm>>
    %dma_start3A_578 = arith.constant 224 : i32
    %dma_start3A_579 = arith.constant 0 : i32
    %dma_start3A_580 = tpu.memref_slice %arg4[%dma_start3A_578, %dma_start3A_579] : memref<256x128xf32, #tpu.memory_space<vmem>> -> memref<8x128xf32, #tpu.memory_space<vmem>>
    %dma_start3A_581 = arith.constant 0 : i32
    %dma_start3A_582 = tpu.memref_slice %arg2[%add3A, %add3A_571, %dma_start3A_581] : memref<4x512x512xf32, #tpu.memory_space<hbm>> -> memref<1x8x128xf32, #tpu.memory_space<hbm>>
    %dma_start3A_583 = tpu.memref_squeeze %dma_start3A_582 : memref<1x8x128xf32, #tpu.memory_space<hbm>> -> memref<8x128xf32, #tpu.memory_space<hbm>>
    tpu.enqueue_dma source(%dma_start3A_583 : memref<8x128xf32, #tpu.memory_space<hbm>>) target(%dma_start3A_580 : memref<8x128xf32, #tpu.memory_space<vmem>>) target_semaphore(%arg12 : memref<!tpu.dma_semaphore, #tpu.memory_space<semaphore_mem>>)
    %mul3A_584 = arith.constant 4 : i32
    %mul3A_585 = arith.muli %select_n3A_30, %mul3A_584 : i32
    %mul3A_586 = arith.constant 16 : i32
    %mul3A_587 = arith.muli %mul3A_585, %mul3A_586 : i32
    %add3A_588 = arith.constant 56 : i32
    %add3A_589 = arith.addi %mul3A_587, %add3A_588 : i32
    %dma_start3A_590 = arith.constant 232 : i32
    %dma_start3A_591 = arith.constant 0 : i32
    %dma_start3A_592 = tpu.memref_slice %arg4[%dma_start3A_590, %dma_start3A_591] : memref<256x128xf32, #tpu.memory_space<vmem>> -> memref<8x128xf32, #tpu.memory_space<vmem>>
    %dma_start3A_593 = arith.constant 128 : i32
    %dma_start3A_594 = tpu.memref_slice %arg2[%add3A, %add3A_589, %dma_start3A_593] : memref<4x512x512xf32, #tpu.memory_space<hbm>> -> memref<1x8x128xf32, #tpu.memory_space<hbm>>
    %dma_start3A_595 = tpu.memref_squeeze %dma_start3A_594 : memref<1x8x128xf32, #tpu.memory_space<hbm>> -> memref<8x128xf32, #tpu.memory_space<hbm>>
    %dma_start3A_596 = arith.constant 232 : i32
    %dma_start3A_597 = arith.constant 0 : i32
    %dma_start3A_598 = tpu.memref_slice %arg4[%dma_start3A_596, %dma_start3A_597] : memref<256x128xf32, #tpu.memory_space<vmem>> -> memref<8x128xf32, #tpu.memory_space<vmem>>
    %dma_start3A_599 = arith.constant 128 : i32
    %dma_start3A_600 = tpu.memref_slice %arg2[%add3A, %add3A_589, %dma_start3A_599] : memref<4x512x512xf32, #tpu.memory_space<hbm>> -> memref<1x8x128xf32, #tpu.memory_space<hbm>>
    %dma_start3A_601 = tpu.memref_squeeze %dma_start3A_600 : memref<1x8x128xf32, #tpu.memory_space<hbm>> -> memref<8x128xf32, #tpu.memory_space<hbm>>
    tpu.enqueue_dma source(%dma_start3A_601 : memref<8x128xf32, #tpu.memory_space<hbm>>) target(%dma_start3A_598 : memref<8x128xf32, #tpu.memory_space<vmem>>) target_semaphore(%arg12 : memref<!tpu.dma_semaphore, #tpu.memory_space<semaphore_mem>>)
    %mul3A_602 = arith.constant 4 : i32
    %mul3A_603 = arith.muli %select_n3A_30, %mul3A_602 : i32
    %mul3A_604 = arith.constant 16 : i32
    %mul3A_605 = arith.muli %mul3A_603, %mul3A_604 : i32
    %add3A_606 = arith.constant 56 : i32
    %add3A_607 = arith.addi %mul3A_605, %add3A_606 : i32
    %dma_start3A_608 = arith.constant 240 : i32
    %dma_start3A_609 = arith.constant 0 : i32
    %dma_start3A_610 = tpu.memref_slice %arg4[%dma_start3A_608, %dma_start3A_609] : memref<256x128xf32, #tpu.memory_space<vmem>> -> memref<8x128xf32, #tpu.memory_space<vmem>>
    %dma_start3A_611 = arith.constant 256 : i32
    %dma_start3A_612 = tpu.memref_slice %arg2[%add3A, %add3A_607, %dma_start3A_611] : memref<4x512x512xf32, #tpu.memory_space<hbm>> -> memref<1x8x128xf32, #tpu.memory_space<hbm>>
    %dma_start3A_613 = tpu.memref_squeeze %dma_start3A_612 : memref<1x8x128xf32, #tpu.memory_space<hbm>> -> memref<8x128xf32, #tpu.memory_space<hbm>>
    %dma_start3A_614 = arith.constant 240 : i32
    %dma_start3A_615 = arith.constant 0 : i32
    %dma_start3A_616 = tpu.memref_slice %arg4[%dma_start3A_614, %dma_start3A_615] : memref<256x128xf32, #tpu.memory_space<vmem>> -> memref<8x128xf32, #tpu.memory_space<vmem>>
    %dma_start3A_617 = arith.constant 256 : i32
    %dma_start3A_618 = tpu.memref_slice %arg2[%add3A, %add3A_607, %dma_start3A_617] : memref<4x512x512xf32, #tpu.memory_space<hbm>> -> memref<1x8x128xf32, #tpu.memory_space<hbm>>
    %dma_start3A_619 = tpu.memref_squeeze %dma_start3A_618 : memref<1x8x128xf32, #tpu.memory_space<hbm>> -> memref<8x128xf32, #tpu.memory_space<hbm>>
    tpu.enqueue_dma source(%dma_start3A_619 : memref<8x128xf32, #tpu.memory_space<hbm>>) target(%dma_start3A_616 : memref<8x128xf32, #tpu.memory_space<vmem>>) target_semaphore(%arg12 : memref<!tpu.dma_semaphore, #tpu.memory_space<semaphore_mem>>)
    %mul3A_620 = arith.constant 4 : i32
    %mul3A_621 = arith.muli %select_n3A_30, %mul3A_620 : i32
    %mul3A_622 = arith.constant 16 : i32
    %mul3A_623 = arith.muli %mul3A_621, %mul3A_622 : i32
    %add3A_624 = arith.constant 56 : i32
    %add3A_625 = arith.addi %mul3A_623, %add3A_624 : i32
    %dma_start3A_626 = arith.constant 248 : i32
    %dma_start3A_627 = arith.constant 0 : i32
    %dma_start3A_628 = tpu.memref_slice %arg4[%dma_start3A_626, %dma_start3A_627] : memref<256x128xf32, #tpu.memory_space<vmem>> -> memref<8x128xf32, #tpu.memory_space<vmem>>
    %dma_start3A_629 = arith.constant 384 : i32
    %dma_start3A_630 = tpu.memref_slice %arg2[%add3A, %add3A_625, %dma_start3A_629] : memref<4x512x512xf32, #tpu.memory_space<hbm>> -> memref<1x8x128xf32, #tpu.memory_space<hbm>>
    %dma_start3A_631 = tpu.memref_squeeze %dma_start3A_630 : memref<1x8x128xf32, #tpu.memory_space<hbm>> -> memref<8x128xf32, #tpu.memory_space<hbm>>
    %dma_start3A_632 = arith.constant 248 : i32
    %dma_start3A_633 = arith.constant 0 : i32
    %dma_start3A_634 = tpu.memref_slice %arg4[%dma_start3A_632, %dma_start3A_633] : memref<256x128xf32, #tpu.memory_space<vmem>> -> memref<8x128xf32, #tpu.memory_space<vmem>>
    %dma_start3A_635 = arith.constant 384 : i32
    %dma_start3A_636 = tpu.memref_slice %arg2[%add3A, %add3A_625, %dma_start3A_635] : memref<4x512x512xf32, #tpu.memory_space<hbm>> -> memref<1x8x128xf32, #tpu.memory_space<hbm>>
    %dma_start3A_637 = tpu.memref_squeeze %dma_start3A_636 : memref<1x8x128xf32, #tpu.memory_space<hbm>> -> memref<8x128xf32, #tpu.memory_space<hbm>>
    tpu.enqueue_dma source(%dma_start3A_637 : memref<8x128xf32, #tpu.memory_space<hbm>>) target(%dma_start3A_634 : memref<8x128xf32, #tpu.memory_space<vmem>>) target_semaphore(%arg12 : memref<!tpu.dma_semaphore, #tpu.memory_space<semaphore_mem>>)
    %swap3A = arith.constant 0 : index
    %swap3A_638 = tpu.vector_load %arg7[%swap3A] {strides = array<i32>} : memref<288xi32, #tpu.memory_space<vmem>>, vector<16xi32>,
    tpu.vector_store %arg7[%swap3A], %broadcast_in_dim3A_60 {strides = array<i32>} : memref<288xi32, #tpu.memory_space<vmem>>, vector<16xi32>,
    %swap3A_639 = arith.constant 16 : index
    %swap3A_640 = tpu.vector_load %arg7[%swap3A_639] {strides = array<i32>} : memref<288xi32, #tpu.memory_space<vmem>>, vector<16xi32>,
    tpu.vector_store %arg7[%swap3A_639], %broadcast_in_dim3A_60 {strides = array<i32>} : memref<288xi32, #tpu.memory_space<vmem>>, vector<16xi32>,
    %swap3A_641 = arith.constant 32 : index
    %swap3A_642 = tpu.vector_load %arg7[%swap3A_641] {strides = array<i32>} : memref<288xi32, #tpu.memory_space<vmem>>, vector<16xi32>,
    tpu.vector_store %arg7[%swap3A_641], %broadcast_in_dim3A_60 {strides = array<i32>} : memref<288xi32, #tpu.memory_space<vmem>>, vector<16xi32>,
    %swap3A_643 = arith.constant 48 : index
    %swap3A_644 = tpu.vector_load %arg7[%swap3A_643] {strides = array<i32>} : memref<288xi32, #tpu.memory_space<vmem>>, vector<16xi32>,
    tpu.vector_store %arg7[%swap3A_643], %broadcast_in_dim3A_60 {strides = array<i32>} : memref<288xi32, #tpu.memory_space<vmem>>, vector<16xi32>,
    %swap3A_645 = arith.constant 64 : index
    %swap3A_646 = tpu.vector_load %arg7[%swap3A_645] {strides = array<i32>} : memref<288xi32, #tpu.memory_space<vmem>>, vector<16xi32>,
    tpu.vector_store %arg7[%swap3A_645], %broadcast_in_dim3A_60 {strides = array<i32>} : memref<288xi32, #tpu.memory_space<vmem>>, vector<16xi32>,
    %swap3A_647 = arith.constant 80 : index
    %swap3A_648 = tpu.vector_load %arg7[%swap3A_647] {strides = array<i32>} : memref<288xi32, #tpu.memory_space<vmem>>, vector<16xi32>,
    tpu.vector_store %arg7[%swap3A_647], %broadcast_in_dim3A_60 {strides = array<i32>} : memref<288xi32, #tpu.memory_space<vmem>>, vector<16xi32>,
    %swap3A_649 = arith.constant 96 : index
    %swap3A_650 = tpu.vector_load %arg7[%swap3A_649] {strides = array<i32>} : memref<288xi32, #tpu.memory_space<vmem>>, vector<16xi32>,
    tpu.vector_store %arg7[%swap3A_649], %broadcast_in_dim3A_60 {strides = array<i32>} : memref<288xi32, #tpu.memory_space<vmem>>, vector<16xi32>,
    %swap3A_651 = arith.constant 112 : index
    %swap3A_652 = tpu.vector_load %arg7[%swap3A_651] {strides = array<i32>} : memref<288xi32, #tpu.memory_space<vmem>>, vector<16xi32>,
    tpu.vector_store %arg7[%swap3A_651], %broadcast_in_dim3A_60 {strides = array<i32>} : memref<288xi32, #tpu.memory_space<vmem>>, vector<16xi32>,
    %swap3A_653 = arith.constant 128 : index
    %swap3A_654 = tpu.vector_load %arg7[%swap3A_653] {strides = array<i32>} : memref<288xi32, #tpu.memory_space<vmem>>, vector<16xi32>,
    tpu.vector_store %arg7[%swap3A_653], %broadcast_in_dim3A_60 {strides = array<i32>} : memref<288xi32, #tpu.memory_space<vmem>>, vector<16xi32>,
    %swap3A_655 = arith.constant 144 : index
    %swap3A_656 = tpu.vector_load %arg7[%swap3A_655] {strides = array<i32>} : memref<288xi32, #tpu.memory_space<vmem>>, vector<16xi32>,
    tpu.vector_store %arg7[%swap3A_655], %broadcast_in_dim3A_60 {strides = array<i32>} : memref<288xi32, #tpu.memory_space<vmem>>, vector<16xi32>,
    %swap3A_657 = arith.constant 160 : index
    %swap3A_658 = tpu.vector_load %arg7[%swap3A_657] {strides = array<i32>} : memref<288xi32, #tpu.memory_space<vmem>>, vector<16xi32>,
    tpu.vector_store %arg7[%swap3A_657], %broadcast_in_dim3A_60 {strides = array<i32>} : memref<288xi32, #tpu.memory_space<vmem>>, vector<16xi32>,
    %swap3A_659 = arith.constant 176 : index
    %swap3A_660 = tpu.vector_load %arg7[%swap3A_659] {strides = array<i32>} : memref<288xi32, #tpu.memory_space<vmem>>, vector<16xi32>,
    tpu.vector_store %arg7[%swap3A_659], %broadcast_in_dim3A_60 {strides = array<i32>} : memref<288xi32, #tpu.memory_space<vmem>>, vector<16xi32>,
    %swap3A_661 = arith.constant 192 : index
    %swap3A_662 = tpu.vector_load %arg7[%swap3A_661] {strides = array<i32>} : memref<288xi32, #tpu.memory_space<vmem>>, vector<16xi32>,
    tpu.vector_store %arg7[%swap3A_661], %broadcast_in_dim3A_60 {strides = array<i32>} : memref<288xi32, #tpu.memory_space<vmem>>, vector<16xi32>,
    %swap3A_663 = arith.constant 208 : index
    %swap3A_664 = tpu.vector_load %arg7[%swap3A_663] {strides = array<i32>} : memref<288xi32, #tpu.memory_space<vmem>>, vector<16xi32>,
    tpu.vector_store %arg7[%swap3A_663], %broadcast_in_dim3A_60 {strides = array<i32>} : memref<288xi32, #tpu.memory_space<vmem>>, vector<16xi32>,
    %swap3A_665 = arith.constant 224 : index
    %swap3A_666 = tpu.vector_load %arg7[%swap3A_665] {strides = array<i32>} : memref<288xi32, #tpu.memory_space<vmem>>, vector<16xi32>,
    tpu.vector_store %arg7[%swap3A_665], %broadcast_in_dim3A_60 {strides = array<i32>} : memref<288xi32, #tpu.memory_space<vmem>>, vector<16xi32>,
    %swap3A_667 = arith.constant 240 : index
    %swap3A_668 = tpu.vector_load %arg7[%swap3A_667] {strides = array<i32>} : memref<288xi32, #tpu.memory_space<vmem>>, vector<16xi32>,
    tpu.vector_store %arg7[%swap3A_667], %broadcast_in_dim3A_60 {strides = array<i32>} : memref<288xi32, #tpu.memory_space<vmem>>, vector<16xi32>,
    %swap3A_669 = arith.constant 256 : index
    %swap3A_670 = tpu.vector_load %arg7[%swap3A_669] {strides = array<i32>} : memref<288xi32, #tpu.memory_space<vmem>>, vector<16xi32>,
    tpu.vector_store %arg7[%swap3A_669], %broadcast_in_dim3A_60 {strides = array<i32>} : memref<288xi32, #tpu.memory_space<vmem>>, vector<16xi32>,
    %swap3A_671 = arith.constant 272 : index
    %swap3A_672 = tpu.vector_load %arg7[%swap3A_671] {strides = array<i32>} : memref<288xi32, #tpu.memory_space<vmem>>, vector<16xi32>,
    tpu.vector_store %arg7[%swap3A_671], %broadcast_in_dim3A_60 {strides = array<i32>} : memref<288xi32, #tpu.memory_space<vmem>>, vector<16xi32>,
    %dma_wait3A = arith.constant 0 : i32
    %dma_wait3A_673 = arith.constant 0 : i32
    %dma_wait3A_674 = tpu.memref_slice %arg4[%dma_wait3A, %dma_wait3A_673] : memref<256x128xf32, #tpu.memory_space<vmem>> -> memref<8x128xf32, #tpu.memory_space<vmem>>
    %dma_wait3A_675 = arith.constant 0 : i32
    %dma_wait3A_676 = tpu.memref_slice %arg2[%add3A, %add3A_68, %dma_wait3A_675] : memref<4x512x512xf32, #tpu.memory_space<hbm>> -> memref<1x8x128xf32, #tpu.memory_space<hbm>>
    %dma_wait3A_677 = tpu.memref_squeeze %dma_wait3A_676 : memref<1x8x128xf32, #tpu.memory_space<hbm>> -> memref<8x128xf32, #tpu.memory_space<hbm>>
    %dma_wait3A_678 = arith.constant 0 : i32
    %dma_wait3A_679 = arith.constant 0 : i32
    %dma_wait3A_680 = tpu.memref_slice %arg4[%dma_wait3A_678, %dma_wait3A_679] : memref<256x128xf32, #tpu.memory_space<vmem>> -> memref<8x128xf32, #tpu.memory_space<vmem>>
    %dma_wait3A_681 = arith.constant 0 : i32
    %dma_wait3A_682 = tpu.memref_slice %arg2[%add3A, %add3A_68, %dma_wait3A_681] : memref<4x512x512xf32, #tpu.memory_space<hbm>> -> memref<1x8x128xf32, #tpu.memory_space<hbm>>
    %dma_wait3A_683 = tpu.memref_squeeze %dma_wait3A_682 : memref<1x8x128xf32, #tpu.memory_space<hbm>> -> memref<8x128xf32, #tpu.memory_space<hbm>>
    tpu.wait_dma2 semaphore(%arg12 : memref<!tpu.dma_semaphore, #tpu.memory_space<semaphore_mem>>) src(%dma_wait3A_683 : memref<8x128xf32, #tpu.memory_space<hbm>>) dst(%dma_wait3A_680 : memref<8x128xf32, #tpu.memory_space<vmem>>)
    %dma_wait3A_684 = arith.constant 8 : i32
    %dma_wait3A_685 = arith.constant 0 : i32
    %dma_wait3A_686 = tpu.memref_slice %arg4[%dma_wait3A_684, %dma_wait3A_685] : memref<256x128xf32, #tpu.memory_space<vmem>> -> memref<8x128xf32, #tpu.memory_space<vmem>>
    %dma_wait3A_687 = arith.constant 128 : i32
    %dma_wait3A_688 = tpu.memref_slice %arg2[%add3A, %add3A_85, %dma_wait3A_687] : memref<4x512x512xf32, #tpu.memory_space<hbm>> -> memref<1x8x128xf32, #tpu.memory_space<hbm>>
    %dma_wait3A_689 = tpu.memref_squeeze %dma_wait3A_688 : memref<1x8x128xf32, #tpu.memory_space<hbm>> -> memref<8x128xf32, #tpu.memory_space<hbm>>
    %dma_wait3A_690 = arith.constant 8 : i32
    %dma_wait3A_691 = arith.constant 0 : i32
    %dma_wait3A_692 = tpu.memref_slice %arg4[%dma_wait3A_690, %dma_wait3A_691] : memref<256x128xf32, #tpu.memory_space<vmem>> -> memref<8x128xf32, #tpu.memory_space<vmem>>
    %dma_wait3A_693 = arith.constant 128 : i32
    %dma_wait3A_694 = tpu.memref_slice %arg2[%add3A, %add3A_85, %dma_wait3A_693] : memref<4x512x512xf32, #tpu.memory_space<hbm>> -> memref<1x8x128xf32, #tpu.memory_space<hbm>>
    %dma_wait3A_695 = tpu.memref_squeeze %dma_wait3A_694 : memref<1x8x128xf32, #tpu.memory_space<hbm>> -> memref<8x128xf32, #tpu.memory_space<hbm>>
    tpu.wait_dma2 semaphore(%arg12 : memref<!tpu.dma_semaphore, #tpu.memory_space<semaphore_mem>>) src(%dma_wait3A_695 : memref<8x128xf32, #tpu.memory_space<hbm>>) dst(%dma_wait3A_692 : memref<8x128xf32, #tpu.memory_space<vmem>>)
    %dma_wait3A_696 = arith.constant 16 : i32
    %dma_wait3A_697 = arith.constant 0 : i32
    %dma_wait3A_698 = tpu.memref_slice %arg4[%dma_wait3A_696, %dma_wait3A_697] : memref<256x128xf32, #tpu.memory_space<vmem>> -> memref<8x128xf32, #tpu.memory_space<vmem>>
    %dma_wait3A_699 = arith.constant 256 : i32
    %dma_wait3A_700 = tpu.memref_slice %arg2[%add3A, %add3A_103, %dma_wait3A_699] : memref<4x512x512xf32, #tpu.memory_space<hbm>> -> memref<1x8x128xf32, #tpu.memory_space<hbm>>
    %dma_wait3A_701 = tpu.memref_squeeze %dma_wait3A_700 : memref<1x8x128xf32, #tpu.memory_space<hbm>> -> memref<8x128xf32, #tpu.memory_space<hbm>>
    %dma_wait3A_702 = arith.constant 16 : i32
    %dma_wait3A_703 = arith.constant 0 : i32
    %dma_wait3A_704 = tpu.memref_slice %arg4[%dma_wait3A_702, %dma_wait3A_703] : memref<256x128xf32, #tpu.memory_space<vmem>> -> memref<8x128xf32, #tpu.memory_space<vmem>>
    %dma_wait3A_705 = arith.constant 256 : i32
    %dma_wait3A_706 = tpu.memref_slice %arg2[%add3A, %add3A_103, %dma_wait3A_705] : memref<4x512x512xf32, #tpu.memory_space<hbm>> -> memref<1x8x128xf32, #tpu.memory_space<hbm>>
    %dma_wait3A_707 = tpu.memref_squeeze %dma_wait3A_706 : memref<1x8x128xf32, #tpu.memory_space<hbm>> -> memref<8x128xf32, #tpu.memory_space<hbm>>
    tpu.wait_dma2 semaphore(%arg12 : memref<!tpu.dma_semaphore, #tpu.memory_space<semaphore_mem>>) src(%dma_wait3A_707 : memref<8x128xf32, #tpu.memory_space<hbm>>) dst(%dma_wait3A_704 : memref<8x128xf32, #tpu.memory_space<vmem>>)
    %dma_wait3A_708 = arith.constant 24 : i32
    %dma_wait3A_709 = arith.constant 0 : i32
    %dma_wait3A_710 = tpu.memref_slice %arg4[%dma_wait3A_708, %dma_wait3A_709] : memref<256x128xf32, #tpu.memory_space<vmem>> -> memref<8x128xf32, #tpu.memory_space<vmem>>
    %dma_wait3A_711 = arith.constant 384 : i32
    %dma_wait3A_712 = tpu.memref_slice %arg2[%add3A, %add3A_121, %dma_wait3A_711] : memref<4x512x512xf32, #tpu.memory_space<hbm>> -> memref<1x8x128xf32, #tpu.memory_space<hbm>>
    %dma_wait3A_713 = tpu.memref_squeeze %dma_wait3A_712 : memref<1x8x128xf32, #tpu.memory_space<hbm>> -> memref<8x128xf32, #tpu.memory_space<hbm>>
    %dma_wait3A_714 = arith.constant 24 : i32
    %dma_wait3A_715 = arith.constant 0 : i32
    %dma_wait3A_716 = tpu.memref_slice %arg4[%dma_wait3A_714, %dma_wait3A_715] : memref<256x128xf32, #tpu.memory_space<vmem>> -> memref<8x128xf32, #tpu.memory_space<vmem>>
    %dma_wait3A_717 = arith.constant 384 : i32
    %dma_wait3A_718 = tpu.memref_slice %arg2[%add3A, %add3A_121, %dma_wait3A_717] : memref<4x512x512xf32, #tpu.memory_space<hbm>> -> memref<1x8x128xf32, #tpu.memory_space<hbm>>
    %dma_wait3A_719 = tpu.memref_squeeze %dma_wait3A_718 : memref<1x8x128xf32, #tpu.memory_space<hbm>> -> memref<8x128xf32, #tpu.memory_space<hbm>>
    tpu.wait_dma2 semaphore(%arg12 : memref<!tpu.dma_semaphore, #tpu.memory_space<semaphore_mem>>) src(%dma_wait3A_719 : memref<8x128xf32, #tpu.memory_space<hbm>>) dst(%dma_wait3A_716 : memref<8x128xf32, #tpu.memory_space<vmem>>)
    %dma_wait3A_720 = arith.constant 32 : i32
    %dma_wait3A_721 = arith.constant 0 : i32
    %dma_wait3A_722 = tpu.memref_slice %arg4[%dma_wait3A_720, %dma_wait3A_721] : memref<256x128xf32, #tpu.memory_space<vmem>> -> memref<8x128xf32, #tpu.memory_space<vmem>>
    %dma_wait3A_723 = arith.constant 0 : i32
    %dma_wait3A_724 = tpu.memref_slice %arg2[%add3A, %add3A_139, %dma_wait3A_723] : memref<4x512x512xf32, #tpu.memory_space<hbm>> -> memref<1x8x128xf32, #tpu.memory_space<hbm>>
    %dma_wait3A_725 = tpu.memref_squeeze %dma_wait3A_724 : memref<1x8x128xf32, #tpu.memory_space<hbm>> -> memref<8x128xf32, #tpu.memory_space<hbm>>
    %dma_wait3A_726 = arith.constant 32 : i32
    %dma_wait3A_727 = arith.constant 0 : i32
    %dma_wait3A_728 = tpu.memref_slice %arg4[%dma_wait3A_726, %dma_wait3A_727] : memref<256x128xf32, #tpu.memory_space<vmem>> -> memref<8x128xf32, #tpu.memory_space<vmem>>
    %dma_wait3A_729 = arith.constant 0 : i32
    %dma_wait3A_730 = tpu.memref_slice %arg2[%add3A, %add3A_139, %dma_wait3A_729] : memref<4x512x512xf32, #tpu.memory_space<hbm>> -> memref<1x8x128xf32, #tpu.memory_space<hbm>>
    %dma_wait3A_731 = tpu.memref_squeeze %dma_wait3A_730 : memref<1x8x128xf32, #tpu.memory_space<hbm>> -> memref<8x128xf32, #tpu.memory_space<hbm>>
    tpu.wait_dma2 semaphore(%arg12 : memref<!tpu.dma_semaphore, #tpu.memory_space<semaphore_mem>>) src(%dma_wait3A_731 : memref<8x128xf32, #tpu.memory_space<hbm>>) dst(%dma_wait3A_728 : memref<8x128xf32, #tpu.memory_space<vmem>>)
    %dma_wait3A_732 = arith.constant 40 : i32
    %dma_wait3A_733 = arith.constant 0 : i32
    %dma_wait3A_734 = tpu.memref_slice %arg4[%dma_wait3A_732, %dma_wait3A_733] : memref<256x128xf32, #tpu.memory_space<vmem>> -> memref<8x128xf32, #tpu.memory_space<vmem>>
    %dma_wait3A_735 = arith.constant 128 : i32
    %dma_wait3A_736 = tpu.memref_slice %arg2[%add3A, %add3A_157, %dma_wait3A_735] : memref<4x512x512xf32, #tpu.memory_space<hbm>> -> memref<1x8x128xf32, #tpu.memory_space<hbm>>
    %dma_wait3A_737 = tpu.memref_squeeze %dma_wait3A_736 : memref<1x8x128xf32, #tpu.memory_space<hbm>> -> memref<8x128xf32, #tpu.memory_space<hbm>>
    %dma_wait3A_738 = arith.constant 40 : i32
    %dma_wait3A_739 = arith.constant 0 : i32
    %dma_wait3A_740 = tpu.memref_slice %arg4[%dma_wait3A_738, %dma_wait3A_739] : memref<256x128xf32, #tpu.memory_space<vmem>> -> memref<8x128xf32, #tpu.memory_space<vmem>>
    %dma_wait3A_741 = arith.constant 128 : i32
    %dma_wait3A_742 = tpu.memref_slice %arg2[%add3A, %add3A_157, %dma_wait3A_741] : memref<4x512x512xf32, #tpu.memory_space<hbm>> -> memref<1x8x128xf32, #tpu.memory_space<hbm>>
    %dma_wait3A_743 = tpu.memref_squeeze %dma_wait3A_742 : memref<1x8x128xf32, #tpu.memory_space<hbm>> -> memref<8x128xf32, #tpu.memory_space<hbm>>
    tpu.wait_dma2 semaphore(%arg12 : memref<!tpu.dma_semaphore, #tpu.memory_space<semaphore_mem>>) src(%dma_wait3A_743 : memref<8x128xf32, #tpu.memory_space<hbm>>) dst(%dma_wait3A_740 : memref<8x128xf32, #tpu.memory_space<vmem>>)
    %dma_wait3A_744 = arith.constant 48 : i32
    %dma_wait3A_745 = arith.constant 0 : i32
    %dma_wait3A_746 = tpu.memref_slice %arg4[%dma_wait3A_744, %dma_wait3A_745] : memref<256x128xf32, #tpu.memory_space<vmem>> -> memref<8x128xf32, #tpu.memory_space<vmem>>
    %dma_wait3A_747 = arith.constant 256 : i32
    %dma_wait3A_748 = tpu.memref_slice %arg2[%add3A, %add3A_175, %dma_wait3A_747] : memref<4x512x512xf32, #tpu.memory_space<hbm>> -> memref<1x8x128xf32, #tpu.memory_space<hbm>>
    %dma_wait3A_749 = tpu.memref_squeeze %dma_wait3A_748 : memref<1x8x128xf32, #tpu.memory_space<hbm>> -> memref<8x128xf32, #tpu.memory_space<hbm>>
    %dma_wait3A_750 = arith.constant 48 : i32
    %dma_wait3A_751 = arith.constant 0 : i32
    %dma_wait3A_752 = tpu.memref_slice %arg4[%dma_wait3A_750, %dma_wait3A_751] : memref<256x128xf32, #tpu.memory_space<vmem>> -> memref<8x128xf32, #tpu.memory_space<vmem>>
    %dma_wait3A_753 = arith.constant 256 : i32
    %dma_wait3A_754 = tpu.memref_slice %arg2[%add3A, %add3A_175, %dma_wait3A_753] : memref<4x512x512xf32, #tpu.memory_space<hbm>> -> memref<1x8x128xf32, #tpu.memory_space<hbm>>
    %dma_wait3A_755 = tpu.memref_squeeze %dma_wait3A_754 : memref<1x8x128xf32, #tpu.memory_space<hbm>> -> memref<8x128xf32, #tpu.memory_space<hbm>>
    tpu.wait_dma2 semaphore(%arg12 : memref<!tpu.dma_semaphore, #tpu.memory_space<semaphore_mem>>) src(%dma_wait3A_755 : memref<8x128xf32, #tpu.memory_space<hbm>>) dst(%dma_wait3A_752 : memref<8x128xf32, #tpu.memory_space<vmem>>)
    %dma_wait3A_756 = arith.constant 56 : i32
    %dma_wait3A_757 = arith.constant 0 : i32
    %dma_wait3A_758 = tpu.memref_slice %arg4[%dma_wait3A_756, %dma_wait3A_757] : memref<256x128xf32, #tpu.memory_space<vmem>> -> memref<8x128xf32, #tpu.memory_space<vmem>>
    %dma_wait3A_759 = arith.constant 384 : i32
    %dma_wait3A_760 = tpu.memref_slice %arg2[%add3A, %add3A_193, %dma_wait3A_759] : memref<4x512x512xf32, #tpu.memory_space<hbm>> -> memref<1x8x128xf32, #tpu.memory_space<hbm>>
    %dma_wait3A_761 = tpu.memref_squeeze %dma_wait3A_760 : memref<1x8x128xf32, #tpu.memory_space<hbm>> -> memref<8x128xf32, #tpu.memory_space<hbm>>
    %dma_wait3A_762 = arith.constant 56 : i32
    %dma_wait3A_763 = arith.constant 0 : i32
    %dma_wait3A_764 = tpu.memref_slice %arg4[%dma_wait3A_762, %dma_wait3A_763] : memref<256x128xf32, #tpu.memory_space<vmem>> -> memref<8x128xf32, #tpu.memory_space<vmem>>
    %dma_wait3A_765 = arith.constant 384 : i32
    %dma_wait3A_766 = tpu.memref_slice %arg2[%add3A, %add3A_193, %dma_wait3A_765] : memref<4x512x512xf32, #tpu.memory_space<hbm>> -> memref<1x8x128xf32, #tpu.memory_space<hbm>>
    %dma_wait3A_767 = tpu.memref_squeeze %dma_wait3A_766 : memref<1x8x128xf32, #tpu.memory_space<hbm>> -> memref<8x128xf32, #tpu.memory_space<hbm>>
    tpu.wait_dma2 semaphore(%arg12 : memref<!tpu.dma_semaphore, #tpu.memory_space<semaphore_mem>>) src(%dma_wait3A_767 : memref<8x128xf32, #tpu.memory_space<hbm>>) dst(%dma_wait3A_764 : memref<8x128xf32, #tpu.memory_space<vmem>>)
    %dma_wait3A_768 = arith.constant 64 : i32
    %dma_wait3A_769 = arith.constant 0 : i32
    %dma_wait3A_770 = tpu.memref_slice %arg4[%dma_wait3A_768, %dma_wait3A_769] : memref<256x128xf32, #tpu.memory_space<vmem>> -> memref<8x128xf32, #tpu.memory_space<vmem>>
    %dma_wait3A_771 = arith.constant 0 : i32
    %dma_wait3A_772 = tpu.memref_slice %arg2[%add3A, %add3A_211, %dma_wait3A_771] : memref<4x512x512xf32, #tpu.memory_space<hbm>> -> memref<1x8x128xf32, #tpu.memory_space<hbm>>
    %dma_wait3A_773 = tpu.memref_squeeze %dma_wait3A_772 : memref<1x8x128xf32, #tpu.memory_space<hbm>> -> memref<8x128xf32, #tpu.memory_space<hbm>>
    %dma_wait3A_774 = arith.constant 64 : i32
    %dma_wait3A_775 = arith.constant 0 : i32
    %dma_wait3A_776 = tpu.memref_slice %arg4[%dma_wait3A_774, %dma_wait3A_775] : memref<256x128xf32, #tpu.memory_space<vmem>> -> memref<8x128xf32, #tpu.memory_space<vmem>>
    %dma_wait3A_777 = arith.constant 0 : i32
    %dma_wait3A_778 = tpu.memref_slice %arg2[%add3A, %add3A_211, %dma_wait3A_777] : memref<4x512x512xf32, #tpu.memory_space<hbm>> -> memref<1x8x128xf32, #tpu.memory_space<hbm>>
    %dma_wait3A_779 = tpu.memref_squeeze %dma_wait3A_778 : memref<1x8x128xf32, #tpu.memory_space<hbm>> -> memref<8x128xf32, #tpu.memory_space<hbm>>
    tpu.wait_dma2 semaphore(%arg12 : memref<!tpu.dma_semaphore, #tpu.memory_space<semaphore_mem>>) src(%dma_wait3A_779 : memref<8x128xf32, #tpu.memory_space<hbm>>) dst(%dma_wait3A_776 : memref<8x128xf32, #tpu.memory_space<vmem>>)
    %dma_wait3A_780 = arith.constant 72 : i32
    %dma_wait3A_781 = arith.constant 0 : i32
    %dma_wait3A_782 = tpu.memref_slice %arg4[%dma_wait3A_780, %dma_wait3A_781] : memref<256x128xf32, #tpu.memory_space<vmem>> -> memref<8x128xf32, #tpu.memory_space<vmem>>
    %dma_wait3A_783 = arith.constant 128 : i32
    %dma_wait3A_784 = tpu.memref_slice %arg2[%add3A, %add3A_229, %dma_wait3A_783] : memref<4x512x512xf32, #tpu.memory_space<hbm>> -> memref<1x8x128xf32, #tpu.memory_space<hbm>>
    %dma_wait3A_785 = tpu.memref_squeeze %dma_wait3A_784 : memref<1x8x128xf32, #tpu.memory_space<hbm>> -> memref<8x128xf32, #tpu.memory_space<hbm>>
    %dma_wait3A_786 = arith.constant 72 : i32
    %dma_wait3A_787 = arith.constant 0 : i32
    %dma_wait3A_788 = tpu.memref_slice %arg4[%dma_wait3A_786, %dma_wait3A_787] : memref<256x128xf32, #tpu.memory_space<vmem>> -> memref<8x128xf32, #tpu.memory_space<vmem>>
    %dma_wait3A_789 = arith.constant 128 : i32
    %dma_wait3A_790 = tpu.memref_slice %arg2[%add3A, %add3A_229, %dma_wait3A_789] : memref<4x512x512xf32, #tpu.memory_space<hbm>> -> memref<1x8x128xf32, #tpu.memory_space<hbm>>
    %dma_wait3A_791 = tpu.memref_squeeze %dma_wait3A_790 : memref<1x8x128xf32, #tpu.memory_space<hbm>> -> memref<8x128xf32, #tpu.memory_space<hbm>>
    tpu.wait_dma2 semaphore(%arg12 : memref<!tpu.dma_semaphore, #tpu.memory_space<semaphore_mem>>) src(%dma_wait3A_791 : memref<8x128xf32, #tpu.memory_space<hbm>>) dst(%dma_wait3A_788 : memref<8x128xf32, #tpu.memory_space<vmem>>)
    %dma_wait3A_792 = arith.constant 80 : i32
    %dma_wait3A_793 = arith.constant 0 : i32
    %dma_wait3A_794 = tpu.memref_slice %arg4[%dma_wait3A_792, %dma_wait3A_793] : memref<256x128xf32, #tpu.memory_space<vmem>> -> memref<8x128xf32, #tpu.memory_space<vmem>>
    %dma_wait3A_795 = arith.constant 256 : i32
    %dma_wait3A_796 = tpu.memref_slice %arg2[%add3A, %add3A_247, %dma_wait3A_795] : memref<4x512x512xf32, #tpu.memory_space<hbm>> -> memref<1x8x128xf32, #tpu.memory_space<hbm>>
    %dma_wait3A_797 = tpu.memref_squeeze %dma_wait3A_796 : memref<1x8x128xf32, #tpu.memory_space<hbm>> -> memref<8x128xf32, #tpu.memory_space<hbm>>
    %dma_wait3A_798 = arith.constant 80 : i32
    %dma_wait3A_799 = arith.constant 0 : i32
    %dma_wait3A_800 = tpu.memref_slice %arg4[%dma_wait3A_798, %dma_wait3A_799] : memref<256x128xf32, #tpu.memory_space<vmem>> -> memref<8x128xf32, #tpu.memory_space<vmem>>
    %dma_wait3A_801 = arith.constant 256 : i32
    %dma_wait3A_802 = tpu.memref_slice %arg2[%add3A, %add3A_247, %dma_wait3A_801] : memref<4x512x512xf32, #tpu.memory_space<hbm>> -> memref<1x8x128xf32, #tpu.memory_space<hbm>>
    %dma_wait3A_803 = tpu.memref_squeeze %dma_wait3A_802 : memref<1x8x128xf32, #tpu.memory_space<hbm>> -> memref<8x128xf32, #tpu.memory_space<hbm>>
    tpu.wait_dma2 semaphore(%arg12 : memref<!tpu.dma_semaphore, #tpu.memory_space<semaphore_mem>>) src(%dma_wait3A_803 : memref<8x128xf32, #tpu.memory_space<hbm>>) dst(%dma_wait3A_800 : memref<8x128xf32, #tpu.memory_space<vmem>>)
    %dma_wait3A_804 = arith.constant 88 : i32
    %dma_wait3A_805 = arith.constant 0 : i32
    %dma_wait3A_806 = tpu.memref_slice %arg4[%dma_wait3A_804, %dma_wait3A_805] : memref<256x128xf32, #tpu.memory_space<vmem>> -> memref<8x128xf32, #tpu.memory_space<vmem>>
    %dma_wait3A_807 = arith.constant 384 : i32
    %dma_wait3A_808 = tpu.memref_slice %arg2[%add3A, %add3A_265, %dma_wait3A_807] : memref<4x512x512xf32, #tpu.memory_space<hbm>> -> memref<1x8x128xf32, #tpu.memory_space<hbm>>
    %dma_wait3A_809 = tpu.memref_squeeze %dma_wait3A_808 : memref<1x8x128xf32, #tpu.memory_space<hbm>> -> memref<8x128xf32, #tpu.memory_space<hbm>>
    %dma_wait3A_810 = arith.constant 88 : i32
    %dma_wait3A_811 = arith.constant 0 : i32
    %dma_wait3A_812 = tpu.memref_slice %arg4[%dma_wait3A_810, %dma_wait3A_811] : memref<256x128xf32, #tpu.memory_space<vmem>> -> memref<8x128xf32, #tpu.memory_space<vmem>>
    %dma_wait3A_813 = arith.constant 384 : i32
    %dma_wait3A_814 = tpu.memref_slice %arg2[%add3A, %add3A_265, %dma_wait3A_813] : memref<4x512x512xf32, #tpu.memory_space<hbm>> -> memref<1x8x128xf32, #tpu.memory_space<hbm>>
    %dma_wait3A_815 = tpu.memref_squeeze %dma_wait3A_814 : memref<1x8x128xf32, #tpu.memory_space<hbm>> -> memref<8x128xf32, #tpu.memory_space<hbm>>
    tpu.wait_dma2 semaphore(%arg12 : memref<!tpu.dma_semaphore, #tpu.memory_space<semaphore_mem>>) src(%dma_wait3A_815 : memref<8x128xf32, #tpu.memory_space<hbm>>) dst(%dma_wait3A_812 : memref<8x128xf32, #tpu.memory_space<vmem>>)
    %dma_wait3A_816 = arith.constant 96 : i32
    %dma_wait3A_817 = arith.constant 0 : i32
    %dma_wait3A_818 = tpu.memref_slice %arg4[%dma_wait3A_816, %dma_wait3A_817] : memref<256x128xf32, #tpu.memory_space<vmem>> -> memref<8x128xf32, #tpu.memory_space<vmem>>
    %dma_wait3A_819 = arith.constant 0 : i32
    %dma_wait3A_820 = tpu.memref_slice %arg2[%add3A, %add3A_283, %dma_wait3A_819] : memref<4x512x512xf32, #tpu.memory_space<hbm>> -> memref<1x8x128xf32, #tpu.memory_space<hbm>>
    %dma_wait3A_821 = tpu.memref_squeeze %dma_wait3A_820 : memref<1x8x128xf32, #tpu.memory_space<hbm>> -> memref<8x128xf32, #tpu.memory_space<hbm>>
    %dma_wait3A_822 = arith.constant 96 : i32
    %dma_wait3A_823 = arith.constant 0 : i32
    %dma_wait3A_824 = tpu.memref_slice %arg4[%dma_wait3A_822, %dma_wait3A_823] : memref<256x128xf32, #tpu.memory_space<vmem>> -> memref<8x128xf32, #tpu.memory_space<vmem>>
    %dma_wait3A_825 = arith.constant 0 : i32
    %dma_wait3A_826 = tpu.memref_slice %arg2[%add3A, %add3A_283, %dma_wait3A_825] : memref<4x512x512xf32, #tpu.memory_space<hbm>> -> memref<1x8x128xf32, #tpu.memory_space<hbm>>
    %dma_wait3A_827 = tpu.memref_squeeze %dma_wait3A_826 : memref<1x8x128xf32, #tpu.memory_space<hbm>> -> memref<8x128xf32, #tpu.memory_space<hbm>>
    tpu.wait_dma2 semaphore(%arg12 : memref<!tpu.dma_semaphore, #tpu.memory_space<semaphore_mem>>) src(%dma_wait3A_827 : memref<8x128xf32, #tpu.memory_space<hbm>>) dst(%dma_wait3A_824 : memref<8x128xf32, #tpu.memory_space<vmem>>)
    %dma_wait3A_828 = arith.constant 104 : i32
    %dma_wait3A_829 = arith.constant 0 : i32
    %dma_wait3A_830 = tpu.memref_slice %arg4[%dma_wait3A_828, %dma_wait3A_829] : memref<256x128xf32, #tpu.memory_space<vmem>> -> memref<8x128xf32, #tpu.memory_space<vmem>>
    %dma_wait3A_831 = arith.constant 128 : i32
    %dma_wait3A_832 = tpu.memref_slice %arg2[%add3A, %add3A_301, %dma_wait3A_831] : memref<4x512x512xf32, #tpu.memory_space<hbm>> -> memref<1x8x128xf32, #tpu.memory_space<hbm>>
    %dma_wait3A_833 = tpu.memref_squeeze %dma_wait3A_832 : memref<1x8x128xf32, #tpu.memory_space<hbm>> -> memref<8x128xf32, #tpu.memory_space<hbm>>
    %dma_wait3A_834 = arith.constant 104 : i32
    %dma_wait3A_835 = arith.constant 0 : i32
    %dma_wait3A_836 = tpu.memref_slice %arg4[%dma_wait3A_834, %dma_wait3A_835] : memref<256x128xf32, #tpu.memory_space<vmem>> -> memref<8x128xf32, #tpu.memory_space<vmem>>
    %dma_wait3A_837 = arith.constant 128 : i32
    %dma_wait3A_838 = tpu.memref_slice %arg2[%add3A, %add3A_301, %dma_wait3A_837] : memref<4x512x512xf32, #tpu.memory_space<hbm>> -> memref<1x8x128xf32, #tpu.memory_space<hbm>>
    %dma_wait3A_839 = tpu.memref_squeeze %dma_wait3A_838 : memref<1x8x128xf32, #tpu.memory_space<hbm>> -> memref<8x128xf32, #tpu.memory_space<hbm>>
    tpu.wait_dma2 semaphore(%arg12 : memref<!tpu.dma_semaphore, #tpu.memory_space<semaphore_mem>>) src(%dma_wait3A_839 : memref<8x128xf32, #tpu.memory_space<hbm>>) dst(%dma_wait3A_836 : memref<8x128xf32, #tpu.memory_space<vmem>>)
    %dma_wait3A_840 = arith.constant 112 : i32
    %dma_wait3A_841 = arith.constant 0 : i32
    %dma_wait3A_842 = tpu.memref_slice %arg4[%dma_wait3A_840, %dma_wait3A_841] : memref<256x128xf32, #tpu.memory_space<vmem>> -> memref<8x128xf32, #tpu.memory_space<vmem>>
    %dma_wait3A_843 = arith.constant 256 : i32
    %dma_wait3A_844 = tpu.memref_slice %arg2[%add3A, %add3A_319, %dma_wait3A_843] : memref<4x512x512xf32, #tpu.memory_space<hbm>> -> memref<1x8x128xf32, #tpu.memory_space<hbm>>
    %dma_wait3A_845 = tpu.memref_squeeze %dma_wait3A_844 : memref<1x8x128xf32, #tpu.memory_space<hbm>> -> memref<8x128xf32, #tpu.memory_space<hbm>>
    %dma_wait3A_846 = arith.constant 112 : i32
    %dma_wait3A_847 = arith.constant 0 : i32
    %dma_wait3A_848 = tpu.memref_slice %arg4[%dma_wait3A_846, %dma_wait3A_847] : memref<256x128xf32, #tpu.memory_space<vmem>> -> memref<8x128xf32, #tpu.memory_space<vmem>>
    %dma_wait3A_849 = arith.constant 256 : i32
    %dma_wait3A_850 = tpu.memref_slice %arg2[%add3A, %add3A_319, %dma_wait3A_849] : memref<4x512x512xf32, #tpu.memory_space<hbm>> -> memref<1x8x128xf32, #tpu.memory_space<hbm>>
    %dma_wait3A_851 = tpu.memref_squeeze %dma_wait3A_850 : memref<1x8x128xf32, #tpu.memory_space<hbm>> -> memref<8x128xf32, #tpu.memory_space<hbm>>
    tpu.wait_dma2 semaphore(%arg12 : memref<!tpu.dma_semaphore, #tpu.memory_space<semaphore_mem>>) src(%dma_wait3A_851 : memref<8x128xf32, #tpu.memory_space<hbm>>) dst(%dma_wait3A_848 : memref<8x128xf32, #tpu.memory_space<vmem>>)
    %dma_wait3A_852 = arith.constant 120 : i32
    %dma_wait3A_853 = arith.constant 0 : i32
    %dma_wait3A_854 = tpu.memref_slice %arg4[%dma_wait3A_852, %dma_wait3A_853] : memref<256x128xf32, #tpu.memory_space<vmem>> -> memref<8x128xf32, #tpu.memory_space<vmem>>
    %dma_wait3A_855 = arith.constant 384 : i32
    %dma_wait3A_856 = tpu.memref_slice %arg2[%add3A, %add3A_337, %dma_wait3A_855] : memref<4x512x512xf32, #tpu.memory_space<hbm>> -> memref<1x8x128xf32, #tpu.memory_space<hbm>>
    %dma_wait3A_857 = tpu.memref_squeeze %dma_wait3A_856 : memref<1x8x128xf32, #tpu.memory_space<hbm>> -> memref<8x128xf32, #tpu.memory_space<hbm>>
    %dma_wait3A_858 = arith.constant 120 : i32
    %dma_wait3A_859 = arith.constant 0 : i32
    %dma_wait3A_860 = tpu.memref_slice %arg4[%dma_wait3A_858, %dma_wait3A_859] : memref<256x128xf32, #tpu.memory_space<vmem>> -> memref<8x128xf32, #tpu.memory_space<vmem>>
    %dma_wait3A_861 = arith.constant 384 : i32
    %dma_wait3A_862 = tpu.memref_slice %arg2[%add3A, %add3A_337, %dma_wait3A_861] : memref<4x512x512xf32, #tpu.memory_space<hbm>> -> memref<1x8x128xf32, #tpu.memory_space<hbm>>
    %dma_wait3A_863 = tpu.memref_squeeze %dma_wait3A_862 : memref<1x8x128xf32, #tpu.memory_space<hbm>> -> memref<8x128xf32, #tpu.memory_space<hbm>>
    tpu.wait_dma2 semaphore(%arg12 : memref<!tpu.dma_semaphore, #tpu.memory_space<semaphore_mem>>) src(%dma_wait3A_863 : memref<8x128xf32, #tpu.memory_space<hbm>>) dst(%dma_wait3A_860 : memref<8x128xf32, #tpu.memory_space<vmem>>)
    %dma_wait3A_864 = arith.constant 128 : i32
    %dma_wait3A_865 = arith.constant 0 : i32
    %dma_wait3A_866 = tpu.memref_slice %arg4[%dma_wait3A_864, %dma_wait3A_865] : memref<256x128xf32, #tpu.memory_space<vmem>> -> memref<8x128xf32, #tpu.memory_space<vmem>>
    %dma_wait3A_867 = arith.constant 0 : i32
    %dma_wait3A_868 = tpu.memref_slice %arg2[%add3A, %add3A_355, %dma_wait3A_867] : memref<4x512x512xf32, #tpu.memory_space<hbm>> -> memref<1x8x128xf32, #tpu.memory_space<hbm>>
    %dma_wait3A_869 = tpu.memref_squeeze %dma_wait3A_868 : memref<1x8x128xf32, #tpu.memory_space<hbm>> -> memref<8x128xf32, #tpu.memory_space<hbm>>
    %dma_wait3A_870 = arith.constant 128 : i32
    %dma_wait3A_871 = arith.constant 0 : i32
    %dma_wait3A_872 = tpu.memref_slice %arg4[%dma_wait3A_870, %dma_wait3A_871] : memref<256x128xf32, #tpu.memory_space<vmem>> -> memref<8x128xf32, #tpu.memory_space<vmem>>
    %dma_wait3A_873 = arith.constant 0 : i32
    %dma_wait3A_874 = tpu.memref_slice %arg2[%add3A, %add3A_355, %dma_wait3A_873] : memref<4x512x512xf32, #tpu.memory_space<hbm>> -> memref<1x8x128xf32, #tpu.memory_space<hbm>>
    %dma_wait3A_875 = tpu.memref_squeeze %dma_wait3A_874 : memref<1x8x128xf32, #tpu.memory_space<hbm>> -> memref<8x128xf32, #tpu.memory_space<hbm>>
    tpu.wait_dma2 semaphore(%arg12 : memref<!tpu.dma_semaphore, #tpu.memory_space<semaphore_mem>>) src(%dma_wait3A_875 : memref<8x128xf32, #tpu.memory_space<hbm>>) dst(%dma_wait3A_872 : memref<8x128xf32, #tpu.memory_space<vmem>>)
    %dma_wait3A_876 = arith.constant 136 : i32
    %dma_wait3A_877 = arith.constant 0 : i32
    %dma_wait3A_878 = tpu.memref_slice %arg4[%dma_wait3A_876, %dma_wait3A_877] : memref<256x128xf32, #tpu.memory_space<vmem>> -> memref<8x128xf32, #tpu.memory_space<vmem>>
    %dma_wait3A_879 = arith.constant 128 : i32
    %dma_wait3A_880 = tpu.memref_slice %arg2[%add3A, %add3A_373, %dma_wait3A_879] : memref<4x512x512xf32, #tpu.memory_space<hbm>> -> memref<1x8x128xf32, #tpu.memory_space<hbm>>
    %dma_wait3A_881 = tpu.memref_squeeze %dma_wait3A_880 : memref<1x8x128xf32, #tpu.memory_space<hbm>> -> memref<8x128xf32, #tpu.memory_space<hbm>>
    %dma_wait3A_882 = arith.constant 136 : i32
    %dma_wait3A_883 = arith.constant 0 : i32
    %dma_wait3A_884 = tpu.memref_slice %arg4[%dma_wait3A_882, %dma_wait3A_883] : memref<256x128xf32, #tpu.memory_space<vmem>> -> memref<8x128xf32, #tpu.memory_space<vmem>>
    %dma_wait3A_885 = arith.constant 128 : i32
    %dma_wait3A_886 = tpu.memref_slice %arg2[%add3A, %add3A_373, %dma_wait3A_885] : memref<4x512x512xf32, #tpu.memory_space<hbm>> -> memref<1x8x128xf32, #tpu.memory_space<hbm>>
    %dma_wait3A_887 = tpu.memref_squeeze %dma_wait3A_886 : memref<1x8x128xf32, #tpu.memory_space<hbm>> -> memref<8x128xf32, #tpu.memory_space<hbm>>
    tpu.wait_dma2 semaphore(%arg12 : memref<!tpu.dma_semaphore, #tpu.memory_space<semaphore_mem>>) src(%dma_wait3A_887 : memref<8x128xf32, #tpu.memory_space<hbm>>) dst(%dma_wait3A_884 : memref<8x128xf32, #tpu.memory_space<vmem>>)
    %dma_wait3A_888 = arith.constant 144 : i32
    %dma_wait3A_889 = arith.constant 0 : i32
    %dma_wait3A_890 = tpu.memref_slice %arg4[%dma_wait3A_888, %dma_wait3A_889] : memref<256x128xf32, #tpu.memory_space<vmem>> -> memref<8x128xf32, #tpu.memory_space<vmem>>
    %dma_wait3A_891 = arith.constant 256 : i32
    %dma_wait3A_892 = tpu.memref_slice %arg2[%add3A, %add3A_391, %dma_wait3A_891] : memref<4x512x512xf32, #tpu.memory_space<hbm>> -> memref<1x8x128xf32, #tpu.memory_space<hbm>>
    %dma_wait3A_893 = tpu.memref_squeeze %dma_wait3A_892 : memref<1x8x128xf32, #tpu.memory_space<hbm>> -> memref<8x128xf32, #tpu.memory_space<hbm>>
    %dma_wait3A_894 = arith.constant 144 : i32
    %dma_wait3A_895 = arith.constant 0 : i32
    %dma_wait3A_896 = tpu.memref_slice %arg4[%dma_wait3A_894, %dma_wait3A_895] : memref<256x128xf32, #tpu.memory_space<vmem>> -> memref<8x128xf32, #tpu.memory_space<vmem>>
    %dma_wait3A_897 = arith.constant 256 : i32
    %dma_wait3A_898 = tpu.memref_slice %arg2[%add3A, %add3A_391, %dma_wait3A_897] : memref<4x512x512xf32, #tpu.memory_space<hbm>> -> memref<1x8x128xf32, #tpu.memory_space<hbm>>
    %dma_wait3A_899 = tpu.memref_squeeze %dma_wait3A_898 : memref<1x8x128xf32, #tpu.memory_space<hbm>> -> memref<8x128xf32, #tpu.memory_space<hbm>>
    tpu.wait_dma2 semaphore(%arg12 : memref<!tpu.dma_semaphore, #tpu.memory_space<semaphore_mem>>) src(%dma_wait3A_899 : memref<8x128xf32, #tpu.memory_space<hbm>>) dst(%dma_wait3A_896 : memref<8x128xf32, #tpu.memory_space<vmem>>)
    %dma_wait3A_900 = arith.constant 152 : i32
    %dma_wait3A_901 = arith.constant 0 : i32
    %dma_wait3A_902 = tpu.memref_slice %arg4[%dma_wait3A_900, %dma_wait3A_901] : memref<256x128xf32, #tpu.memory_space<vmem>> -> memref<8x128xf32, #tpu.memory_space<vmem>>
    %dma_wait3A_903 = arith.constant 384 : i32
    %dma_wait3A_904 = tpu.memref_slice %arg2[%add3A, %add3A_409, %dma_wait3A_903] : memref<4x512x512xf32, #tpu.memory_space<hbm>> -> memref<1x8x128xf32, #tpu.memory_space<hbm>>
    %dma_wait3A_905 = tpu.memref_squeeze %dma_wait3A_904 : memref<1x8x128xf32, #tpu.memory_space<hbm>> -> memref<8x128xf32, #tpu.memory_space<hbm>>
    %dma_wait3A_906 = arith.constant 152 : i32
    %dma_wait3A_907 = arith.constant 0 : i32
    %dma_wait3A_908 = tpu.memref_slice %arg4[%dma_wait3A_906, %dma_wait3A_907] : memref<256x128xf32, #tpu.memory_space<vmem>> -> memref<8x128xf32, #tpu.memory_space<vmem>>
    %dma_wait3A_909 = arith.constant 384 : i32
    %dma_wait3A_910 = tpu.memref_slice %arg2[%add3A, %add3A_409, %dma_wait3A_909] : memref<4x512x512xf32, #tpu.memory_space<hbm>> -> memref<1x8x128xf32, #tpu.memory_space<hbm>>
    %dma_wait3A_911 = tpu.memref_squeeze %dma_wait3A_910 : memref<1x8x128xf32, #tpu.memory_space<hbm>> -> memref<8x128xf32, #tpu.memory_space<hbm>>
    tpu.wait_dma2 semaphore(%arg12 : memref<!tpu.dma_semaphore, #tpu.memory_space<semaphore_mem>>) src(%dma_wait3A_911 : memref<8x128xf32, #tpu.memory_space<hbm>>) dst(%dma_wait3A_908 : memref<8x128xf32, #tpu.memory_space<vmem>>)
    %dma_wait3A_912 = arith.constant 160 : i32
    %dma_wait3A_913 = arith.constant 0 : i32
    %dma_wait3A_914 = tpu.memref_slice %arg4[%dma_wait3A_912, %dma_wait3A_913] : memref<256x128xf32, #tpu.memory_space<vmem>> -> memref<8x128xf32, #tpu.memory_space<vmem>>
    %dma_wait3A_915 = arith.constant 0 : i32
    %dma_wait3A_916 = tpu.memref_slice %arg2[%add3A, %add3A_427, %dma_wait3A_915] : memref<4x512x512xf32, #tpu.memory_space<hbm>> -> memref<1x8x128xf32, #tpu.memory_space<hbm>>
    %dma_wait3A_917 = tpu.memref_squeeze %dma_wait3A_916 : memref<1x8x128xf32, #tpu.memory_space<hbm>> -> memref<8x128xf32, #tpu.memory_space<hbm>>
    %dma_wait3A_918 = arith.constant 160 : i32
    %dma_wait3A_919 = arith.constant 0 : i32
    %dma_wait3A_920 = tpu.memref_slice %arg4[%dma_wait3A_918, %dma_wait3A_919] : memref<256x128xf32, #tpu.memory_space<vmem>> -> memref<8x128xf32, #tpu.memory_space<vmem>>
    %dma_wait3A_921 = arith.constant 0 : i32
    %dma_wait3A_922 = tpu.memref_slice %arg2[%add3A, %add3A_427, %dma_wait3A_921] : memref<4x512x512xf32, #tpu.memory_space<hbm>> -> memref<1x8x128xf32, #tpu.memory_space<hbm>>
    %dma_wait3A_923 = tpu.memref_squeeze %dma_wait3A_922 : memref<1x8x128xf32, #tpu.memory_space<hbm>> -> memref<8x128xf32, #tpu.memory_space<hbm>>
    tpu.wait_dma2 semaphore(%arg12 : memref<!tpu.dma_semaphore, #tpu.memory_space<semaphore_mem>>) src(%dma_wait3A_923 : memref<8x128xf32, #tpu.memory_space<hbm>>) dst(%dma_wait3A_920 : memref<8x128xf32, #tpu.memory_space<vmem>>)
    %dma_wait3A_924 = arith.constant 168 : i32
    %dma_wait3A_925 = arith.constant 0 : i32
    %dma_wait3A_926 = tpu.memref_slice %arg4[%dma_wait3A_924, %dma_wait3A_925] : memref<256x128xf32, #tpu.memory_space<vmem>> -> memref<8x128xf32, #tpu.memory_space<vmem>>
    %dma_wait3A_927 = arith.constant 128 : i32
    %dma_wait3A_928 = tpu.memref_slice %arg2[%add3A, %add3A_445, %dma_wait3A_927] : memref<4x512x512xf32, #tpu.memory_space<hbm>> -> memref<1x8x128xf32, #tpu.memory_space<hbm>>
    %dma_wait3A_929 = tpu.memref_squeeze %dma_wait3A_928 : memref<1x8x128xf32, #tpu.memory_space<hbm>> -> memref<8x128xf32, #tpu.memory_space<hbm>>
    %dma_wait3A_930 = arith.constant 168 : i32
    %dma_wait3A_931 = arith.constant 0 : i32
    %dma_wait3A_932 = tpu.memref_slice %arg4[%dma_wait3A_930, %dma_wait3A_931] : memref<256x128xf32, #tpu.memory_space<vmem>> -> memref<8x128xf32, #tpu.memory_space<vmem>>
    %dma_wait3A_933 = arith.constant 128 : i32
    %dma_wait3A_934 = tpu.memref_slice %arg2[%add3A, %add3A_445, %dma_wait3A_933] : memref<4x512x512xf32, #tpu.memory_space<hbm>> -> memref<1x8x128xf32, #tpu.memory_space<hbm>>
    %dma_wait3A_935 = tpu.memref_squeeze %dma_wait3A_934 : memref<1x8x128xf32, #tpu.memory_space<hbm>> -> memref<8x128xf32, #tpu.memory_space<hbm>>
    tpu.wait_dma2 semaphore(%arg12 : memref<!tpu.dma_semaphore, #tpu.memory_space<semaphore_mem>>) src(%dma_wait3A_935 : memref<8x128xf32, #tpu.memory_space<hbm>>) dst(%dma_wait3A_932 : memref<8x128xf32, #tpu.memory_space<vmem>>)
    %dma_wait3A_936 = arith.constant 176 : i32
    %dma_wait3A_937 = arith.constant 0 : i32
    %dma_wait3A_938 = tpu.memref_slice %arg4[%dma_wait3A_936, %dma_wait3A_937] : memref<256x128xf32, #tpu.memory_space<vmem>> -> memref<8x128xf32, #tpu.memory_space<vmem>>
    %dma_wait3A_939 = arith.constant 256 : i32
    %dma_wait3A_940 = tpu.memref_slice %arg2[%add3A, %add3A_463, %dma_wait3A_939] : memref<4x512x512xf32, #tpu.memory_space<hbm>> -> memref<1x8x128xf32, #tpu.memory_space<hbm>>
    %dma_wait3A_941 = tpu.memref_squeeze %dma_wait3A_940 : memref<1x8x128xf32, #tpu.memory_space<hbm>> -> memref<8x128xf32, #tpu.memory_space<hbm>>
    %dma_wait3A_942 = arith.constant 176 : i32
    %dma_wait3A_943 = arith.constant 0 : i32
    %dma_wait3A_944 = tpu.memref_slice %arg4[%dma_wait3A_942, %dma_wait3A_943] : memref<256x128xf32, #tpu.memory_space<vmem>> -> memref<8x128xf32, #tpu.memory_space<vmem>>
    %dma_wait3A_945 = arith.constant 256 : i32
    %dma_wait3A_946 = tpu.memref_slice %arg2[%add3A, %add3A_463, %dma_wait3A_945] : memref<4x512x512xf32, #tpu.memory_space<hbm>> -> memref<1x8x128xf32, #tpu.memory_space<hbm>>
    %dma_wait3A_947 = tpu.memref_squeeze %dma_wait3A_946 : memref<1x8x128xf32, #tpu.memory_space<hbm>> -> memref<8x128xf32, #tpu.memory_space<hbm>>
    tpu.wait_dma2 semaphore(%arg12 : memref<!tpu.dma_semaphore, #tpu.memory_space<semaphore_mem>>) src(%dma_wait3A_947 : memref<8x128xf32, #tpu.memory_space<hbm>>) dst(%dma_wait3A_944 : memref<8x128xf32, #tpu.memory_space<vmem>>)
    %dma_wait3A_948 = arith.constant 184 : i32
    %dma_wait3A_949 = arith.constant 0 : i32
    %dma_wait3A_950 = tpu.memref_slice %arg4[%dma_wait3A_948, %dma_wait3A_949] : memref<256x128xf32, #tpu.memory_space<vmem>> -> memref<8x128xf32, #tpu.memory_space<vmem>>
    %dma_wait3A_951 = arith.constant 384 : i32
    %dma_wait3A_952 = tpu.memref_slice %arg2[%add3A, %add3A_481, %dma_wait3A_951] : memref<4x512x512xf32, #tpu.memory_space<hbm>> -> memref<1x8x128xf32, #tpu.memory_space<hbm>>
    %dma_wait3A_953 = tpu.memref_squeeze %dma_wait3A_952 : memref<1x8x128xf32, #tpu.memory_space<hbm>> -> memref<8x128xf32, #tpu.memory_space<hbm>>
    %dma_wait3A_954 = arith.constant 184 : i32
    %dma_wait3A_955 = arith.constant 0 : i32
    %dma_wait3A_956 = tpu.memref_slice %arg4[%dma_wait3A_954, %dma_wait3A_955] : memref<256x128xf32, #tpu.memory_space<vmem>> -> memref<8x128xf32, #tpu.memory_space<vmem>>
    %dma_wait3A_957 = arith.constant 384 : i32
    %dma_wait3A_958 = tpu.memref_slice %arg2[%add3A, %add3A_481, %dma_wait3A_957] : memref<4x512x512xf32, #tpu.memory_space<hbm>> -> memref<1x8x128xf32, #tpu.memory_space<hbm>>
    %dma_wait3A_959 = tpu.memref_squeeze %dma_wait3A_958 : memref<1x8x128xf32, #tpu.memory_space<hbm>> -> memref<8x128xf32, #tpu.memory_space<hbm>>
    tpu.wait_dma2 semaphore(%arg12 : memref<!tpu.dma_semaphore, #tpu.memory_space<semaphore_mem>>) src(%dma_wait3A_959 : memref<8x128xf32, #tpu.memory_space<hbm>>) dst(%dma_wait3A_956 : memref<8x128xf32, #tpu.memory_space<vmem>>)
    %dma_wait3A_960 = arith.constant 192 : i32
    %dma_wait3A_961 = arith.constant 0 : i32
    %dma_wait3A_962 = tpu.memref_slice %arg4[%dma_wait3A_960, %dma_wait3A_961] : memref<256x128xf32, #tpu.memory_space<vmem>> -> memref<8x128xf32, #tpu.memory_space<vmem>>
    %dma_wait3A_963 = arith.constant 0 : i32
    %dma_wait3A_964 = tpu.memref_slice %arg2[%add3A, %add3A_499, %dma_wait3A_963] : memref<4x512x512xf32, #tpu.memory_space<hbm>> -> memref<1x8x128xf32, #tpu.memory_space<hbm>>
    %dma_wait3A_965 = tpu.memref_squeeze %dma_wait3A_964 : memref<1x8x128xf32, #tpu.memory_space<hbm>> -> memref<8x128xf32, #tpu.memory_space<hbm>>
    %dma_wait3A_966 = arith.constant 192 : i32
    %dma_wait3A_967 = arith.constant 0 : i32
    %dma_wait3A_968 = tpu.memref_slice %arg4[%dma_wait3A_966, %dma_wait3A_967] : memref<256x128xf32, #tpu.memory_space<vmem>> -> memref<8x128xf32, #tpu.memory_space<vmem>>
    %dma_wait3A_969 = arith.constant 0 : i32
    %dma_wait3A_970 = tpu.memref_slice %arg2[%add3A, %add3A_499, %dma_wait3A_969] : memref<4x512x512xf32, #tpu.memory_space<hbm>> -> memref<1x8x128xf32, #tpu.memory_space<hbm>>
    %dma_wait3A_971 = tpu.memref_squeeze %dma_wait3A_970 : memref<1x8x128xf32, #tpu.memory_space<hbm>> -> memref<8x128xf32, #tpu.memory_space<hbm>>
    tpu.wait_dma2 semaphore(%arg12 : memref<!tpu.dma_semaphore, #tpu.memory_space<semaphore_mem>>) src(%dma_wait3A_971 : memref<8x128xf32, #tpu.memory_space<hbm>>) dst(%dma_wait3A_968 : memref<8x128xf32, #tpu.memory_space<vmem>>)
    %dma_wait3A_972 = arith.constant 200 : i32
    %dma_wait3A_973 = arith.constant 0 : i32
    %dma_wait3A_974 = tpu.memref_slice %arg4[%dma_wait3A_972, %dma_wait3A_973] : memref<256x128xf32, #tpu.memory_space<vmem>> -> memref<8x128xf32, #tpu.memory_space<vmem>>
    %dma_wait3A_975 = arith.constant 128 : i32
    %dma_wait3A_976 = tpu.memref_slice %arg2[%add3A, %add3A_517, %dma_wait3A_975] : memref<4x512x512xf32, #tpu.memory_space<hbm>> -> memref<1x8x128xf32, #tpu.memory_space<hbm>>
    %dma_wait3A_977 = tpu.memref_squeeze %dma_wait3A_976 : memref<1x8x128xf32, #tpu.memory_space<hbm>> -> memref<8x128xf32, #tpu.memory_space<hbm>>
    %dma_wait3A_978 = arith.constant 200 : i32
    %dma_wait3A_979 = arith.constant 0 : i32
    %dma_wait3A_980 = tpu.memref_slice %arg4[%dma_wait3A_978, %dma_wait3A_979] : memref<256x128xf32, #tpu.memory_space<vmem>> -> memref<8x128xf32, #tpu.memory_space<vmem>>
    %dma_wait3A_981 = arith.constant 128 : i32
    %dma_wait3A_982 = tpu.memref_slice %arg2[%add3A, %add3A_517, %dma_wait3A_981] : memref<4x512x512xf32, #tpu.memory_space<hbm>> -> memref<1x8x128xf32, #tpu.memory_space<hbm>>
    %dma_wait3A_983 = tpu.memref_squeeze %dma_wait3A_982 : memref<1x8x128xf32, #tpu.memory_space<hbm>> -> memref<8x128xf32, #tpu.memory_space<hbm>>
    tpu.wait_dma2 semaphore(%arg12 : memref<!tpu.dma_semaphore, #tpu.memory_space<semaphore_mem>>) src(%dma_wait3A_983 : memref<8x128xf32, #tpu.memory_space<hbm>>) dst(%dma_wait3A_980 : memref<8x128xf32, #tpu.memory_space<vmem>>)
    %dma_wait3A_984 = arith.constant 208 : i32
    %dma_wait3A_985 = arith.constant 0 : i32
    %dma_wait3A_986 = tpu.memref_slice %arg4[%dma_wait3A_984, %dma_wait3A_985] : memref<256x128xf32, #tpu.memory_space<vmem>> -> memref<8x128xf32, #tpu.memory_space<vmem>>
    %dma_wait3A_987 = arith.constant 256 : i32
    %dma_wait3A_988 = tpu.memref_slice %arg2[%add3A, %add3A_535, %dma_wait3A_987] : memref<4x512x512xf32, #tpu.memory_space<hbm>> -> memref<1x8x128xf32, #tpu.memory_space<hbm>>
    %dma_wait3A_989 = tpu.memref_squeeze %dma_wait3A_988 : memref<1x8x128xf32, #tpu.memory_space<hbm>> -> memref<8x128xf32, #tpu.memory_space<hbm>>
    %dma_wait3A_990 = arith.constant 208 : i32
    %dma_wait3A_991 = arith.constant 0 : i32
    %dma_wait3A_992 = tpu.memref_slice %arg4[%dma_wait3A_990, %dma_wait3A_991] : memref<256x128xf32, #tpu.memory_space<vmem>> -> memref<8x128xf32, #tpu.memory_space<vmem>>
    %dma_wait3A_993 = arith.constant 256 : i32
    %dma_wait3A_994 = tpu.memref_slice %arg2[%add3A, %add3A_535, %dma_wait3A_993] : memref<4x512x512xf32, #tpu.memory_space<hbm>> -> memref<1x8x128xf32, #tpu.memory_space<hbm>>
    %dma_wait3A_995 = tpu.memref_squeeze %dma_wait3A_994 : memref<1x8x128xf32, #tpu.memory_space<hbm>> -> memref<8x128xf32, #tpu.memory_space<hbm>>
    tpu.wait_dma2 semaphore(%arg12 : memref<!tpu.dma_semaphore, #tpu.memory_space<semaphore_mem>>) src(%dma_wait3A_995 : memref<8x128xf32, #tpu.memory_space<hbm>>) dst(%dma_wait3A_992 : memref<8x128xf32, #tpu.memory_space<vmem>>)
    %dma_wait3A_996 = arith.constant 216 : i32
    %dma_wait3A_997 = arith.constant 0 : i32
    %dma_wait3A_998 = tpu.memref_slice %arg4[%dma_wait3A_996, %dma_wait3A_997] : memref<256x128xf32, #tpu.memory_space<vmem>> -> memref<8x128xf32, #tpu.memory_space<vmem>>
    %dma_wait3A_999 = arith.constant 384 : i32
    %dma_wait3A_1000 = tpu.memref_slice %arg2[%add3A, %add3A_553, %dma_wait3A_999] : memref<4x512x512xf32, #tpu.memory_space<hbm>> -> memref<1x8x128xf32, #tpu.memory_space<hbm>>
    %dma_wait3A_1001 = tpu.memref_squeeze %dma_wait3A_1000 : memref<1x8x128xf32, #tpu.memory_space<hbm>> -> memref<8x128xf32, #tpu.memory_space<hbm>>
    %dma_wait3A_1002 = arith.constant 216 : i32
    %dma_wait3A_1003 = arith.constant 0 : i32
    %dma_wait3A_1004 = tpu.memref_slice %arg4[%dma_wait3A_1002, %dma_wait3A_1003] : memref<256x128xf32, #tpu.memory_space<vmem>> -> memref<8x128xf32, #tpu.memory_space<vmem>>
    %dma_wait3A_1005 = arith.constant 384 : i32
    %dma_wait3A_1006 = tpu.memref_slice %arg2[%add3A, %add3A_553, %dma_wait3A_1005] : memref<4x512x512xf32, #tpu.memory_space<hbm>> -> memref<1x8x128xf32, #tpu.memory_space<hbm>>
    %dma_wait3A_1007 = tpu.memref_squeeze %dma_wait3A_1006 : memref<1x8x128xf32, #tpu.memory_space<hbm>> -> memref<8x128xf32, #tpu.memory_space<hbm>>
    tpu.wait_dma2 semaphore(%arg12 : memref<!tpu.dma_semaphore, #tpu.memory_space<semaphore_mem>>) src(%dma_wait3A_1007 : memref<8x128xf32, #tpu.memory_space<hbm>>) dst(%dma_wait3A_1004 : memref<8x128xf32, #tpu.memory_space<vmem>>)
    %dma_wait3A_1008 = arith.constant 224 : i32
    %dma_wait3A_1009 = arith.constant 0 : i32
    %dma_wait3A_1010 = tpu.memref_slice %arg4[%dma_wait3A_1008, %dma_wait3A_1009] : memref<256x128xf32, #tpu.memory_space<vmem>> -> memref<8x128xf32, #tpu.memory_space<vmem>>
    %dma_wait3A_1011 = arith.constant 0 : i32
    %dma_wait3A_1012 = tpu.memref_slice %arg2[%add3A, %add3A_571, %dma_wait3A_1011] : memref<4x512x512xf32, #tpu.memory_space<hbm>> -> memref<1x8x128xf32, #tpu.memory_space<hbm>>
    %dma_wait3A_1013 = tpu.memref_squeeze %dma_wait3A_1012 : memref<1x8x128xf32, #tpu.memory_space<hbm>> -> memref<8x128xf32, #tpu.memory_space<hbm>>
    %dma_wait3A_1014 = arith.constant 224 : i32
    %dma_wait3A_1015 = arith.constant 0 : i32
    %dma_wait3A_1016 = tpu.memref_slice %arg4[%dma_wait3A_1014, %dma_wait3A_1015] : memref<256x128xf32, #tpu.memory_space<vmem>> -> memref<8x128xf32, #tpu.memory_space<vmem>>
    %dma_wait3A_1017 = arith.constant 0 : i32
    %dma_wait3A_1018 = tpu.memref_slice %arg2[%add3A, %add3A_571, %dma_wait3A_1017] : memref<4x512x512xf32, #tpu.memory_space<hbm>> -> memref<1x8x128xf32, #tpu.memory_space<hbm>>
    %dma_wait3A_1019 = tpu.memref_squeeze %dma_wait3A_1018 : memref<1x8x128xf32, #tpu.memory_space<hbm>> -> memref<8x128xf32, #tpu.memory_space<hbm>>
    tpu.wait_dma2 semaphore(%arg12 : memref<!tpu.dma_semaphore, #tpu.memory_space<semaphore_mem>>) src(%dma_wait3A_1019 : memref<8x128xf32, #tpu.memory_space<hbm>>) dst(%dma_wait3A_1016 : memref<8x128xf32, #tpu.memory_space<vmem>>)
    %dma_wait3A_1020 = arith.constant 232 : i32
    %dma_wait3A_1021 = arith.constant 0 : i32
    %dma_wait3A_1022 = tpu.memref_slice %arg4[%dma_wait3A_1020, %dma_wait3A_1021] : memref<256x128xf32, #tpu.memory_space<vmem>> -> memref<8x128xf32, #tpu.memory_space<vmem>>
    %dma_wait3A_1023 = arith.constant 128 : i32
    %dma_wait3A_1024 = tpu.memref_slice %arg2[%add3A, %add3A_589, %dma_wait3A_1023] : memref<4x512x512xf32, #tpu.memory_space<hbm>> -> memref<1x8x128xf32, #tpu.memory_space<hbm>>
    %dma_wait3A_1025 = tpu.memref_squeeze %dma_wait3A_1024 : memref<1x8x128xf32, #tpu.memory_space<hbm>> -> memref<8x128xf32, #tpu.memory_space<hbm>>
    %dma_wait3A_1026 = arith.constant 232 : i32
    %dma_wait3A_1027 = arith.constant 0 : i32
    %dma_wait3A_1028 = tpu.memref_slice %arg4[%dma_wait3A_1026, %dma_wait3A_1027] : memref<256x128xf32, #tpu.memory_space<vmem>> -> memref<8x128xf32, #tpu.memory_space<vmem>>
    %dma_wait3A_1029 = arith.constant 128 : i32
    %dma_wait3A_1030 = tpu.memref_slice %arg2[%add3A, %add3A_589, %dma_wait3A_1029] : memref<4x512x512xf32, #tpu.memory_space<hbm>> -> memref<1x8x128xf32, #tpu.memory_space<hbm>>
    %dma_wait3A_1031 = tpu.memref_squeeze %dma_wait3A_1030 : memref<1x8x128xf32, #tpu.memory_space<hbm>> -> memref<8x128xf32, #tpu.memory_space<hbm>>
    tpu.wait_dma2 semaphore(%arg12 : memref<!tpu.dma_semaphore, #tpu.memory_space<semaphore_mem>>) src(%dma_wait3A_1031 : memref<8x128xf32, #tpu.memory_space<hbm>>) dst(%dma_wait3A_1028 : memref<8x128xf32, #tpu.memory_space<vmem>>)
    %dma_wait3A_1032 = arith.constant 240 : i32
    %dma_wait3A_1033 = arith.constant 0 : i32
    %dma_wait3A_1034 = tpu.memref_slice %arg4[%dma_wait3A_1032, %dma_wait3A_1033] : memref<256x128xf32, #tpu.memory_space<vmem>> -> memref<8x128xf32, #tpu.memory_space<vmem>>
    %dma_wait3A_1035 = arith.constant 256 : i32
    %dma_wait3A_1036 = tpu.memref_slice %arg2[%add3A, %add3A_607, %dma_wait3A_1035] : memref<4x512x512xf32, #tpu.memory_space<hbm>> -> memref<1x8x128xf32, #tpu.memory_space<hbm>>
    %dma_wait3A_1037 = tpu.memref_squeeze %dma_wait3A_1036 : memref<1x8x128xf32, #tpu.memory_space<hbm>> -> memref<8x128xf32, #tpu.memory_space<hbm>>
    %dma_wait3A_1038 = arith.constant 240 : i32
    %dma_wait3A_1039 = arith.constant 0 : i32
    %dma_wait3A_1040 = tpu.memref_slice %arg4[%dma_wait3A_1038, %dma_wait3A_1039] : memref<256x128xf32, #tpu.memory_space<vmem>> -> memref<8x128xf32, #tpu.memory_space<vmem>>
    %dma_wait3A_1041 = arith.constant 256 : i32
    %dma_wait3A_1042 = tpu.memref_slice %arg2[%add3A, %add3A_607, %dma_wait3A_1041] : memref<4x512x512xf32, #tpu.memory_space<hbm>> -> memref<1x8x128xf32, #tpu.memory_space<hbm>>
    %dma_wait3A_1043 = tpu.memref_squeeze %dma_wait3A_1042 : memref<1x8x128xf32, #tpu.memory_space<hbm>> -> memref<8x128xf32, #tpu.memory_space<hbm>>
    tpu.wait_dma2 semaphore(%arg12 : memref<!tpu.dma_semaphore, #tpu.memory_space<semaphore_mem>>) src(%dma_wait3A_1043 : memref<8x128xf32, #tpu.memory_space<hbm>>) dst(%dma_wait3A_1040 : memref<8x128xf32, #tpu.memory_space<vmem>>)
    %dma_wait3A_1044 = arith.constant 248 : i32
    %dma_wait3A_1045 = arith.constant 0 : i32
    %dma_wait3A_1046 = tpu.memref_slice %arg4[%dma_wait3A_1044, %dma_wait3A_1045] : memref<256x128xf32, #tpu.memory_space<vmem>> -> memref<8x128xf32, #tpu.memory_space<vmem>>
    %dma_wait3A_1047 = arith.constant 384 : i32
    %dma_wait3A_1048 = tpu.memref_slice %arg2[%add3A, %add3A_625, %dma_wait3A_1047] : memref<4x512x512xf32, #tpu.memory_space<hbm>> -> memref<1x8x128xf32, #tpu.memory_space<hbm>>
    %dma_wait3A_1049 = tpu.memref_squeeze %dma_wait3A_1048 : memref<1x8x128xf32, #tpu.memory_space<hbm>> -> memref<8x128xf32, #tpu.memory_space<hbm>>
    %dma_wait3A_1050 = arith.constant 248 : i32
    %dma_wait3A_1051 = arith.constant 0 : i32
    %dma_wait3A_1052 = tpu.memref_slice %arg4[%dma_wait3A_1050, %dma_wait3A_1051] : memref<256x128xf32, #tpu.memory_space<vmem>> -> memref<8x128xf32, #tpu.memory_space<vmem>>
    %dma_wait3A_1053 = arith.constant 384 : i32
    %dma_wait3A_1054 = tpu.memref_slice %arg2[%add3A, %add3A_625, %dma_wait3A_1053] : memref<4x512x512xf32, #tpu.memory_space<hbm>> -> memref<1x8x128xf32, #tpu.memory_space<hbm>>
    %dma_wait3A_1055 = tpu.memref_squeeze %dma_wait3A_1054 : memref<1x8x128xf32, #tpu.memory_space<hbm>> -> memref<8x128xf32, #tpu.memory_space<hbm>>
    tpu.wait_dma2 semaphore(%arg12 : memref<!tpu.dma_semaphore, #tpu.memory_space<semaphore_mem>>) src(%dma_wait3A_1055 : memref<8x128xf32, #tpu.memory_space<hbm>>) dst(%dma_wait3A_1052 : memref<8x128xf32, #tpu.memory_space<vmem>>)
    %scan3A = arith.constant 0 : i32
    %scan3A_1056 = arith.constant 0 : i32
    %scan3A_1057 = arith.constant 128 : i32
    %scan3A_1058 = arith.addi %scan3A_1056, %scan3A_1057 : i32
    %scan3A_1059 = arith.constant 1 : i32
    %scan3A_1060 = scf.for %scan3A_1093 = %scan3A_1056 to %scan3A_1058 step %scan3A_1059 iter_args(%scan3A_1094 = %scan3A) -> (i32)  : i32 {
      %shift_right_arithmetic3A = arith.constant 3 : i32
      %shift_right_arithmetic3A_1095 = arith.shrsi %scan3A_1093, %shift_right_arithmetic3A : i32
      %and3A_1096 = arith.constant 7 : i32
      %and3A_1097 = arith.andi %scan3A_1093, %and3A_1096 : i32
      %shift_right_arithmetic3A_1098 = arith.constant 1 : i32
      %shift_right_arithmetic3A_1099 = arith.shrsi %shift_right_arithmetic3A_1095, %shift_right_arithmetic3A_1098 : i32
      %mul3A_1100 = arith.constant 32 : i32
      %mul3A_1101 = arith.muli %shift_right_arithmetic3A_1099, %mul3A_1100 : i32
      %shift_right_arithmetic3A_1102 = arith.constant 1 : i32
      %shift_right_arithmetic3A_1103 = arith.shrsi %and3A_1097, %shift_right_arithmetic3A_1102 : i32
      %mul3A_1104 = arith.constant 8 : i32
      %mul3A_1105 = arith.muli %shift_right_arithmetic3A_1103, %mul3A_1104 : i32
      %add3A_1106 = arith.addi %mul3A_1101, %mul3A_1105 : i32
      %and3A_1107 = arith.constant 1 : i32
      %and3A_1108 = arith.andi %shift_right_arithmetic3A_1095, %and3A_1107 : i32
      %mul3A_1109 = arith.constant 4 : i32
      %mul3A_1110 = arith.muli %and3A_1108, %mul3A_1109 : i32
      %add3A_1111 = arith.constant 1 : i32
      %add3A_1112 = arith.addi %mul3A_1110, %add3A_1111 : i32
      %add3A_1113 = arith.addi %add3A_1106, %add3A_1112 : i32
      %broadcast_in_dim3A_1114 = vector.broadcast %add3A_1113 : i32 to vector<16xi32>
      %add3A_1115 = arith.constant 1 : i32
      %add3A_1116 = vector.broadcast %add3A_1115 : i32 to vector<16xi32>
      %add3A_1117 = arith.addi %broadcast_in_dim3A_1114, %add3A_1116 : vector<16xi32>
      %and3A_1118 = arith.constant 1 : i32
      %and3A_1119 = arith.andi %and3A_1097, %and3A_1118 : i32
      %mul3A_1120 = arith.constant 64 : i32
      %mul3A_1121 = arith.muli %and3A_1119, %mul3A_1120 : i32
      %add3A_1122 = arith.constant 1 : i32
      %add3A_1123 = arith.addi %mul3A_1121, %add3A_1122 : i32
      %add3A_1124 = vector.broadcast %add3A_1123 : i32 to vector<16xi32>
      %add3A_1125 = arith.addi %add3A_1124, %mul3A_59 : vector<16xi32>
      %gather3A = tpu.vector_load_idx %arg4[%broadcast_in_dim3A_1114, %add3A_1125] : memref<256x128xf32, #tpu.memory_space<vmem>>[vector<16xi32>, vector<16xi32>], vector<16xf32>,
      %gather3A_1126 = tpu.vector_load_idx %arg4[%add3A_1117, %add3A_1125] : memref<256x128xf32, #tpu.memory_space<vmem>>[vector<16xi32>, vector<16xi32>], vector<16xf32>,
      %add3A_1127 = arith.addf %gather3A, %gather3A_1126 : vector<16xf32>
      %add3A_1128 = arith.constant 1 : i32
      %add3A_1129 = vector.broadcast %add3A_1128 : i32 to vector<16xi32>
      %add3A_1130 = arith.addi %add3A_1125, %add3A_1129 : vector<16xi32>
      %gather3A_1131 = tpu.vector_load_idx %arg4[%broadcast_in_dim3A_1114, %add3A_1130] : memref<256x128xf32, #tpu.memory_space<vmem>>[vector<16xi32>, vector<16xi32>], vector<16xf32>,
      %add3A_1132 = arith.constant 1 : i32
      %add3A_1133 = vector.broadcast %add3A_1132 : i32 to vector<16xi32>
      %add3A_1134 = arith.addi %add3A_1125, %add3A_1133 : vector<16xi32>
      %gather3A_1135 = tpu.vector_load_idx %arg4[%add3A_1117, %add3A_1134] : memref<256x128xf32, #tpu.memory_space<vmem>>[vector<16xi32>, vector<16xi32>], vector<16xf32>,
      %add3A_1136 = arith.addf %gather3A_1131, %gather3A_1135 : vector<16xf32>
      %add3A_1137 = arith.addf %add3A_1127, %add3A_1136 : vector<16xf32>
      %mul3A_1138 = arith.constant 2.500000e-01 : f32
      %mul3A_1139 = vector.broadcast %mul3A_1138 : f32 to vector<16xf32>
      %mul3A_1140 = arith.mulf %add3A_1137, %mul3A_1139 : vector<16xf32>
      %bitcast3A = vector.bitcast %mul3A_1140 : vector<16xf32> to vector<16xi32>
      %mul3A_1141 = arith.constant 16 : i32
      %mul3A_1142 = arith.muli %scan3A_1093, %mul3A_1141 : i32
      %swap3A_1143 = arith.index_cast %mul3A_1142 : i32 to index
      %swap3A_1144 = tpu.vector_load %arg5[%swap3A_1143] {strides = array<i32>} : memref<2048xi32, #tpu.memory_space<vmem>>, vector<16xi32>,
      tpu.vector_store %arg5[%swap3A_1143], %bitcast3A {strides = array<i32>} : memref<2048xi32, #tpu.memory_space<vmem>>, vector<16xi32>,
      %mul3A_1145 = arith.constant 16 : i32
      %mul3A_1146 = arith.muli %scan3A_1093, %mul3A_1145 : i32
      %swap3A_1147 = arith.index_cast %mul3A_1146 : i32 to index
      %swap3A_1148 = tpu.vector_load %arg6[%swap3A_1147] {strides = array<i32>} : memref<2064xi32, #tpu.memory_space<vmem>>, vector<16xi32>,
      tpu.vector_store %arg6[%swap3A_1147], %bitcast3A {strides = array<i32>} : memref<2064xi32, #tpu.memory_space<vmem>>, vector<16xi32>,
      %shift_right_arithmetic3A_1149 = arith.constant 28 : i32
      %shift_right_arithmetic3A_1150 = vector.broadcast %shift_right_arithmetic3A_1149 : i32 to vector<16xi32>
      %shift_right_arithmetic3A_1151 = arith.shrsi %bitcast3A, %shift_right_arithmetic3A_1150 : vector<16xi32>
      %add3A_1152 = arith.constant 1 : i32
      %add3A_1153 = vector.broadcast %add3A_1152 : i32 to vector<16xi32>
      %add3A_1154 = arith.addi %shift_right_arithmetic3A_1151, %add3A_1153 : vector<16xi32>
      %mul3A_1155 = arith.constant 16 : i32
      %mul3A_1156 = vector.broadcast %mul3A_1155 : i32 to vector<16xi32>
      %mul3A_1157 = arith.muli %add3A_1154, %mul3A_1156 : vector<16xi32>
      %add3A_1158 = arith.addi %mul3A_1157, %iota3A : vector<16xi32>
      tpu.vector_store_idx %arg7[%add3A_1158], %broadcast_in_dim3A_62 {add = true} : memref<288xi32, #tpu.memory_space<vmem>>[vector<16xi32>], vector<16xi32>,
      %scan3A_1159 = arith.constant 0 : i32
      scf.yield %scan3A_1159 : i32
    }
    %scan3A_1061 = arith.constant 128 : i32
    %mul3A_1062 = arith.constant 16 : i32
    %mul3A_1063 = vector.broadcast %mul3A_1062 : i32 to vector<16xi32>
    %mul3A_1064 = arith.muli %iota3A, %mul3A_1063 : vector<16xi32>
    %add3A_1065 = arith.constant 16 : i32
    %add3A_1066 = vector.broadcast %add3A_1065 : i32 to vector<16xi32>
    %add3A_1067 = arith.addi %mul3A_1064, %add3A_1066 : vector<16xi32>
    %scan3A_1068 = arith.constant 0 : i32
    %scan3A_1069 = arith.constant 0 : i32
    %scan3A_1070 = arith.constant 0 : i32
    %scan3A_1071 = arith.constant 0 : i32
    %scan3A_1072 = arith.constant 2048 : i32
    %scan3A_1073 = arith.constant 0 : i32
    %scan3A_1074 = arith.constant 8 : i32
    %scan3A_1075 = arith.addi %scan3A_1073, %scan3A_1074 : i32
    %scan3A_1076 = arith.constant 1 : i32
    %scan3A_1077:5 = scf.for %scan3A_1093 = %scan3A_1073 to %scan3A_1075 step %scan3A_1076 iter_args(%scan3A_1094 = %scan3A_1068, %scan3A_1095 = %scan3A_1069, %scan3A_1096 = %scan3A_1070, %scan3A_1097 = %scan3A_1071, %scan3A_1098 = %scan3A_1072) -> (i32, i32, i32, i32, i32)  : i32 {
      %add3A_1099 = arith.constant 0 : i32
      %add3A_1100 = vector.broadcast %add3A_1099 : i32 to vector<16xi32>
      %add3A_1101 = arith.addi %add3A_1067, %add3A_1100 : vector<16xi32>
      %gather3A = tpu.vector_load_idx %arg7[%add3A_1101] : memref<288xi32, #tpu.memory_space<vmem>>[vector<16xi32>], vector<16xi32>,
      %add3A_1102 = arith.addi %broadcast_in_dim3A_60, %gather3A : vector<16xi32>
      %add3A_1103 = arith.constant 1 : i32
      %add3A_1104 = vector.broadcast %add3A_1103 : i32 to vector<16xi32>
      %add3A_1105 = arith.addi %add3A_1067, %add3A_1104 : vector<16xi32>
      %gather3A_1106 = tpu.vector_load_idx %arg7[%add3A_1105] : memref<288xi32, #tpu.memory_space<vmem>>[vector<16xi32>], vector<16xi32>,
      %add3A_1107 = arith.addi %add3A_1102, %gather3A_1106 : vector<16xi32>
      %add3A_1108 = arith.constant 2 : i32
      %add3A_1109 = vector.broadcast %add3A_1108 : i32 to vector<16xi32>
      %add3A_1110 = arith.addi %add3A_1067, %add3A_1109 : vector<16xi32>
      %gather3A_1111 = tpu.vector_load_idx %arg7[%add3A_1110] : memref<288xi32, #tpu.memory_space<vmem>>[vector<16xi32>], vector<16xi32>,
      %add3A_1112 = arith.addi %add3A_1107, %gather3A_1111 : vector<16xi32>
      %add3A_1113 = arith.constant 3 : i32
      %add3A_1114 = vector.broadcast %add3A_1113 : i32 to vector<16xi32>
      %add3A_1115 = arith.addi %add3A_1067, %add3A_1114 : vector<16xi32>
      %gather3A_1116 = tpu.vector_load_idx %arg7[%add3A_1115] : memref<288xi32, #tpu.memory_space<vmem>>[vector<16xi32>], vector<16xi32>,
      %add3A_1117 = arith.addi %add3A_1112, %gather3A_1116 : vector<16xi32>
      %add3A_1118 = arith.constant 4 : i32
      %add3A_1119 = vector.broadcast %add3A_1118 : i32 to vector<16xi32>
      %add3A_1120 = arith.addi %add3A_1067, %add3A_1119 : vector<16xi32>
      %gather3A_1121 = tpu.vector_load_idx %arg7[%add3A_1120] : memref<288xi32, #tpu.memory_space<vmem>>[vector<16xi32>], vector<16xi32>,
      %add3A_1122 = arith.addi %add3A_1117, %gather3A_1121 : vector<16xi32>
      %add3A_1123 = arith.constant 5 : i32
      %add3A_1124 = vector.broadcast %add3A_1123 : i32 to vector<16xi32>
      %add3A_1125 = arith.addi %add3A_1067, %add3A_1124 : vector<16xi32>
      %gather3A_1126 = tpu.vector_load_idx %arg7[%add3A_1125] : memref<288xi32, #tpu.memory_space<vmem>>[vector<16xi32>], vector<16xi32>,
      %add3A_1127 = arith.addi %add3A_1122, %gather3A_1126 : vector<16xi32>
      %add3A_1128 = arith.constant 6 : i32
      %add3A_1129 = vector.broadcast %add3A_1128 : i32 to vector<16xi32>
      %add3A_1130 = arith.addi %add3A_1067, %add3A_1129 : vector<16xi32>
      %gather3A_1131 = tpu.vector_load_idx %arg7[%add3A_1130] : memref<288xi32, #tpu.memory_space<vmem>>[vector<16xi32>], vector<16xi32>,
      %add3A_1132 = arith.addi %add3A_1127, %gather3A_1131 : vector<16xi32>
      %add3A_1133 = arith.constant 7 : i32
      %add3A_1134 = vector.broadcast %add3A_1133 : i32 to vector<16xi32>
      %add3A_1135 = arith.addi %add3A_1067, %add3A_1134 : vector<16xi32>
      %gather3A_1136 = tpu.vector_load_idx %arg7[%add3A_1135] : memref<288xi32, #tpu.memory_space<vmem>>[vector<16xi32>], vector<16xi32>,
      %add3A_1137 = arith.addi %add3A_1132, %gather3A_1136 : vector<16xi32>
      %add3A_1138 = arith.constant 8 : i32
      %add3A_1139 = vector.broadcast %add3A_1138 : i32 to vector<16xi32>
      %add3A_1140 = arith.addi %add3A_1067, %add3A_1139 : vector<16xi32>
      %gather3A_1141 = tpu.vector_load_idx %arg7[%add3A_1140] : memref<288xi32, #tpu.memory_space<vmem>>[vector<16xi32>], vector<16xi32>,
      %add3A_1142 = arith.addi %add3A_1137, %gather3A_1141 : vector<16xi32>
      %add3A_1143 = arith.constant 9 : i32
      %add3A_1144 = vector.broadcast %add3A_1143 : i32 to vector<16xi32>
      %add3A_1145 = arith.addi %add3A_1067, %add3A_1144 : vector<16xi32>
      %gather3A_1146 = tpu.vector_load_idx %arg7[%add3A_1145] : memref<288xi32, #tpu.memory_space<vmem>>[vector<16xi32>], vector<16xi32>,
      %add3A_1147 = arith.addi %add3A_1142, %gather3A_1146 : vector<16xi32>
      %add3A_1148 = arith.constant 10 : i32
      %add3A_1149 = vector.broadcast %add3A_1148 : i32 to vector<16xi32>
      %add3A_1150 = arith.addi %add3A_1067, %add3A_1149 : vector<16xi32>
      %gather3A_1151 = tpu.vector_load_idx %arg7[%add3A_1150] : memref<288xi32, #tpu.memory_space<vmem>>[vector<16xi32>], vector<16xi32>,
      %add3A_1152 = arith.addi %add3A_1147, %gather3A_1151 : vector<16xi32>
      %add3A_1153 = arith.constant 11 : i32
      %add3A_1154 = vector.broadcast %add3A_1153 : i32 to vector<16xi32>
      %add3A_1155 = arith.addi %add3A_1067, %add3A_1154 : vector<16xi32>
      %gather3A_1156 = tpu.vector_load_idx %arg7[%add3A_1155] : memref<288xi32, #tpu.memory_space<vmem>>[vector<16xi32>], vector<16xi32>,
      %add3A_1157 = arith.addi %add3A_1152, %gather3A_1156 : vector<16xi32>
      %add3A_1158 = arith.constant 12 : i32
      %add3A_1159 = vector.broadcast %add3A_1158 : i32 to vector<16xi32>
      %add3A_1160 = arith.addi %add3A_1067, %add3A_1159 : vector<16xi32>
      %gather3A_1161 = tpu.vector_load_idx %arg7[%add3A_1160] : memref<288xi32, #tpu.memory_space<vmem>>[vector<16xi32>], vector<16xi32>,
      %add3A_1162 = arith.addi %add3A_1157, %gather3A_1161 : vector<16xi32>
      %add3A_1163 = arith.constant 13 : i32
      %add3A_1164 = vector.broadcast %add3A_1163 : i32 to vector<16xi32>
      %add3A_1165 = arith.addi %add3A_1067, %add3A_1164 : vector<16xi32>
      %gather3A_1166 = tpu.vector_load_idx %arg7[%add3A_1165] : memref<288xi32, #tpu.memory_space<vmem>>[vector<16xi32>], vector<16xi32>,
      %add3A_1167 = arith.addi %add3A_1162, %gather3A_1166 : vector<16xi32>
      %add3A_1168 = arith.constant 14 : i32
      %add3A_1169 = vector.broadcast %add3A_1168 : i32 to vector<16xi32>
      %add3A_1170 = arith.addi %add3A_1067, %add3A_1169 : vector<16xi32>
      %gather3A_1171 = tpu.vector_load_idx %arg7[%add3A_1170] : memref<288xi32, #tpu.memory_space<vmem>>[vector<16xi32>], vector<16xi32>,
      %add3A_1172 = arith.addi %add3A_1167, %gather3A_1171 : vector<16xi32>
      %add3A_1173 = arith.constant 15 : i32
      %add3A_1174 = vector.broadcast %add3A_1173 : i32 to vector<16xi32>
      %add3A_1175 = arith.addi %add3A_1067, %add3A_1174 : vector<16xi32>
      %gather3A_1176 = tpu.vector_load_idx %arg7[%add3A_1175] : memref<288xi32, #tpu.memory_space<vmem>>[vector<16xi32>], vector<16xi32>,
      %add3A_1177 = arith.addi %add3A_1172, %gather3A_1176 : vector<16xi32>
      %and3A_1178 = arith.constant 1 : i32
      %and3A_1179 = arith.andi %scan3A_1093, %and3A_1178 : i32
      %swap3A_1180 = arith.constant 0 : index
      %swap3A_1181 = tpu.vector_load %arg9[%swap3A_1180] {strides = array<i32>} : memref<128xi32, #tpu.memory_space<vmem>>, vector<16xi32>,
      tpu.vector_store %arg9[%swap3A_1180], %add3A_1177 {strides = array<i32>} : memref<128xi32, #tpu.memory_space<vmem>>, vector<16xi32>,
      "tpu.region"() ({
        %run_scoped3A_1381 = tpu.sem_alloc : memref<!tpu.dma_semaphore, #tpu.memory_space<semaphore_mem>>
        %dma_start3A_1382 = arith.constant 0 : i32
        %dma_start3A_1383 = tpu.memref_slice %arg11[%and3A_1179, %arg1, %dma_start3A_1382] : memref<2x16x128xi32, #tpu.memory_space<vmem_shared>> -> memref<1x1x128xi32, #tpu.memory_space<vmem_shared>>
        %dma_start3A_1384 = tpu.memref_squeeze %dma_start3A_1383 : memref<1x1x128xi32, #tpu.memory_space<vmem_shared>> -> memref<128xi32, #tpu.memory_space<vmem_shared>>
        %dma_start3A_1385 = arith.constant 0 : i32
        %dma_start3A_1386 = tpu.memref_slice %arg11[%and3A_1179, %arg1, %dma_start3A_1385] : memref<2x16x128xi32, #tpu.memory_space<vmem_shared>> -> memref<1x1x128xi32, #tpu.memory_space<vmem_shared>>
        %dma_start3A_1387 = tpu.memref_squeeze %dma_start3A_1386 : memref<1x1x128xi32, #tpu.memory_space<vmem_shared>> -> memref<128xi32, #tpu.memory_space<vmem_shared>>
        tpu.enqueue_dma source(%arg9 : memref<128xi32, #tpu.memory_space<vmem>>) target(%dma_start3A_1387 : memref<128xi32, #tpu.memory_space<vmem_shared>>) target_semaphore(%run_scoped3A_1381 : memref<!tpu.dma_semaphore, #tpu.memory_space<semaphore_mem>>)
        %dma_wait3A_1388 = arith.constant 0 : i32
        %dma_wait3A_1389 = tpu.memref_slice %arg11[%and3A_1179, %arg1, %dma_wait3A_1388] : memref<2x16x128xi32, #tpu.memory_space<vmem_shared>> -> memref<1x1x128xi32, #tpu.memory_space<vmem_shared>>
        %dma_wait3A_1390 = tpu.memref_squeeze %dma_wait3A_1389 : memref<1x1x128xi32, #tpu.memory_space<vmem_shared>> -> memref<128xi32, #tpu.memory_space<vmem_shared>>
        %dma_wait3A_1391 = arith.constant 0 : i32
        %dma_wait3A_1392 = tpu.memref_slice %arg11[%and3A_1179, %arg1, %dma_wait3A_1391] : memref<2x16x128xi32, #tpu.memory_space<vmem_shared>> -> memref<1x1x128xi32, #tpu.memory_space<vmem_shared>>
        %dma_wait3A_1393 = tpu.memref_squeeze %dma_wait3A_1392 : memref<1x1x128xi32, #tpu.memory_space<vmem_shared>> -> memref<128xi32, #tpu.memory_space<vmem_shared>>
        tpu.wait_dma2 semaphore(%run_scoped3A_1381 : memref<!tpu.dma_semaphore, #tpu.memory_space<semaphore_mem>>) src(%arg9 : memref<128xi32, #tpu.memory_space<vmem>>) dst(%dma_wait3A_1393 : memref<128xi32, #tpu.memory_space<vmem_shared>>)
        tpu.yield
      }) : () -> ()
      %barrier3A = arith.constant 0 : index
      tpu.barrier barrier_id(%barrier3A)
      "tpu.region"() ({
        %run_scoped3A_1381 = tpu.sem_alloc : memref<!tpu.dma_semaphore, #tpu.memory_space<semaphore_mem>>
        %dma_start3A_1382 = arith.constant 0 : i32
        %dma_start3A_1383 = tpu.memref_slice %arg11[%and3A_1179, %mul3A_56, %dma_start3A_1382] : memref<2x16x128xi32, #tpu.memory_space<vmem_shared>> -> memref<1x8x128xi32, #tpu.memory_space<vmem_shared>>
        %dma_start3A_1384 = tpu.memref_squeeze %dma_start3A_1383 : memref<1x8x128xi32, #tpu.memory_space<vmem_shared>> -> memref<8x128xi32, #tpu.memory_space<vmem_shared>>
        %dma_start3A_1385 = arith.constant 0 : i32
        %dma_start3A_1386 = tpu.memref_slice %arg11[%and3A_1179, %mul3A_56, %dma_start3A_1385] : memref<2x16x128xi32, #tpu.memory_space<vmem_shared>> -> memref<1x8x128xi32, #tpu.memory_space<vmem_shared>>
        %dma_start3A_1387 = tpu.memref_squeeze %dma_start3A_1386 : memref<1x8x128xi32, #tpu.memory_space<vmem_shared>> -> memref<8x128xi32, #tpu.memory_space<vmem_shared>>
        tpu.enqueue_dma source(%dma_start3A_1387 : memref<8x128xi32, #tpu.memory_space<vmem_shared>>) target(%arg10 : memref<8x128xi32, #tpu.memory_space<vmem>>) target_semaphore(%run_scoped3A_1381 : memref<!tpu.dma_semaphore, #tpu.memory_space<semaphore_mem>>)
        %dma_wait3A_1388 = arith.constant 0 : i32
        %dma_wait3A_1389 = tpu.memref_slice %arg11[%and3A_1179, %mul3A_56, %dma_wait3A_1388] : memref<2x16x128xi32, #tpu.memory_space<vmem_shared>> -> memref<1x8x128xi32, #tpu.memory_space<vmem_shared>>
        %dma_wait3A_1390 = tpu.memref_squeeze %dma_wait3A_1389 : memref<1x8x128xi32, #tpu.memory_space<vmem_shared>> -> memref<8x128xi32, #tpu.memory_space<vmem_shared>>
        %dma_wait3A_1391 = arith.constant 0 : i32
        %dma_wait3A_1392 = tpu.memref_slice %arg11[%and3A_1179, %mul3A_56, %dma_wait3A_1391] : memref<2x16x128xi32, #tpu.memory_space<vmem_shared>> -> memref<1x8x128xi32, #tpu.memory_space<vmem_shared>>
        %dma_wait3A_1393 = tpu.memref_squeeze %dma_wait3A_1392 : memref<1x8x128xi32, #tpu.memory_space<vmem_shared>> -> memref<8x128xi32, #tpu.memory_space<vmem_shared>>
        tpu.wait_dma2 semaphore(%run_scoped3A_1381 : memref<!tpu.dma_semaphore, #tpu.memory_space<semaphore_mem>>) src(%dma_wait3A_1393 : memref<8x128xi32, #tpu.memory_space<vmem_shared>>) dst(%arg10 : memref<8x128xi32, #tpu.memory_space<vmem>>)
        tpu.yield
      }) : () -> ()
      %get3A = arith.constant 0 : i32
      %get3A_1182 = arith.index_cast %get3A : i32 to index
      %get3A_1183 = arith.constant 0 : index
      %get3A_1184 = tpu.vector_load %arg10[%get3A_1182, %get3A_1183] {strides = array<i32>} : memref<8x128xi32, #tpu.memory_space<vmem>>, vector<16xi32>,
      %get3A_1185 = arith.constant 1 : i32
      %get3A_1186 = arith.index_cast %get3A_1185 : i32 to index
      %get3A_1187 = arith.constant 0 : index
      %get3A_1188 = tpu.vector_load %arg10[%get3A_1186, %get3A_1187] {strides = array<i32>} : memref<8x128xi32, #tpu.memory_space<vmem>>, vector<16xi32>,
      %get3A_1189 = arith.constant 2 : i32
      %get3A_1190 = arith.index_cast %get3A_1189 : i32 to index
      %get3A_1191 = arith.constant 0 : index
      %get3A_1192 = tpu.vector_load %arg10[%get3A_1190, %get3A_1191] {strides = array<i32>} : memref<8x128xi32, #tpu.memory_space<vmem>>, vector<16xi32>,
      %get3A_1193 = arith.constant 3 : i32
      %get3A_1194 = arith.index_cast %get3A_1193 : i32 to index
      %get3A_1195 = arith.constant 0 : index
      %get3A_1196 = tpu.vector_load %arg10[%get3A_1194, %get3A_1195] {strides = array<i32>} : memref<8x128xi32, #tpu.memory_space<vmem>>, vector<16xi32>,
      %get3A_1197 = arith.constant 4 : i32
      %get3A_1198 = arith.index_cast %get3A_1197 : i32 to index
      %get3A_1199 = arith.constant 0 : index
      %get3A_1200 = tpu.vector_load %arg10[%get3A_1198, %get3A_1199] {strides = array<i32>} : memref<8x128xi32, #tpu.memory_space<vmem>>, vector<16xi32>,
      %get3A_1201 = arith.constant 5 : i32
      %get3A_1202 = arith.index_cast %get3A_1201 : i32 to index
      %get3A_1203 = arith.constant 0 : index
      %get3A_1204 = tpu.vector_load %arg10[%get3A_1202, %get3A_1203] {strides = array<i32>} : memref<8x128xi32, #tpu.memory_space<vmem>>, vector<16xi32>,
      %get3A_1205 = arith.constant 6 : i32
      %get3A_1206 = arith.index_cast %get3A_1205 : i32 to index
      %get3A_1207 = arith.constant 0 : index
      %get3A_1208 = tpu.vector_load %arg10[%get3A_1206, %get3A_1207] {strides = array<i32>} : memref<8x128xi32, #tpu.memory_space<vmem>>, vector<16xi32>,
      %get3A_1209 = arith.constant 7 : i32
      %get3A_1210 = arith.index_cast %get3A_1209 : i32 to index
      %get3A_1211 = arith.constant 0 : index
      %get3A_1212 = tpu.vector_load %arg10[%get3A_1210, %get3A_1211] {strides = array<i32>} : memref<8x128xi32, #tpu.memory_space<vmem>>, vector<16xi32>,
      %add3A_1213 = arith.addi %get3A_1184, %get3A_1188 : vector<16xi32>
      %add3A_1214 = arith.addi %add3A_1213, %get3A_1192 : vector<16xi32>
      %add3A_1215 = arith.addi %add3A_1214, %get3A_1196 : vector<16xi32>
      %add3A_1216 = arith.addi %add3A_1215, %get3A_1200 : vector<16xi32>
      %add3A_1217 = arith.addi %add3A_1216, %get3A_1204 : vector<16xi32>
      %add3A_1218 = arith.addi %add3A_1217, %get3A_1208 : vector<16xi32>
      %add3A_1219 = arith.addi %add3A_1218, %get3A_1212 : vector<16xi32>
      %rev3A = arith.constant 15 : i32
      %rev3A_1220 = vector.broadcast %rev3A : i32 to vector<16xi32>
      %rev3A_1221 = tpu.iota {dimensions = array<i32: 0>} : vector<16xi32>
      %rev3A_1222 = arith.subi %rev3A_1220, %rev3A_1221 : vector<16xi32>
      %rev3A_1223 = tpu.dynamic_gather %add3A_1219[%rev3A_1222] in [0] : vector<16xi32>, vector<16xi32> -> vector<16xi32>
      %cumsum3A = arith.constant true
      %cumsum3A_1224 = vector.broadcast %cumsum3A : i1 to vector<16xi1>
      %cumsum3A_1225 = tpu.scan <sum>, %rev3A_1223 masked %cumsum3A_1224 : vector<16xi32>, vector<16xi1> -> vector<16xi32>
      %rev3A_1226 = arith.constant 15 : i32
      %rev3A_1227 = vector.broadcast %rev3A_1226 : i32 to vector<16xi32>
      %rev3A_1228 = tpu.iota {dimensions = array<i32: 0>} : vector<16xi32>
      %rev3A_1229 = arith.subi %rev3A_1227, %rev3A_1228 : vector<16xi32>
      %rev3A_1230 = tpu.dynamic_gather %cumsum3A_1225[%rev3A_1229] in [0] : vector<16xi32>, vector<16xi32> -> vector<16xi32>
      %add3A_1231 = vector.broadcast %scan3A_1095 : i32 to vector<16xi32>
      %add3A_1232 = arith.addi %rev3A_1230, %add3A_1231 : vector<16xi32>
      %ge3A = arith.constant 5000 : i32
      %ge3A_1233 = vector.broadcast %ge3A : i32 to vector<16xi32>
      %ge3A_1234 = arith.cmpi sge, %add3A_1232, %ge3A_1233 : vector<16xi32>
      %all_reduce_population_count3A = tpu.all_reduce %ge3A_1234 {dim = 0 : i64, kind = #tpu.reduction_kind<sum>} : vector<16xi1> -> vector<16xi32>
      %reduce_max3A = arith.constant true
      %reduce_max3A_1235 = vector.broadcast %reduce_max3A : i1 to vector<16xi1>
      %reduce_max3A_1236 = arith.constant -2147483648 : i32
      %reduce_max3A_1237 = vector.broadcast %reduce_max3A_1236 : i32 to vector<16xi32>
      %reduce_max3A_1238 = arith.xori %all_reduce_population_count3A, %reduce_max3A_1237 : vector<16xi32>
      %reduce_max3A_1239 = tpu.scan <max>, %reduce_max3A_1238 masked %reduce_max3A_1235 : vector<16xi32>, vector<16xi1> -> vector<16xi32>
      %reduce_max3A_1240 = arith.xori %reduce_max3A_1239, %reduce_max3A_1237 : vector<16xi32>
      %reduce_max3A_1241 = vector.extract %reduce_max3A_1240[15] : i32 from vector<16xi32>
      %sub3A_1242 = arith.constant 1 : i32
      %sub3A_1243 = arith.subi %reduce_max3A_1241, %sub3A_1242 : i32
      %add3A_1244 = arith.constant 1 : i32
      %add3A_1245 = arith.addi %sub3A_1243, %add3A_1244 : i32
      %eq3A_1246 = vector.broadcast %add3A_1245 : i32 to vector<16xi32>
      %eq3A_1247 = arith.cmpi eq, %iota3A, %eq3A_1246 : vector<16xi32>
      %jit3A_1248 = arith.constant 0 : i32
      %broadcast_in_dim3A_1249 = vector.broadcast %jit3A_1248 : i32 to vector<16xi32>
      %select_n3A_1250 = arith.select %eq3A_1247, %rev3A_1230, %broadcast_in_dim3A_1249 : vector<16xi1>, vector<16xi32>
      %reduce_sum3A = arith.constant true
      %reduce_sum3A_1251 = vector.broadcast %reduce_sum3A : i1 to vector<16xi1>
      %reduce_sum3A_1252 = tpu.scan <sum>, %select_n3A_1250 masked %reduce_sum3A_1251 : vector<16xi32>, vector<16xi1> -> vector<16xi32>
      %reduce_sum3A_1253 = vector.extract %reduce_sum3A_1252[15] : i32 from vector<16xi32>
      %mul3A_1254 = arith.constant 4 : i32
      %mul3A_1255 = arith.muli %mul3A_1254, %scan3A_1093 : i32
      %sub3A_1256 = arith.constant 28 : i32
      %sub3A_1257 = arith.subi %sub3A_1256, %mul3A_1255 : i32
      %shift_left3A = arith.shli %sub3A_1243, %sub3A_1257 : i32
      %add3A_1258 = arith.addi %scan3A_1094, %shift_left3A : i32
      %add3A_1259 = arith.addi %scan3A_1095, %reduce_sum3A_1253 : i32
      %eq3A_1260 = vector.broadcast %sub3A_1243 : i32 to vector<16xi32>
      %eq3A_1261 = arith.cmpi eq, %iota3A, %eq3A_1260 : vector<16xi32>
      %jit3A_1262 = arith.constant 0 : i32
      %broadcast_in_dim3A_1263 = vector.broadcast %jit3A_1262 : i32 to vector<16xi32>
      %select_n3A_1264 = arith.select %eq3A_1261, %add3A_1177, %broadcast_in_dim3A_1263 : vector<16xi1>, vector<16xi32>
      %reduce_sum3A_1265 = arith.constant true
      %reduce_sum3A_1266 = vector.broadcast %reduce_sum3A_1265 : i1 to vector<16xi1>
      %reduce_sum3A_1267 = tpu.scan <sum>, %select_n3A_1264 masked %reduce_sum3A_1266 : vector<16xi32>, vector<16xi1> -> vector<16xi32>
      %reduce_sum3A_1268 = vector.extract %reduce_sum3A_1267[15] : i32 from vector<16xi32>
      %jit3A_1269 = arith.constant 0 : i32
      %broadcast_in_dim3A_1270 = vector.broadcast %jit3A_1269 : i32 to vector<16xi32>
      %select_n3A_1271 = arith.select %eq3A_1261, %get3A_1184, %broadcast_in_dim3A_1270 : vector<16xi1>, vector<16xi32>
      %reduce_sum3A_1272 = arith.constant true
      %reduce_sum3A_1273 = vector.broadcast %reduce_sum3A_1272 : i1 to vector<16xi1>
      %reduce_sum3A_1274 = tpu.scan <sum>, %select_n3A_1271 masked %reduce_sum3A_1273 : vector<16xi32>, vector<16xi1> -> vector<16xi32>
      %reduce_sum3A_1275 = vector.extract %reduce_sum3A_1274[15] : i32 from vector<16xi32>
      %lt3A_1276 = arith.constant 0 : i32
      %lt3A_1277 = arith.cmpi slt, %lt3A_1276, %select_n3A_30 : i32
      %jit3A_1278 = arith.constant 0 : i32
      %select_n3A_1279 = arith.select %lt3A_1277, %reduce_sum3A_1275, %jit3A_1278 : i32
      %add3A_1280 = arith.constant 0 : i32
      %add3A_1281 = arith.addi %add3A_1280, %select_n3A_1279 : i32
      %jit3A_1282 = arith.constant 0 : i32
      %broadcast_in_dim3A_1283 = vector.broadcast %jit3A_1282 : i32 to vector<16xi32>
      %select_n3A_1284 = arith.select %eq3A_1261, %get3A_1188, %broadcast_in_dim3A_1283 : vector<16xi1>, vector<16xi32>
      %reduce_sum3A_1285 = arith.constant true
      %reduce_sum3A_1286 = vector.broadcast %reduce_sum3A_1285 : i1 to vector<16xi1>
      %reduce_sum3A_1287 = tpu.scan <sum>, %select_n3A_1284 masked %reduce_sum3A_1286 : vector<16xi32>, vector<16xi1> -> vector<16xi32>
      %reduce_sum3A_1288 = vector.extract %reduce_sum3A_1287[15] : i32 from vector<16xi32>
      %lt3A_1289 = arith.constant 1 : i32
      %lt3A_1290 = arith.cmpi slt, %lt3A_1289, %select_n3A_30 : i32
      %jit3A_1291 = arith.constant 0 : i32
      %select_n3A_1292 = arith.select %lt3A_1290, %reduce_sum3A_1288, %jit3A_1291 : i32
      %add3A_1293 = arith.addi %add3A_1281, %select_n3A_1292 : i32
      %jit3A_1294 = arith.constant 0 : i32
      %broadcast_in_dim3A_1295 = vector.broadcast %jit3A_1294 : i32 to vector<16xi32>
      %select_n3A_1296 = arith.select %eq3A_1261, %get3A_1192, %broadcast_in_dim3A_1295 : vector<16xi1>, vector<16xi32>
      %reduce_sum3A_1297 = arith.constant true
      %reduce_sum3A_1298 = vector.broadcast %reduce_sum3A_1297 : i1 to vector<16xi1>
      %reduce_sum3A_1299 = tpu.scan <sum>, %select_n3A_1296 masked %reduce_sum3A_1298 : vector<16xi32>, vector<16xi1> -> vector<16xi32>
      %reduce_sum3A_1300 = vector.extract %reduce_sum3A_1299[15] : i32 from vector<16xi32>
      %lt3A_1301 = arith.constant 2 : i32
      %lt3A_1302 = arith.cmpi slt, %lt3A_1301, %select_n3A_30 : i32
      %jit3A_1303 = arith.constant 0 : i32
      %select_n3A_1304 = arith.select %lt3A_1302, %reduce_sum3A_1300, %jit3A_1303 : i32
      %add3A_1305 = arith.addi %add3A_1293, %select_n3A_1304 : i32
      %jit3A_1306 = arith.constant 0 : i32
      %broadcast_in_dim3A_1307 = vector.broadcast %jit3A_1306 : i32 to vector<16xi32>
      %select_n3A_1308 = arith.select %eq3A_1261, %get3A_1196, %broadcast_in_dim3A_1307 : vector<16xi1>, vector<16xi32>
      %reduce_sum3A_1309 = arith.constant true
      %reduce_sum3A_1310 = vector.broadcast %reduce_sum3A_1309 : i1 to vector<16xi1>
      %reduce_sum3A_1311 = tpu.scan <sum>, %select_n3A_1308 masked %reduce_sum3A_1310 : vector<16xi32>, vector<16xi1> -> vector<16xi32>
      %reduce_sum3A_1312 = vector.extract %reduce_sum3A_1311[15] : i32 from vector<16xi32>
      %lt3A_1313 = arith.constant 3 : i32
      %lt3A_1314 = arith.cmpi slt, %lt3A_1313, %select_n3A_30 : i32
      %jit3A_1315 = arith.constant 0 : i32
      %select_n3A_1316 = arith.select %lt3A_1314, %reduce_sum3A_1312, %jit3A_1315 : i32
      %add3A_1317 = arith.addi %add3A_1305, %select_n3A_1316 : i32
      %jit3A_1318 = arith.constant 0 : i32
      %broadcast_in_dim3A_1319 = vector.broadcast %jit3A_1318 : i32 to vector<16xi32>
      %select_n3A_1320 = arith.select %eq3A_1261, %get3A_1200, %broadcast_in_dim3A_1319 : vector<16xi1>, vector<16xi32>
      %reduce_sum3A_1321 = arith.constant true
      %reduce_sum3A_1322 = vector.broadcast %reduce_sum3A_1321 : i1 to vector<16xi1>
      %reduce_sum3A_1323 = tpu.scan <sum>, %select_n3A_1320 masked %reduce_sum3A_1322 : vector<16xi32>, vector<16xi1> -> vector<16xi32>
      %reduce_sum3A_1324 = vector.extract %reduce_sum3A_1323[15] : i32 from vector<16xi32>
      %lt3A_1325 = arith.constant 4 : i32
      %lt3A_1326 = arith.cmpi slt, %lt3A_1325, %select_n3A_30 : i32
      %jit3A_1327 = arith.constant 0 : i32
      %select_n3A_1328 = arith.select %lt3A_1326, %reduce_sum3A_1324, %jit3A_1327 : i32
      %add3A_1329 = arith.addi %add3A_1317, %select_n3A_1328 : i32
      %jit3A_1330 = arith.constant 0 : i32
      %broadcast_in_dim3A_1331 = vector.broadcast %jit3A_1330 : i32 to vector<16xi32>
      %select_n3A_1332 = arith.select %eq3A_1261, %get3A_1204, %broadcast_in_dim3A_1331 : vector<16xi1>, vector<16xi32>
      %reduce_sum3A_1333 = arith.constant true
      %reduce_sum3A_1334 = vector.broadcast %reduce_sum3A_1333 : i1 to vector<16xi1>
      %reduce_sum3A_1335 = tpu.scan <sum>, %select_n3A_1332 masked %reduce_sum3A_1334 : vector<16xi32>, vector<16xi1> -> vector<16xi32>
      %reduce_sum3A_1336 = vector.extract %reduce_sum3A_1335[15] : i32 from vector<16xi32>
      %lt3A_1337 = arith.constant 5 : i32
      %lt3A_1338 = arith.cmpi slt, %lt3A_1337, %select_n3A_30 : i32
      %jit3A_1339 = arith.constant 0 : i32
      %select_n3A_1340 = arith.select %lt3A_1338, %reduce_sum3A_1336, %jit3A_1339 : i32
      %add3A_1341 = arith.addi %add3A_1329, %select_n3A_1340 : i32
      %jit3A_1342 = arith.constant 0 : i32
      %broadcast_in_dim3A_1343 = vector.broadcast %jit3A_1342 : i32 to vector<16xi32>
      %select_n3A_1344 = arith.select %eq3A_1261, %get3A_1208, %broadcast_in_dim3A_1343 : vector<16xi1>, vector<16xi32>
      %reduce_sum3A_1345 = arith.constant true
      %reduce_sum3A_1346 = vector.broadcast %reduce_sum3A_1345 : i1 to vector<16xi1>
      %reduce_sum3A_1347 = tpu.scan <sum>, %select_n3A_1344 masked %reduce_sum3A_1346 : vector<16xi32>, vector<16xi1> -> vector<16xi32>
      %reduce_sum3A_1348 = vector.extract %reduce_sum3A_1347[15] : i32 from vector<16xi32>
      %lt3A_1349 = arith.constant 6 : i32
      %lt3A_1350 = arith.cmpi slt, %lt3A_1349, %select_n3A_30 : i32
      %jit3A_1351 = arith.constant 0 : i32
      %select_n3A_1352 = arith.select %lt3A_1350, %reduce_sum3A_1348, %jit3A_1351 : i32
      %add3A_1353 = arith.addi %add3A_1341, %select_n3A_1352 : i32
      %jit3A_1354 = arith.constant 0 : i32
      %broadcast_in_dim3A_1355 = vector.broadcast %jit3A_1354 : i32 to vector<16xi32>
      %select_n3A_1356 = arith.select %eq3A_1261, %get3A_1212, %broadcast_in_dim3A_1355 : vector<16xi1>, vector<16xi32>
      %reduce_sum3A_1357 = arith.constant true
      %reduce_sum3A_1358 = vector.broadcast %reduce_sum3A_1357 : i1 to vector<16xi1>
      %reduce_sum3A_1359 = tpu.scan <sum>, %select_n3A_1356 masked %reduce_sum3A_1358 : vector<16xi32>, vector<16xi1> -> vector<16xi32>
      %reduce_sum3A_1360 = vector.extract %reduce_sum3A_1359[15] : i32 from vector<16xi32>
      %lt3A_1361 = arith.constant 7 : i32
      %lt3A_1362 = arith.cmpi slt, %lt3A_1361, %select_n3A_30 : i32
      %jit3A_1363 = arith.constant 0 : i32
      %select_n3A_1364 = arith.select %lt3A_1362, %reduce_sum3A_1360, %jit3A_1363 : i32
      %add3A_1365 = arith.addi %add3A_1353, %select_n3A_1364 : i32
      %sub3A_1366 = arith.constant 4 : i32
      %sub3A_1367 = arith.subi %sub3A_1257, %sub3A_1366 : i32
      %shift_right_arithmetic3A = arith.shrsi %add3A_1258, %sub3A_1367 : i32
      %sub3A_1368 = arith.constant 1 : i32
      %sub3A_1369 = arith.subi %shift_right_arithmetic3A, %sub3A_1368 : i32
      %lt3A_1370 = arith.constant 7 : i32
      %lt3A_1371 = arith.cmpi slt, %scan3A_1093, %lt3A_1370 : i32
      %convert_element_type3A_1372 = arith.extui %lt3A_1371 : i1 to i32
      %cond3A_1373 = arith.constant 0 : i32
      %cond3A_1374 = arith.cmpi ne, %convert_element_type3A_1372, %cond3A_1373 : i32
      scf.if %cond3A_1374 {
        %swap3A_1381 = arith.constant 0 : index
        %swap3A_1382 = tpu.vector_load %arg7[%swap3A_1381] {strides = array<i32>} : memref<288xi32, #tpu.memory_space<vmem>>, vector<16xi32>,
        tpu.vector_store %arg7[%swap3A_1381], %broadcast_in_dim3A_60 {strides = array<i32>} : memref<288xi32, #tpu.memory_space<vmem>>, vector<16xi32>,
        %swap3A_1383 = arith.constant 16 : index
        %swap3A_1384 = tpu.vector_load %arg7[%swap3A_1383] {strides = array<i32>} : memref<288xi32, #tpu.memory_space<vmem>>, vector<16xi32>,
        tpu.vector_store %arg7[%swap3A_1383], %broadcast_in_dim3A_60 {strides = array<i32>} : memref<288xi32, #tpu.memory_space<vmem>>, vector<16xi32>,
        %swap3A_1385 = arith.constant 32 : index
        %swap3A_1386 = tpu.vector_load %arg7[%swap3A_1385] {strides = array<i32>} : memref<288xi32, #tpu.memory_space<vmem>>, vector<16xi32>,
        tpu.vector_store %arg7[%swap3A_1385], %broadcast_in_dim3A_60 {strides = array<i32>} : memref<288xi32, #tpu.memory_space<vmem>>, vector<16xi32>,
        %swap3A_1387 = arith.constant 48 : index
        %swap3A_1388 = tpu.vector_load %arg7[%swap3A_1387] {strides = array<i32>} : memref<288xi32, #tpu.memory_space<vmem>>, vector<16xi32>,
        tpu.vector_store %arg7[%swap3A_1387], %broadcast_in_dim3A_60 {strides = array<i32>} : memref<288xi32, #tpu.memory_space<vmem>>, vector<16xi32>,
        %swap3A_1389 = arith.constant 64 : index
        %swap3A_1390 = tpu.vector_load %arg7[%swap3A_1389] {strides = array<i32>} : memref<288xi32, #tpu.memory_space<vmem>>, vector<16xi32>,
        tpu.vector_store %arg7[%swap3A_1389], %broadcast_in_dim3A_60 {strides = array<i32>} : memref<288xi32, #tpu.memory_space<vmem>>, vector<16xi32>,
        %swap3A_1391 = arith.constant 80 : index
        %swap3A_1392 = tpu.vector_load %arg7[%swap3A_1391] {strides = array<i32>} : memref<288xi32, #tpu.memory_space<vmem>>, vector<16xi32>,
        tpu.vector_store %arg7[%swap3A_1391], %broadcast_in_dim3A_60 {strides = array<i32>} : memref<288xi32, #tpu.memory_space<vmem>>, vector<16xi32>,
        %swap3A_1393 = arith.constant 96 : index
        %swap3A_1394 = tpu.vector_load %arg7[%swap3A_1393] {strides = array<i32>} : memref<288xi32, #tpu.memory_space<vmem>>, vector<16xi32>,
        tpu.vector_store %arg7[%swap3A_1393], %broadcast_in_dim3A_60 {strides = array<i32>} : memref<288xi32, #tpu.memory_space<vmem>>, vector<16xi32>,
        %swap3A_1395 = arith.constant 112 : index
        %swap3A_1396 = tpu.vector_load %arg7[%swap3A_1395] {strides = array<i32>} : memref<288xi32, #tpu.memory_space<vmem>>, vector<16xi32>,
        tpu.vector_store %arg7[%swap3A_1395], %broadcast_in_dim3A_60 {strides = array<i32>} : memref<288xi32, #tpu.memory_space<vmem>>, vector<16xi32>,
        %swap3A_1397 = arith.constant 128 : index
        %swap3A_1398 = tpu.vector_load %arg7[%swap3A_1397] {strides = array<i32>} : memref<288xi32, #tpu.memory_space<vmem>>, vector<16xi32>,
        tpu.vector_store %arg7[%swap3A_1397], %broadcast_in_dim3A_60 {strides = array<i32>} : memref<288xi32, #tpu.memory_space<vmem>>, vector<16xi32>,
        %swap3A_1399 = arith.constant 144 : index
        %swap3A_1400 = tpu.vector_load %arg7[%swap3A_1399] {strides = array<i32>} : memref<288xi32, #tpu.memory_space<vmem>>, vector<16xi32>,
        tpu.vector_store %arg7[%swap3A_1399], %broadcast_in_dim3A_60 {strides = array<i32>} : memref<288xi32, #tpu.memory_space<vmem>>, vector<16xi32>,
        %swap3A_1401 = arith.constant 160 : index
        %swap3A_1402 = tpu.vector_load %arg7[%swap3A_1401] {strides = array<i32>} : memref<288xi32, #tpu.memory_space<vmem>>, vector<16xi32>,
        tpu.vector_store %arg7[%swap3A_1401], %broadcast_in_dim3A_60 {strides = array<i32>} : memref<288xi32, #tpu.memory_space<vmem>>, vector<16xi32>,
        %swap3A_1403 = arith.constant 176 : index
        %swap3A_1404 = tpu.vector_load %arg7[%swap3A_1403] {strides = array<i32>} : memref<288xi32, #tpu.memory_space<vmem>>, vector<16xi32>,
        tpu.vector_store %arg7[%swap3A_1403], %broadcast_in_dim3A_60 {strides = array<i32>} : memref<288xi32, #tpu.memory_space<vmem>>, vector<16xi32>,
        %swap3A_1405 = arith.constant 192 : index
        %swap3A_1406 = tpu.vector_load %arg7[%swap3A_1405] {strides = array<i32>} : memref<288xi32, #tpu.memory_space<vmem>>, vector<16xi32>,
        tpu.vector_store %arg7[%swap3A_1405], %broadcast_in_dim3A_60 {strides = array<i32>} : memref<288xi32, #tpu.memory_space<vmem>>, vector<16xi32>,
        %swap3A_1407 = arith.constant 208 : index
        %swap3A_1408 = tpu.vector_load %arg7[%swap3A_1407] {strides = array<i32>} : memref<288xi32, #tpu.memory_space<vmem>>, vector<16xi32>,
        tpu.vector_store %arg7[%swap3A_1407], %broadcast_in_dim3A_60 {strides = array<i32>} : memref<288xi32, #tpu.memory_space<vmem>>, vector<16xi32>,
        %swap3A_1409 = arith.constant 224 : index
        %swap3A_1410 = tpu.vector_load %arg7[%swap3A_1409] {strides = array<i32>} : memref<288xi32, #tpu.memory_space<vmem>>, vector<16xi32>,
        tpu.vector_store %arg7[%swap3A_1409], %broadcast_in_dim3A_60 {strides = array<i32>} : memref<288xi32, #tpu.memory_space<vmem>>, vector<16xi32>,
        %swap3A_1411 = arith.constant 240 : index
        %swap3A_1412 = tpu.vector_load %arg7[%swap3A_1411] {strides = array<i32>} : memref<288xi32, #tpu.memory_space<vmem>>, vector<16xi32>,
        tpu.vector_store %arg7[%swap3A_1411], %broadcast_in_dim3A_60 {strides = array<i32>} : memref<288xi32, #tpu.memory_space<vmem>>, vector<16xi32>,
        %swap3A_1413 = arith.constant 256 : index
        %swap3A_1414 = tpu.vector_load %arg7[%swap3A_1413] {strides = array<i32>} : memref<288xi32, #tpu.memory_space<vmem>>, vector<16xi32>,
        tpu.vector_store %arg7[%swap3A_1413], %broadcast_in_dim3A_60 {strides = array<i32>} : memref<288xi32, #tpu.memory_space<vmem>>, vector<16xi32>,
        %swap3A_1415 = arith.constant 272 : index
        %swap3A_1416 = tpu.vector_load %arg7[%swap3A_1415] {strides = array<i32>} : memref<288xi32, #tpu.memory_space<vmem>>, vector<16xi32>,
        tpu.vector_store %arg7[%swap3A_1415], %broadcast_in_dim3A_60 {strides = array<i32>} : memref<288xi32, #tpu.memory_space<vmem>>, vector<16xi32>,
      } else {
      }
      %lt3A_1375 = arith.constant 7 : i32
      %lt3A_1376 = arith.cmpi slt, %scan3A_1093, %lt3A_1375 : i32
      %convert_element_type3A_1377 = arith.extui %lt3A_1376 : i1 to i32
      %cond3A_1378 = arith.constant 0 : i32
      %cond3A_1379 = arith.cmpi ne, %convert_element_type3A_1377, %cond3A_1378 : i32
      %cond3A_1380 = scf.if %cond3A_1379 -> (i32) {
        %add3A_1381 = arith.constant 16 : i32
        %add3A_1382 = arith.addi %scan3A_1098, %add3A_1381 : i32
        %sub3A_1383 = arith.constant 1 : i32
        %sub3A_1384 = arith.subi %add3A_1382, %sub3A_1383 : i32
        %shift_right_arithmetic3A_1385 = arith.constant 4 : i32
        %shift_right_arithmetic3A_1386 = arith.shrsi %sub3A_1384, %shift_right_arithmetic3A_1385 : i32
        %while3A = arith.constant 0 : i32
        %while3A_1387 = arith.constant 0 : i32
        %while3A_1388 = arith.subi %shift_right_arithmetic3A_1386, %while3A : i32
        %while3A_1389 = arith.addi %while3A, %while3A_1388 : i32
        %while3A_1390 = arith.constant 1 : i32
        %while3A_1391 = arith.divsi %while3A_1388, %while3A_1390 : i32
        %while3A_1392 = arith.muli %while3A_1391, %while3A_1390 : i32
        %while3A_1393 = arith.addi %while3A, %while3A_1392 : i32
        %while3A_1394 = arith.constant 1 : i32
        %while3A_1395 = scf.for %while3A_1398 = %while3A to %while3A_1393 step %while3A_1394 iter_args(%while3A_1399 = %while3A_1387) -> (i32)  : i32 {
          %mul3A_1400 = arith.constant 16 : i32
          %mul3A_1401 = arith.muli %while3A_1398, %mul3A_1400 : i32
          %add3A_1402 = vector.broadcast %mul3A_1401 : i32 to vector<16xi32>
          %add3A_1403 = arith.addi %add3A_1402, %iota3A : vector<16xi32>
          %lt3A_1404 = vector.broadcast %scan3A_1098 : i32 to vector<16xi32>
          %lt3A_1405 = arith.cmpi slt, %add3A_1403, %lt3A_1404 : vector<16xi32>
          %mul3A_1406 = arith.constant 16 : i32
          %mul3A_1407 = arith.muli %while3A_1398, %mul3A_1406 : i32
          %get3A_1408 = arith.index_cast %mul3A_1407 : i32 to index
          %get3A_1409 = tpu.vector_load %arg6[%get3A_1408] {strides = array<i32>} : memref<2064xi32, #tpu.memory_space<vmem>>, vector<16xi32>,
          %shift_right_arithmetic3A_1410 = vector.broadcast %sub3A_1367 : i32 to vector<16xi32>
          %shift_right_arithmetic3A_1411 = arith.shrsi %get3A_1409, %shift_right_arithmetic3A_1410 : vector<16xi32>
          %sub3A_1412 = vector.broadcast %sub3A_1369 : i32 to vector<16xi32>
          %sub3A_1413 = arith.subi %shift_right_arithmetic3A_1411, %sub3A_1412 : vector<16xi32>
          %jit3A_1414 = arith.constant 0 : i32
          %jit3A_1415 = arith.constant 17 : i32
          %max3A_1416 = vector.broadcast %jit3A_1414 : i32 to vector<16xi32>
          %max3A_1417 = arith.maxsi %max3A_1416, %sub3A_1413 : vector<16xi32>
          %min3A_1418 = vector.broadcast %jit3A_1415 : i32 to vector<16xi32>
          %min3A_1419 = arith.minsi %min3A_1418, %max3A_1417 : vector<16xi32>
          %jit3A_1420 = arith.constant 0 : i32
          %broadcast_in_dim3A_1421 = vector.broadcast %jit3A_1420 : i32 to vector<16xi32>
          %select_n3A_1422 = arith.select %lt3A_1405, %min3A_1419, %broadcast_in_dim3A_1421 : vector<16xi1>, vector<16xi32>
          %mul3A_1423 = arith.constant 16 : i32
          %mul3A_1424 = vector.broadcast %mul3A_1423 : i32 to vector<16xi32>
          %mul3A_1425 = arith.muli %select_n3A_1422, %mul3A_1424 : vector<16xi32>
          %add3A_1426 = arith.addi %mul3A_1425, %iota3A : vector<16xi32>
          tpu.vector_store_idx %arg7[%add3A_1426], %broadcast_in_dim3A_62 {add = true} : memref<288xi32, #tpu.memory_space<vmem>>[vector<16xi32>], vector<16xi32>,
          %ge3A_1427 = arith.constant 1 : i32
          %ge3A_1428 = vector.broadcast %ge3A_1427 : i32 to vector<16xi32>
          %ge3A_1429 = arith.cmpi sge, %select_n3A_1422, %ge3A_1428 : vector<16xi32>
          %and3A_1430 = arith.andi %lt3A_1405, %ge3A_1429 : vector<16xi1>
          %le3A = arith.constant 16 : i32
          %le3A_1431 = vector.broadcast %le3A : i32 to vector<16xi32>
          %le3A_1432 = arith.cmpi sle, %select_n3A_1422, %le3A_1431 : vector<16xi32>
          %and3A_1433 = arith.andi %and3A_1430, %le3A_1432 : vector<16xi1>
          %swap3A_1434 = arith.index_cast %while3A_1399 : i32 to index
          %swap3A_1435 = tpu.vector_load %arg6[%swap3A_1434] masked %and3A_1433 {strides = array<i32>} : memref<2064xi32, #tpu.memory_space<vmem>>, vector<16xi32>, vector<16xi1>
          tpu.vector_store %arg6[%swap3A_1434], %get3A_1409 masked %and3A_1433 {strides = array<i32>} : memref<2064xi32, #tpu.memory_space<vmem>>, vector<16xi32>, vector<16xi1>
          %all_reduce_population_count3A_1436 = tpu.all_reduce %and3A_1433 {dim = 0 : i64, kind = #tpu.reduction_kind<sum>} : vector<16xi1> -> vector<16xi32>
          %reduce_max3A_1437 = arith.constant true
          %reduce_max3A_1438 = vector.broadcast %reduce_max3A_1437 : i1 to vector<16xi1>
          %reduce_max3A_1439 = arith.constant -2147483648 : i32
          %reduce_max3A_1440 = vector.broadcast %reduce_max3A_1439 : i32 to vector<16xi32>
          %reduce_max3A_1441 = arith.xori %all_reduce_population_count3A_1436, %reduce_max3A_1440 : vector<16xi32>
          %reduce_max3A_1442 = tpu.scan <max>, %reduce_max3A_1441 masked %reduce_max3A_1438 : vector<16xi32>, vector<16xi1> -> vector<16xi32>
          %reduce_max3A_1443 = arith.xori %reduce_max3A_1442, %reduce_max3A_1440 : vector<16xi32>
          %reduce_max3A_1444 = vector.extract %reduce_max3A_1443[15] : i32 from vector<16xi32>
          %add3A_1445 = arith.addi %while3A_1399, %reduce_max3A_1444 : i32
          scf.yield %add3A_1445 : i32
        }
        %while3A_1396 = arith.constant 1 : i32
        %while3A_1397 = scf.for %while3A_1398 = %while3A_1393 to %while3A_1389 step %while3A_1396 iter_args(%while3A_1399 = %while3A_1395) -> (i32)  : i32 {
          %mul3A_1400 = arith.constant 16 : i32
          %mul3A_1401 = arith.muli %while3A_1398, %mul3A_1400 : i32
          %add3A_1402 = vector.broadcast %mul3A_1401 : i32 to vector<16xi32>
          %add3A_1403 = arith.addi %add3A_1402, %iota3A : vector<16xi32>
          %lt3A_1404 = vector.broadcast %scan3A_1098 : i32 to vector<16xi32>
          %lt3A_1405 = arith.cmpi slt, %add3A_1403, %lt3A_1404 : vector<16xi32>
          %mul3A_1406 = arith.constant 16 : i32
          %mul3A_1407 = arith.muli %while3A_1398, %mul3A_1406 : i32
          %get3A_1408 = arith.index_cast %mul3A_1407 : i32 to index
          %get3A_1409 = tpu.vector_load %arg6[%get3A_1408] {strides = array<i32>} : memref<2064xi32, #tpu.memory_space<vmem>>, vector<16xi32>,
          %shift_right_arithmetic3A_1410 = vector.broadcast %sub3A_1367 : i32 to vector<16xi32>
          %shift_right_arithmetic3A_1411 = arith.shrsi %get3A_1409, %shift_right_arithmetic3A_1410 : vector<16xi32>
          %sub3A_1412 = vector.broadcast %sub3A_1369 : i32 to vector<16xi32>
          %sub3A_1413 = arith.subi %shift_right_arithmetic3A_1411, %sub3A_1412 : vector<16xi32>
          %jit3A_1414 = arith.constant 0 : i32
          %jit3A_1415 = arith.constant 17 : i32
          %max3A_1416 = vector.broadcast %jit3A_1414 : i32 to vector<16xi32>
          %max3A_1417 = arith.maxsi %max3A_1416, %sub3A_1413 : vector<16xi32>
          %min3A_1418 = vector.broadcast %jit3A_1415 : i32 to vector<16xi32>
          %min3A_1419 = arith.minsi %min3A_1418, %max3A_1417 : vector<16xi32>
          %jit3A_1420 = arith.constant 0 : i32
          %broadcast_in_dim3A_1421 = vector.broadcast %jit3A_1420 : i32 to vector<16xi32>
          %select_n3A_1422 = arith.select %lt3A_1405, %min3A_1419, %broadcast_in_dim3A_1421 : vector<16xi1>, vector<16xi32>
          %mul3A_1423 = arith.constant 16 : i32
          %mul3A_1424 = vector.broadcast %mul3A_1423 : i32 to vector<16xi32>
          %mul3A_1425 = arith.muli %select_n3A_1422, %mul3A_1424 : vector<16xi32>
          %add3A_1426 = arith.addi %mul3A_1425, %iota3A : vector<16xi32>
          tpu.vector_store_idx %arg7[%add3A_1426], %broadcast_in_dim3A_62 {add = true} : memref<288xi32, #tpu.memory_space<vmem>>[vector<16xi32>], vector<16xi32>,
          %ge3A_1427 = arith.constant 1 : i32
          %ge3A_1428 = vector.broadcast %ge3A_1427 : i32 to vector<16xi32>
          %ge3A_1429 = arith.cmpi sge, %select_n3A_1422, %ge3A_1428 : vector<16xi32>
          %and3A_1430 = arith.andi %lt3A_1405, %ge3A_1429 : vector<16xi1>
          %le3A = arith.constant 16 : i32
          %le3A_1431 = vector.broadcast %le3A : i32 to vector<16xi32>
          %le3A_1432 = arith.cmpi sle, %select_n3A_1422, %le3A_1431 : vector<16xi32>
          %and3A_1433 = arith.andi %and3A_1430, %le3A_1432 : vector<16xi1>
          %swap3A_1434 = arith.index_cast %while3A_1399 : i32 to index
          %swap3A_1435 = tpu.vector_load %arg6[%swap3A_1434] masked %and3A_1433 {strides = array<i32>} : memref<2064xi32, #tpu.memory_space<vmem>>, vector<16xi32>, vector<16xi1>
          tpu.vector_store %arg6[%swap3A_1434], %get3A_1409 masked %and3A_1433 {strides = array<i32>} : memref<2064xi32, #tpu.memory_space<vmem>>, vector<16xi32>, vector<16xi1>
          %all_reduce_population_count3A_1436 = tpu.all_reduce %and3A_1433 {dim = 0 : i64, kind = #tpu.reduction_kind<sum>} : vector<16xi1> -> vector<16xi32>
          %reduce_max3A_1437 = arith.constant true
          %reduce_max3A_1438 = vector.broadcast %reduce_max3A_1437 : i1 to vector<16xi1>
          %reduce_max3A_1439 = arith.constant -2147483648 : i32
          %reduce_max3A_1440 = vector.broadcast %reduce_max3A_1439 : i32 to vector<16xi32>
          %reduce_max3A_1441 = arith.xori %all_reduce_population_count3A_1436, %reduce_max3A_1440 : vector<16xi32>
          %reduce_max3A_1442 = tpu.scan <max>, %reduce_max3A_1441 masked %reduce_max3A_1438 : vector<16xi32>, vector<16xi1> -> vector<16xi32>
          %reduce_max3A_1443 = arith.xori %reduce_max3A_1442, %reduce_max3A_1440 : vector<16xi32>
          %reduce_max3A_1444 = vector.extract %reduce_max3A_1443[15] : i32 from vector<16xi32>
          %add3A_1445 = arith.addi %while3A_1399, %reduce_max3A_1444 : i32
          scf.yield %add3A_1445 : i32
        }
        scf.yield %while3A_1397 : i32
      } else {
        scf.yield %scan3A_1098 : i32
      }
      scf.yield %add3A_1258, %add3A_1259, %add3A_1365, %reduce_sum3A_1268, %cond3A_1380 : i32, i32, i32, i32, i32
    }
    %scan3A_1078 = arith.constant 8 : i32
    %sub3A_1079 = arith.constant 5000 : i32
    %sub3A_1080 = arith.subi %sub3A_1079, %scan3A_1077#1 : i32
    %sub3A_1081 = arith.subi %sub3A_1080, %scan3A_1077#2 : i32
    %jit3A_1082 = arith.constant 0 : i32
    %max3A = arith.maxsi %jit3A_1082, %sub3A_1081 : i32
    %min3A = arith.minsi %scan3A_1077#3, %max3A : i32
    %gt3A = arith.constant 0 : i32
    %gt3A_1083 = arith.cmpi sgt, %min3A, %gt3A : i32
    %lt3A_1084 = arith.cmpi slt, %min3A, %scan3A_1077#3 : i32
    %and3A_1085 = arith.andi %gt3A_1083, %lt3A_1084 : i1
    %not3A = arith.constant true
    %not3A_1086 = arith.xori %and3A_1085, %not3A : i1
    %convert_element_type3A = arith.extui %not3A_1086 : i1 to i32
    %cond3A = arith.constant 0 : i32
    %cond3A_1087 = arith.cmpi ne, %convert_element_type3A, %cond3A : i32
    scf.if %cond3A_1087 {
      %gt3A_1093 = arith.constant 0 : i32
      %gt3A_1094 = arith.cmpi sgt, %min3A, %gt3A_1093 : i32
      %scan3A_1095 = arith.constant 0 : i32
      %scan3A_1096 = arith.constant 0 : i32
      %scan3A_1097 = arith.constant 128 : i32
      %scan3A_1098 = arith.addi %scan3A_1096, %scan3A_1097 : i32
      %scan3A_1099 = arith.constant 1 : i32
      %scan3A_1100 = scf.for %scan3A_1102 = %scan3A_1096 to %scan3A_1098 step %scan3A_1099 iter_args(%scan3A_1103 = %scan3A_1095) -> (i32)  : i32 {
        %mul3A_1104 = arith.constant 16 : i32
        %mul3A_1105 = arith.muli %scan3A_1102, %mul3A_1104 : i32
        %get3A = arith.index_cast %mul3A_1105 : i32 to index
        %get3A_1106 = tpu.vector_load %arg5[%get3A] {strides = array<i32>} : memref<2048xi32, #tpu.memory_space<vmem>>, vector<16xi32>,
        %gt3A_1107 = vector.broadcast %scan3A_1077#0 : i32 to vector<16xi32>
        %gt3A_1108 = arith.cmpi sgt, %get3A_1106, %gt3A_1107 : vector<16xi32>
        %eq3A_1109 = vector.broadcast %scan3A_1077#0 : i32 to vector<16xi32>
        %eq3A_1110 = arith.cmpi eq, %get3A_1106, %eq3A_1109 : vector<16xi32>
        %and3A_1111 = vector.broadcast %gt3A_1094 : i1 to vector<16xi1>
        %and3A_1112 = arith.andi %eq3A_1110, %and3A_1111 : vector<16xi1>
        %or3A = arith.ori %gt3A_1108, %and3A_1112 : vector<16xi1>
        %jit3A_1113 = arith.constant 1.000000e+00 : f32
        %jit3A_1114 = arith.constant 0.000000e+00 : f32
        %broadcast_in_dim3A_1115 = vector.broadcast %jit3A_1113 : f32 to vector<16xf32>
        %broadcast_in_dim3A_1116 = vector.broadcast %jit3A_1114 : f32 to vector<16xf32>
        %select_n3A_1117 = arith.select %or3A, %broadcast_in_dim3A_1115, %broadcast_in_dim3A_1116 : vector<16xi1>, vector<16xf32>
        %shift_right_arithmetic3A = arith.constant 3 : i32
        %shift_right_arithmetic3A_1118 = arith.shrsi %scan3A_1102, %shift_right_arithmetic3A : i32
        %and3A_1119 = arith.constant 7 : i32
        %and3A_1120 = arith.andi %scan3A_1102, %and3A_1119 : i32
        %mul3A_1121 = arith.constant 16 : i32
        %mul3A_1122 = arith.muli %and3A_1120, %mul3A_1121 : i32
        %swap3A_1123 = arith.index_cast %shift_right_arithmetic3A_1118 : i32 to index
        %swap3A_1124 = arith.index_cast %mul3A_1122 : i32 to index
        %swap3A_1125 = tpu.vector_load %arg8[%swap3A_1123, %swap3A_1124] {strides = array<i32>} : memref<16x128xf32, #tpu.memory_space<vmem>>, vector<16xf32>,
        tpu.vector_store %arg8[%swap3A_1123, %swap3A_1124], %select_n3A_1117 {strides = array<i32>} : memref<16x128xf32, #tpu.memory_space<vmem>>, vector<16xf32>,
        %scan3A_1126 = arith.constant 0 : i32
        scf.yield %scan3A_1126 : i32
      }
      %scan3A_1101 = arith.constant 128 : i32
    } else {
    }
    %convert_element_type3A_1088 = arith.extui %and3A_1085 : i1 to i32
    %cond3A_1089 = arith.constant 0 : i32
    %cond3A_1090 = arith.cmpi ne, %convert_element_type3A_1088, %cond3A_1089 : i32
    scf.if %cond3A_1090 {
      %scan3A_1093 = arith.constant 0 : i32
      %scan3A_1094 = arith.constant 0 : i32
      %scan3A_1095 = arith.constant 128 : i32
      %scan3A_1096 = arith.addi %scan3A_1094, %scan3A_1095 : i32
      %scan3A_1097 = arith.constant 1 : i32
      %scan3A_1098 = scf.for %scan3A_1100 = %scan3A_1094 to %scan3A_1096 step %scan3A_1097 iter_args(%scan3A_1101 = %scan3A_1093) -> (i32)  : i32 {
        %mul3A_1102 = arith.constant 16 : i32
        %mul3A_1103 = arith.muli %scan3A_1100, %mul3A_1102 : i32
        %get3A = arith.index_cast %mul3A_1103 : i32 to index
        %get3A_1104 = tpu.vector_load %arg5[%get3A] {strides = array<i32>} : memref<2048xi32, #tpu.memory_space<vmem>>, vector<16xi32>,
        %gt3A_1105 = vector.broadcast %scan3A_1077#0 : i32 to vector<16xi32>
        %gt3A_1106 = arith.cmpi sgt, %get3A_1104, %gt3A_1105 : vector<16xi32>
        %eq3A_1107 = vector.broadcast %scan3A_1077#0 : i32 to vector<16xi32>
        %eq3A_1108 = arith.cmpi eq, %get3A_1104, %eq3A_1107 : vector<16xi32>
        %jit3A_1109 = arith.constant 1 : i32
        %jit3A_1110 = arith.constant 0 : i32
        %broadcast_in_dim3A_1111 = vector.broadcast %jit3A_1109 : i32 to vector<16xi32>
        %broadcast_in_dim3A_1112 = vector.broadcast %jit3A_1110 : i32 to vector<16xi32>
        %select_n3A_1113 = arith.select %eq3A_1108, %broadcast_in_dim3A_1111, %broadcast_in_dim3A_1112 : vector<16xi1>, vector<16xi32>
        %broadcast_in_dim3A_1114 = arith.constant true
        %broadcast_in_dim3A_1115 = vector.broadcast %broadcast_in_dim3A_1114 : i1 to vector<16xi1>
        %masked_cumsum3A = tpu.scan <sum>, %select_n3A_1113 masked %broadcast_in_dim3A_1115 : vector<16xi32>, vector<16xi1> -> vector<16xi32>
        %add3A_1116 = vector.broadcast %scan3A_1101 : i32 to vector<16xi32>
        %add3A_1117 = arith.addi %add3A_1116, %masked_cumsum3A : vector<16xi32>
        %sub3A_1118 = arith.constant 1 : i32
        %sub3A_1119 = vector.broadcast %sub3A_1118 : i32 to vector<16xi32>
        %sub3A_1120 = arith.subi %add3A_1117, %sub3A_1119 : vector<16xi32>
        %lt3A_1121 = vector.broadcast %min3A : i32 to vector<16xi32>
        %lt3A_1122 = arith.cmpi slt, %sub3A_1120, %lt3A_1121 : vector<16xi32>
        %and3A_1123 = arith.andi %eq3A_1108, %lt3A_1122 : vector<16xi1>
        %or3A = arith.ori %gt3A_1106, %and3A_1123 : vector<16xi1>
        %jit3A_1124 = arith.constant 1.000000e+00 : f32
        %jit3A_1125 = arith.constant 0.000000e+00 : f32
        %broadcast_in_dim3A_1126 = vector.broadcast %jit3A_1124 : f32 to vector<16xf32>
        %broadcast_in_dim3A_1127 = vector.broadcast %jit3A_1125 : f32 to vector<16xf32>
        %select_n3A_1128 = arith.select %or3A, %broadcast_in_dim3A_1126, %broadcast_in_dim3A_1127 : vector<16xi1>, vector<16xf32>
        %shift_right_arithmetic3A = arith.constant 3 : i32
        %shift_right_arithmetic3A_1129 = arith.shrsi %scan3A_1100, %shift_right_arithmetic3A : i32
        %and3A_1130 = arith.constant 7 : i32
        %and3A_1131 = arith.andi %scan3A_1100, %and3A_1130 : i32
        %mul3A_1132 = arith.constant 16 : i32
        %mul3A_1133 = arith.muli %and3A_1131, %mul3A_1132 : i32
        %swap3A_1134 = arith.index_cast %shift_right_arithmetic3A_1129 : i32 to index
        %swap3A_1135 = arith.index_cast %mul3A_1133 : i32 to index
        %swap3A_1136 = tpu.vector_load %arg8[%swap3A_1134, %swap3A_1135] {strides = array<i32>} : memref<16x128xf32, #tpu.memory_space<vmem>>, vector<16xf32>,
        tpu.vector_store %arg8[%swap3A_1134, %swap3A_1135], %select_n3A_1128 {strides = array<i32>} : memref<16x128xf32, #tpu.memory_space<vmem>>, vector<16xf32>,
        %reduce_sum3A = arith.constant true
        %reduce_sum3A_1137 = vector.broadcast %reduce_sum3A : i1 to vector<16xi1>
        %reduce_sum3A_1138 = tpu.scan <sum>, %select_n3A_1113 masked %reduce_sum3A_1137 : vector<16xi32>, vector<16xi1> -> vector<16xi32>
        %reduce_sum3A_1139 = vector.extract %reduce_sum3A_1138[15] : i32 from vector<16xi32>
        %add3A_1140 = arith.addi %scan3A_1101, %reduce_sum3A_1139 : i32
        scf.yield %add3A_1140 : i32
      }
      %scan3A_1099 = arith.constant 128 : i32
    } else {
    }
    %mul3A_1091 = arith.constant 16 : i32
    %mul3A_1092 = arith.muli %select_n3A_30, %mul3A_1091 : i32
    %run_scoped3A = arith.constant 0 : i32
    "tpu.region"() ({
      %run_scoped3A_1093 = tpu.sem_alloc : memref<!tpu.dma_semaphore, #tpu.memory_space<semaphore_mem>>
      %dma_start3A_1094 = arith.constant 0 : i32
      %dma_start3A_1095 = tpu.memref_slice %arg3[%add3A, %run_scoped3A, %mul3A_1092, %dma_start3A_1094] : memref<4x1x128x128xf32, #tpu.memory_space<hbm>> -> memref<1x1x16x128xf32, #tpu.memory_space<hbm>>
      %dma_start3A_1096 = tpu.memref_squeeze %dma_start3A_1095 : memref<1x1x16x128xf32, #tpu.memory_space<hbm>> -> memref<16x128xf32, #tpu.memory_space<hbm>>
      %dma_start3A_1097 = arith.constant 0 : i32
      %dma_start3A_1098 = tpu.memref_slice %arg3[%add3A, %run_scoped3A, %mul3A_1092, %dma_start3A_1097] : memref<4x1x128x128xf32, #tpu.memory_space<hbm>> -> memref<1x1x16x128xf32, #tpu.memory_space<hbm>>
      %dma_start3A_1099 = tpu.memref_squeeze %dma_start3A_1098 : memref<1x1x16x128xf32, #tpu.memory_space<hbm>> -> memref<16x128xf32, #tpu.memory_space<hbm>>
      tpu.enqueue_dma source(%arg8 : memref<16x128xf32, #tpu.memory_space<vmem>>) target(%dma_start3A_1099 : memref<16x128xf32, #tpu.memory_space<hbm>>) target_semaphore(%run_scoped3A_1093 : memref<!tpu.dma_semaphore, #tpu.memory_space<semaphore_mem>>)
      %dma_wait3A_1100 = arith.constant 0 : i32
      %dma_wait3A_1101 = tpu.memref_slice %arg3[%add3A, %run_scoped3A, %mul3A_1092, %dma_wait3A_1100] : memref<4x1x128x128xf32, #tpu.memory_space<hbm>> -> memref<1x1x16x128xf32, #tpu.memory_space<hbm>>
      %dma_wait3A_1102 = tpu.memref_squeeze %dma_wait3A_1101 : memref<1x1x16x128xf32, #tpu.memory_space<hbm>> -> memref<16x128xf32, #tpu.memory_space<hbm>>
      %dma_wait3A_1103 = arith.constant 0 : i32
      %dma_wait3A_1104 = tpu.memref_slice %arg3[%add3A, %run_scoped3A, %mul3A_1092, %dma_wait3A_1103] : memref<4x1x128x128xf32, #tpu.memory_space<hbm>> -> memref<1x1x16x128xf32, #tpu.memory_space<hbm>>
      %dma_wait3A_1105 = tpu.memref_squeeze %dma_wait3A_1104 : memref<1x1x16x128xf32, #tpu.memory_space<hbm>> -> memref<16x128xf32, #tpu.memory_space<hbm>>
      tpu.wait_dma2 semaphore(%run_scoped3A_1093 : memref<!tpu.dma_semaphore, #tpu.memory_space<semaphore_mem>>) src(%arg8 : memref<16x128xf32, #tpu.memory_space<vmem>>) dst(%dma_wait3A_1105 : memref<16x128xf32, #tpu.memory_space<hbm>>)
      tpu.yield
    }) : () -> ()
    return
  }
}

</mosaic_0001>

<sc_bundles>
// kernel: _refine_mask.3.cloned.1.call-start
scs
__scs_entry_jumppad:
0x0: {  	(pc) =	sbr.rel $0x88, $3  }
0x1: {  	(tag) =	ssettag $0x0;
	lr =	simm.s32 $0x1  }
0x2: {  	[smem:$0x3FA0] =	sst lr;
	_ =	strace $0xD0000000  }
0x3: {  	_ = 	snop  }
0x4: {  	_ = 	snop  }
0x5: {  	_ = 	snop  }
0x6: {  	_ = 	snop  }
0x7: {  	_ = 	snop  }
__scs_overlays_trampoline_lowered:
0x8: {  	[smem:$0x3FAF] =	sst s0  }
0x9: {  	[smem:$0x3FB0] =	sst s1  }
0xa: {  	[smem:$0x3FB1] =	sst s2  }
0xb: {  	[smem:$0x3FB2] =	sst s3  }
0xc: {  	[smem:$0x3FB3] =	sst s4  }
0xd: {  	[smem:$0x3FB4] =	sst s5  }
0xe: {  	[smem:$0x3FB5] =	sst s6  }
0xf: {  	[smem:$0x3FB6] =	sst s7  }
0x10: {  	[smem:$0x3FB7] =	sst s8  }
0x11: {  	[smem:$0x3FB8] =	sst s9;
	s0 =	simm.s32 @!p0 $0x0  }
0x12: {  	s1 =	sld [smem:$0x3F9E];
	s0 =	simm.s32 @p0 $0x1  }
0x13: {  	[smem:$0x3FB9] =	sst s0;
	s0 =	simm.s32 @!p1 $0x0  }
0x14: {  	s2 =	sld [smem:$0x3F9D];
	s0 =	simm.s32 @p1 $0x1  }
0x15: {  	[smem:$0x3FBA] =	sst s0;
	s0 =	simm.s32 @!p2 $0x0  }
0x16: {  	s3 =	sld [smem:$0x3FDB];
	s0 =	simm.s32 @p2 $0x1  }
0x17: {  	s4 =	simm.s32 $0x1BF5;
	[smem:$0x3FBC] =	sst s0  }
0x18: {  	s0 =	sld [smem:$0x3F9F];
	_ =	swait.ge [sflag:s4], $0x0  }
0x19: {  	s7 =	sld [smem:$0x3FA0]  }
0x1a: {  	s8 =	sadd.s32 $0xFFFFE003, lr  }
0x1b: {  	s9 =	sadd.s32 $0xFFFFFEF7, lr;
	s5 =	simm.s32 $0xFFFFFFFF;
	p2 =	slt.u32 s8, $0xFFFFF086  }
0x1c: {  	p1 =	slt.u32 s9, $0xF7A;
	s5 =	simm.s32 @!p2 $0x0  }
0x1d: {  	s5 =	simm.s32 @p1 $0x1;
	p0 =	seq.s32 s7, s2  }
0x1e: {  	s7 =	smul.u32 @!p0 $0xF7A, s2;
	p2 =	seq.s32 @!p0 s5, $0x0  }
0x1f: {  	s9 =	smul.u32 $0xF7A, s1;
	s8 =	simm.s32 @!p0 $0x1BF5;
	p2 =	por !p2, p0  }
0x20: {  	[sflag:s8] =	ssyncset.s32 @!p0 $0xFFFFF086;
	s6 =	sadd.s32 @!p0 s3, s7;
	s7 =	simm.s32 @!p0 $0x108  }
0x21: {  	s3 =	sadd.s32 s3, s9;
	s6 =	sadd.s32 @!p0 $0x88, s6;
	s7 =	simm.s32 @p2 $0x1082  }
0x22: {  	[simem:s7], [sflag:s8] =	dma.local @!p0 [hbm:s6], $0xF7A  }
0x23: {  	s9 =	sor.u32 $0xD0000000, s2;
	s6 =	simm.s32 $0x108;
	_ =	swait.ge @!p0 [sflag:s8], $0x0  }
0x24: {  	s3 =	sadd.s32 $0x88, s3;
	s6 =	simm.s32 @!p1 $0x1082;
	[sflag:s4] =	ssyncset.s32 $0xFFFFF086  }
0x25: {  	[simem:s6], [sflag:s4] =	dma.local [hbm:s3], $0xF7A  }
0x26: {  	[smem:$0x3FA0] =	sst s1;
	(tag) =	ssettag s2;
	_ =	strace s9  }
0x27: {  	s1 =	sld [smem:$0x3FB0]  }
0x28: {  	s2 =	sld [smem:$0x3FB1]  }
0x29: {  	s4 =	sld [smem:$0x3FB3]  }
0x2a: {  	p0 =	seq.s32 s5, $0x0;
	s5 =	sld [smem:$0x3FB4]  }
0x2b: {  	s6 =	sld [smem:$0x3FB5]  }
0x2c: {  	s7 =	sld [smem:$0x3FB6]  }
0x2d: {  	s3 =	simm.s32 $0x108;
	s8 =	sld [smem:$0x3FB7]  }
0x2e: {  	s3 =	simm.s32 @!p0 $0x1082;
	s9 =	sld [smem:$0x3FB8]  }
0x2f: {  	lr =	sadd.s32 s0, s3;
	s0 =	sld [smem:$0x3FAF]  }
0x30: {  	s3 =	sld [smem:$0x3FB2]  }
0x31: {  	[smem:$0x3FBB] =	sst s10  }
0x32: {  	s10 =	sld [smem:$0x3FB9];
	_ =	sdelay $0x3  }
0x33: {  	p0 =	seq.s32 s10, $0x1;
	s10 =	sld [smem:$0x3FBB];
	_ =	sdelay $0x3  }
0x34: {  	[smem:$0x3FBB] =	sst s10  }
0x35: {  	s10 =	sld [smem:$0x3FBA];
	_ =	sdelay $0x3  }
0x36: {  	p1 =	seq.s32 s10, $0x1;
	s10 =	sld [smem:$0x3FBB];
	_ =	sdelay $0x3  }
0x37: {  	[smem:$0x3FBB] =	sst s10  }
0x38: {  	s10 =	sld [smem:$0x3FBC]  }
0x39: {  	_ = 	snop;
	(pc) =	sbr.ind lr, $3  }
0x3a: {  	_ = 	snop  }
0x3b: {  	_ = 	snop  }
0x3c: {  	p2 =	seq.s32 s10, $0x1;
	s10 =	sld [smem:$0x3FBB]  }
0x3d: {  	_ =	shalt  }
0x3e: {  	_ =	shalt  }
0x3f: {  	_ =	shalt  }
0x40: {  	_ =	shalt  }
0x41: {  	_ =	shalt  }
0x42: {  	_ =	shalt  }
0x43: {  	_ =	shalt  }
0x44: {  	_ =	shalt  }
0x45: {  	_ =	shalt  }
0x46: {  	_ =	shalt  }
0x47: {  	_ =	shalt  }
0x48: {  	_ =	shalt  }
0x49: {  	_ =	shalt  }
0x4a: {  	_ =	shalt  }
0x4b: {  	_ =	shalt  }
0x4c: {  	_ =	shalt  }
0x4d: {  	_ =	shalt  }
0x4e: {  	_ =	shalt  }
0x4f: {  	_ =	shalt  }
0x50: {  	_ =	shalt  }
0x51: {  	_ =	shalt  }
0x52: {  	_ =	shalt  }
0x53: {  	_ =	shalt  }
0x54: {  	_ =	shalt  }
0x55: {  	_ =	shalt  }
0x56: {  	_ =	shalt  }
0x57: {  	_ =	shalt  }
0x58: {  	_ =	shalt  }
0x59: {  	_ =	shalt  }
0x5a: {  	_ =	shalt  }
0x5b: {  	_ =	shalt  }
0x5c: {  	_ =	shalt  }
0x5d: {  	_ =	shalt  }
0x5e: {  	_ =	shalt  }
0x5f: {  	_ =	shalt  }
0x60: {  	_ =	shalt  }
0x61: {  	_ =	shalt  }
0x62: {  	_ =	shalt  }
0x63: {  	_ =	shalt  }
0x64: {  	_ =	shalt  }
0x65: {  	_ =	shalt  }
0x66: {  	_ =	shalt  }
0x67: {  	_ =	shalt  }
0x68: {  	_ =	shalt  }
0x69: {  	_ =	shalt  }
0x6a: {  	_ =	shalt  }
0x6b: {  	_ =	shalt  }
0x6c: {  	_ =	shalt  }
0x6d: {  	_ =	shalt  }
0x6e: {  	_ =	shalt  }
0x6f: {  	_ =	shalt  }
0x70: {  	_ =	shalt  }
0x71: {  	_ =	shalt  }
0x72: {  	_ =	shalt  }
0x73: {  	_ =	shalt  }
0x74: {  	_ =	shalt  }
0x75: {  	_ =	shalt  }
0x76: {  	_ =	shalt  }
0x77: {  	_ =	shalt  }
0x78: {  	_ =	shalt  }
0x79: {  	_ =	shalt  }
0x7a: {  	_ =	shalt  }
0x7b: {  	_ =	shalt  }
0x7c: {  	_ =	shalt  }
0x7d: {  	_ =	shalt  }
0x7e: {  	_ =	shalt  }
0x7f: {  	_ =	shalt  }
0x80: {  	_ =	shalt  }
0x81: {  	_ =	shalt  }
0x82: {  	_ =	shalt  }
0x83: {  	_ =	shalt  }
0x84: {  	_ =	shalt  }
0x85: {  	_ =	shalt  }
0x86: {  	_ =	shalt  }
0x87: {  	_ =	shalt  }
.Lfunc_end0:
.L_simem_size_0:
called_computation_lowered:
.L_overlay_start_0:
0x88: {  	s2 =	sld [smem:$0x3FD9]  }
0x89: {  	s3 =	sld [smem:$0x3FFE];
	_ =	sdelay $0x1  }
0x8a: {  	s1 =	srdreg.scid  }
0x8b: {  	s0 =	sand.u32 $0x1, s1  }
0x8c: {  	s18 =	sshll.u32 s0, $0xA;
	s2 =	sadd.s32 s3, s2  }
0x8d: {  	s2 =	sadd.s32 s2, s18  }
0x8e: {  	[smem:$0x3FC7] =	sst s2  }
0x8f: {  	_ = 	snop  }
0x90: {  	s2 =	sld [smem:$0x3FC9]  }
0x91: {  	s19 =	sld [smem:$0x3FD0];
	(tm) =	ssettm $0x1  }
0x92: {  	s4 =	sld [smem:$0x3FFB];
	_ =	sdelay $0x3  }
0x93: {  	_ =	strace s4  }
0x94: {  	s4 =	sld [smem:$0x3FFC];
	_ =	sdelay $0x3  }
0x95: {  	_ =	strace s4  }
0x96: {  	s4 =	sld [smem:$0x3FFD];
	_ =	sdelay $0x3  }
0x97: {  	_ =	strace s4  }
0x98: {  	_ =	strace $0x8FFFFFFF  }
0x99: {  	s20 =	sld [smem:$0x3FDB];
	_ =	sdelay $0x1  }
0x9a: {  	s5 =	simm.s32 $_scs_section_size  }
0x9b: {  	s6 =	simm.s32 $_size__tile_overlayer_lowered;
	s7 =	simm.s32 $_tile_overlayer_lowered  }
0x9c: {  	s23 =	simm.s32 $0x1BFF;
	s22 =	sshll.u32 s7, $0x1;
	s4 =	sadd.s32 s5, s20  }
0x9d: {  	s8 =	simm.s32 $0x0;
	s21 =	sshll.u32 s6, $0x1;
	s6 =	sadd.s32 s22, s4  }
0x9e: {  	[timem:s8], [sflag:s23] =	dma.local [hbm:s6], s21  }
0x9f: {  	_ =	swait.ge [sflag:s23], s21  }
0xa0: {  	s5 =	ssub.s32 $0x0, s21;
	[sflag:s23] =	ssyncset.done $0x0  }
0xa1: {  	[sflag:s23] =	ssyncadd.s32 s5;
	_ =	sdelay $0x1  }
0xa2: {  	s24 =	simm.s32 $0x1B8B  }
0xa3: {  	_ =	swait.ge [sflag:s24], $0x1  }
0xa4: {  	[sflag:s24] =	ssyncset.done $0x0  }
0xa5: {  	s25 =	simm.s32 $0x1B8E;
	[sflag:s24] =	ssyncadd.s32 $0xFFFFFFFF  }
0xa6: {  	s26 =	simm.s32 $execute0_lowered;
	[smem:$0x3FD2] =	sst s25  }
0xa7: {  	s5 =	sshll.u32 s26, $0x1;
	_ =	strace $0x80000046;
	[dreg:$0x1] =	wrdreg $0xFFFFFFFF  }
0xa8: {  	s28 =	simm.s32 $_size_execute0_lowered;
	s4 =	sadd.s32 s4, s5;
	[dreg:$0x0] =	wrdreg $0x0  }
0xa9: {  	s5 =	sshll.u32 s28, $0x1;
	[dreg:$0x2] =	wrdreg s4  }
0xaa: {  	[dreg:$0x3] =	wrdreg s5  }
0xab: {  	[dreg:$0x4] =	wrdreg $0xC0  }
0xac: {  	_ =	task [dreg:s8], $0x5FFFF  }
0xad: {  	[dreg:$0x1] =	wrdreg $0xFFFFFFFF  }
0xae: {  	[dreg:$0x0] =	wrdreg $0x60  }
0xaf: {  	[dreg:$0x2] =	wrdreg s2  }
0xb0: {  	[dreg:$0x3] =	wrdreg s19  }
0xb1: {  	[dreg:$0x4] =	wrdreg $0x9E800  }
0xb2: {  	[dreg:$0x5] =	wrdreg $0x9  }
0xb3: {  	_ =	task.clear_ibuf [dreg:s8], $0x6FFFF;
	_ =	strace $0x90000046  }
0xb4: {  	s29 =	simm.s32 $0x9;
	_ =	strace $0x80000048  }
0xb5: {  	_ =	swait.ge [sflag:s29], $0x1  }
0xb6: {  	[sflag:s29] =	ssyncadd.s32 $0xFFFFFFFF  }
0xb7: {  	_ =	strace $0x90000048  }
0xb8: {  	_ =	sfence  }
0xb9: {  	s30 =	sld [smem:$0x0];
	_ =	sdelay $0x2  }
0xba: {  	s31 =	sshll.u32 s1, $0xD;
	s1 =	sshrl.u32 s1, $0x2  }
0xbb: {  	s3 =	sand.u32 $0x4000, s31;
	s1 =	sadd.s32 s1, s30  }
0xbc: {  	s0 =	sor.u32 s3, s0;
	s1 =	sshll.u32 s1, $0x11  }
0xbd: {  	s0 =	sor.u32 s1, s0  }
0xbe: {  	s0 =	sadd.s32 $0x8F2B, s0  }
0xbf: {  	[sflag:s0] =	ssyncadd.remote.s32 $0x1  }
0xc0: {  	_ =	sfence.sel $0xFFFF  }
0xc1: {  	[dreg:$0x0] =	wrdreg $0xFFFFFFFF;
	(pc) =	sbr.abs _section_cstart, $3  }
0xc2: {  	[dreg:$0x1] =	wrdreg $0xFFFFFFFF  }
0xc3: {  	_ =	task.clear_ibuf [dreg:s8], $0x2FFFF;
	_ =	strace $0x9FFFFFFF  }
0xc4: {  	(tm) =	ssettm $0x7FFFFFFF  }
0xc5: {  	_ =	shalt  }
tec
execute0_lowered:
.L_overlay_start_1:
0x0: {  	(tag) =	ssettag $0x1  }
0x1: {  	s0 =	srdreg.scid  }
0x2: {  	s12 =	stileid.u32;
	s2 =	rddreg [dreg:$0x0];
	s0 =	sand.u32 $0x1, s0  }
0x3: {  	s7 =	rddreg [dreg:$0x1];
	s5 =	sshrl.u32 s12, $0x3;
	s1 =	sshll.u32 s0, $0x1  }
0x4: {  	s6 =	sand.u32 $0x7, s12;
	s9 =	sadd.s32 $0x100, s2;
	s1 =	sor.u32 s5, s1  }
0x5: {  	s10 =	sadd.s32 $0x180, s2;
	s3 =	sshll.u32 s6, $0xC;
	s4 =	sshll.u32 s1, $0xF  }
0x6: {  	s0 =	ssub.s32 $0x2, s0;
	s24 =	sshll.u32 s6, $0x8;
	s3 =	sor.u32 s3, s4  }
0x7: {  	p0 =	seq.s32 s6, $0x7;
	s8 =	sshrl.u32 s0, $0x1;
	s4 =	sor.u32 $0x200, s3  }
0x8: {  	s8 =	ssub.s32 s0, s8;
	s0 =	sadd.s32 $0x80, s2;
	s11 =	sadd.s32 s2, s4  }
0x9: {  	p2 =	sgt.u32 s6, $0x4;
	s26 =	sadd.s32 s4, s0;
	[dreg:$0x4] =	wrdreg s11  }
0xa: {  	p3 =	sgt.u32 s6, $0x3;
	s13 =	sadd.s32 s4, s9;
	[dreg:$0x5] =	wrdreg s26  }
0xb: {  	s14 =	sor.u32 $0x400, s3;
	s4 =	sadd.s32 s4, s10;
	[dreg:$0x6] =	wrdreg s13  }
0xc: {  	p4 =	sgt.u32 s6, $0x2;
	s15 =	sadd.s32 s2, s14;
	[dreg:$0x7] =	wrdreg s4  }
0xd: {  	p5 =	sgt.u32 s6, $0x1;
	s16 =	sadd.s32 s14, s0;
	[dreg:$0x8] =	wrdreg s15  }
0xe: {  	p6 =	seq.s32 s6, $0x0;
	s17 =	sadd.s32 s14, s9;
	[dreg:$0x9] =	wrdreg s16  }
0xf: {  	s19 =	sor.u32 $0x600, s3;
	s18 =	sadd.s32 s14, s10;
	[dreg:$0xa] =	wrdreg s17  }
0x10: {  	s7 =	sadd.s32 s7, s24;
	s20 =	sadd.s32 s2, s19;
	[dreg:$0xb] =	wrdreg s18  }
0x11: {  	s23 =	sor.u32 $0x800, s3;
	s21 =	sadd.s32 s19, s0;
	[dreg:$0xc] =	wrdreg s20  }
0x12: {  	s24 =	sadd.s32 s3, s10;
	s22 =	sadd.s32 s19, s9;
	[dreg:$0xd] =	wrdreg s21  }
0x13: {  	s25 =	sadd.s32 s23, s0;
	[dreg:$0xe] =	wrdreg s22;
	s4 =	sadd.s32 s19, s10  }
0x14: {  	s13 =	sadd.s32 s2, s23;
	[dreg:$0x11] =	wrdreg s25;
	s26 =	sadd.s32 s23, s9  }
0x15: {  	s17 =	sadd.s32 s2, s3;
	s18 =	sadd.s32 s3, s0;
	s19 =	sor.u32 $0xC00, s3  }
0x16: {  	s20 =	sshll.u32 s1, $0xB;
	s21 =	sshll.u32 s12, $0x9;
	[dreg:$0xf] =	wrdreg s4  }
0x17: {  	s22 =	sshll.u32 s5, $0xC;
	s5 =	smax.u32 s8, $0x1;
	[dreg:$0x10] =	wrdreg s13  }
0x18: {  	s8 =	simm.s32 $0x1;
	s11 =	simm.s32 $0x2;
	[dreg:$0x12] =	wrdreg s26  }
0x19: {  	s12 =	simm.s32 $0x9A80;
	s4 =	sadd.s32 s23, s10;
	[dreg:$0x18] =	wrdreg s17  }
0x1a: {  	s13 =	sor.u32 $0xA00, s3;
	[dreg:$0x19] =	wrdreg s18;
	s23 =	sadd.s32 s3, s9  }
0x1b: {  	s3 =	sor.u32 $0xE00, s3;
	s25 =	sadd.s32 s2, s19;
	s26 =	sadd.s32 s19, s0  }
0x1c: {  	s28 =	sadd.s32 s19, s9;
	s29 =	sadd.s32 s19, s10;
	[dreg:$0x13] =	wrdreg s4  }
0x1d: {  	s14 =	sadd.s32 s2, s13;
	s15 =	sadd.s32 s13, s0;
	s16 =	sadd.s32 s13, s9  }
0x1e: {  	v0 =	vlaneseq.u32;
	v2 =	vimm.s32 $0x0;
	v5 =	vimm.s32 $0x1;
	s4 =	sadd.s32 s13, s10;
	s30 =	sadd.s32 s2, s3;
	[dreg:$0x14] =	wrdreg s14  }
0x1f: {  	v23 =	vimm.f32 $0.0e+00;
	v1 =	vmul.u32 $0x4, v0;
	v21 =	vmul.u32 $0x10, v0;
	s31 =	sadd.s32 s3, s0;
	s0 =	sadd.s32 s3, s9;
	[dreg:$0x15] =	wrdreg s15  }
0x20: {  	vm0 =	vmxor vm0, vm0;
	v4 =	vor.u32 $0x10, v0;
	v22 =	vmul.u32 $0xFFFFFFFF, v0;
	s1 =	sadd.s32 s3, s10;
	s2 =	sadd.s32 s20, s7;
	[dreg:$0x16] =	wrdreg s16  }
0x21: {  	v3 =	vor.u32 $0x1, v1;
	v6 =	vadd.s32 $0x10, v21;
	v7 =	vadd.s32 $0x11, v21;
	s3 =	simm.s32 $0x0;
	[dreg:$0x17] =	wrdreg s4;
	s4 =	simm.s32 @!p0 $0x0  }
.Ltmp0:
0x22: {  	v8 =	vadd.s32 $0x12, v21;
	v9 =	vadd.s32 $0x13, v21;
	v10 =	vadd.s32 $0x14, v21;
	s4 =	simm.s32 @p0 $0x1;
	p0 =	sgt.u32 s6, $0x5;
	(pc) =	sbr.rel .LBB2_1-.Ltmp0, $4  }
0x23: {  	v11 =	vadd.s32 $0x15, v21;
	v12 =	vadd.s32 $0x16, v21;
	v13 =	vadd.s32 $0x17, v21;
	s7 =	sshrl.u32 s22, $0x2;
	[smem:$0x7FC] =	sst s4;
	s4 =	simm.s32 @!p0 $0x0  }
0x24: {  	v14 =	vadd.s32 $0x18, v21;
	v15 =	vadd.s32 $0x19, v21;
	v16 =	vadd.s32 $0x1A, v21;
	s9 =	simm.s32 $0x9080;
	[smem:$0x7FF] =	sst s3;
	s4 =	simm.s32 @p0 $0x1  }
0x25: {  	v17 =	vadd.s32 $0x1B, v21;
	v18 =	vadd.s32 $0x1C, v21;
	v19 =	vadd.s32 $0x1D, v21;
	s10 =	simm.s32 $0x9A00;
	s13 =	simm.s32 $0x0;
	[smem:$0x7FD] =	sst s4  }
0x26: {  	v20 =	vadd.s32 $0x1E, v21;
	v21 =	vadd.s32 $0x1F, v21;
	v22 =	vadd.s32 $0xF, v22;
	s6 =	sshrl.u32 s21, $0x2;
	s4 =	rddreg [dreg:$0x2];
	_ =	strace $0x80000047  }
.LBB2_19:
0x27: {  	s13 =	sadd.s32 $0x1, s13  }
0x28: {  	p0 =	sne.s32 s13, s5  }
.Ltmp1:
0x29: {  	s14 =	simm.s32 $0x9200;
	(pc) =	sbr.rel @!p0 .LBB2_20-.Ltmp1, $4  }
0x2a: {  	[hbm4b:s2+s3] =	stream.linear.scatter [tilespmem:s14], [sflag:$0x2], $0x800, $0x38;
	[tilespmem:$0x9F80] =	vst v63  }
0x2b: {  	_ =	swait.ge [sflag:s11], $0x800  }
0x2c: {  	[sflag:s11] =	ssyncset.done $0x0  }
0x2d: {  	[sflag:s11] =	ssyncadd.s32 $0xFFFFF800  }
.LBB2_1:
0x2e: {  	s14 =	rddreg [dreg:$0x18]  }
0x2f: {  	[tilespmem:s3], [sflag:$0x1] =	stream.linear.gather [hbm4b:s14+s3], $0x400, $0x38;
	[tilespmem:$0x9F80] =	vst v63  }
0x30: {  	s22 =	rddreg [dreg:$0x19];
	s15 =	simm.s32 $0x400  }
0x31: {  	[tilespmem:s15], [sflag:$0x1] =	stream.linear.gather [hbm4b:s22+s3], $0x400, $0x38;
	[tilespmem:$0x9F80] =	vst v63  }
0x32: {  	s15 =	simm.s32 $0x800  }
0x33: {  	[tilespmem:s15], [sflag:$0x1] =	stream.linear.gather [hbm4b:s23+s3], $0x400, $0x38;
	[tilespmem:$0x9F80] =	vst v63  }
0x34: {  	s16 =	simm.s32 $0xC00  }
0x35: {  	[tilespmem:s16], [sflag:$0x1] =	stream.linear.gather [hbm4b:s24+s3], $0x400, $0x38;
	[tilespmem:$0x9F80] =	vst v63  }
0x36: {  	s17 =	rddreg [dreg:$0x4];
	s18 =	simm.s32 $0x1000  }
0x37: {  	[tilespmem:s18], [sflag:$0x1] =	stream.linear.gather [hbm4b:s17+s3], $0x400, $0x38;
	[tilespmem:$0x9F80] =	vst v63  }
0x38: {  	s19 =	rddreg [dreg:$0x5];
	s20 =	simm.s32 $0x1400  }
0x39: {  	[tilespmem:s20], [sflag:$0x1] =	stream.linear.gather [hbm4b:s19+s3], $0x400, $0x38;
	[tilespmem:$0x9F80] =	vst v63  }
0x3a: {  	s21 =	rddreg [dreg:$0x6];
	s22 =	simm.s32 $0x1800  }
0x3b: {  	[tilespmem:s22], [sflag:$0x1] =	stream.linear.gather [hbm4b:s21+s3], $0x400, $0x38;
	[tilespmem:$0x9F80] =	vst v63  }
0x3c: {  	s15 =	rddreg [dreg:$0x7];
	s16 =	simm.s32 $0x1C00  }
0x3d: {  	[tilespmem:s16], [sflag:$0x1] =	stream.linear.gather [hbm4b:s15+s3], $0x400, $0x38;
	[tilespmem:$0x9F80] =	vst v63  }
0x3e: {  	s17 =	rddreg [dreg:$0x8];
	s18 =	simm.s32 $0x2000  }
0x3f: {  	[tilespmem:s18], [sflag:$0x1] =	stream.linear.gather [hbm4b:s17+s3], $0x400, $0x38;
	[tilespmem:$0x9F80] =	vst v63  }
0x40: {  	s19 =	rddreg [dreg:$0x9];
	s20 =	simm.s32 $0x2400  }
0x41: {  	[tilespmem:s20], [sflag:$0x1] =	stream.linear.gather [hbm4b:s19+s3], $0x400, $0x38;
	[tilespmem:$0x9F80] =	vst v63  }
0x42: {  	s21 =	rddreg [dreg:$0xa];
	s22 =	simm.s32 $0x2800  }
0x43: {  	[tilespmem:s22], [sflag:$0x1] =	stream.linear.gather [hbm4b:s21+s3], $0x400, $0x38;
	[tilespmem:$0x9F80] =	vst v63  }
0x44: {  	s15 =	rddreg [dreg:$0xb];
	s16 =	simm.s32 $0x2C00  }
0x45: {  	[tilespmem:s16], [sflag:$0x1] =	stream.linear.gather [hbm4b:s15+s3], $0x400, $0x38;
	[tilespmem:$0x9F80] =	vst v63  }
0x46: {  	s17 =	rddreg [dreg:$0xc];
	s18 =	simm.s32 $0x3000  }
0x47: {  	[tilespmem:s18], [sflag:$0x1] =	stream.linear.gather [hbm4b:s17+s3], $0x400, $0x38;
	[tilespmem:$0x9F80] =	vst v63  }
0x48: {  	s19 =	rddreg [dreg:$0xd];
	s20 =	simm.s32 $0x3400  }
0x49: {  	[tilespmem:s20], [sflag:$0x1] =	stream.linear.gather [hbm4b:s19+s3], $0x400, $0x38;
	[tilespmem:$0x9F80] =	vst v63  }
0x4a: {  	s21 =	rddreg [dreg:$0xe];
	s22 =	simm.s32 $0x3800  }
0x4b: {  	[tilespmem:s22], [sflag:$0x1] =	stream.linear.gather [hbm4b:s21+s3], $0x400, $0x38;
	[tilespmem:$0x9F80] =	vst v63  }
0x4c: {  	s15 =	rddreg [dreg:$0xf];
	s16 =	simm.s32 $0x3C00  }
0x4d: {  	[tilespmem:s16], [sflag:$0x1] =	stream.linear.gather [hbm4b:s15+s3], $0x400, $0x38;
	[tilespmem:$0x9F80] =	vst v63  }
0x4e: {  	s17 =	rddreg [dreg:$0x10];
	s18 =	simm.s32 $0x4000  }
0x4f: {  	[tilespmem:s18], [sflag:$0x1] =	stream.linear.gather [hbm4b:s17+s3], $0x400, $0x38;
	[tilespmem:$0x9F80] =	vst v63  }
0x50: {  	s19 =	rddreg [dreg:$0x11];
	s20 =	simm.s32 $0x4400  }
0x51: {  	[tilespmem:s20], [sflag:$0x1] =	stream.linear.gather [hbm4b:s19+s3], $0x400, $0x38;
	[tilespmem:$0x9F80] =	vst v63  }
0x52: {  	s21 =	rddreg [dreg:$0x12];
	s22 =	simm.s32 $0x4800  }
0x53: {  	[tilespmem:s22], [sflag:$0x1] =	stream.linear.gather [hbm4b:s21+s3], $0x400, $0x38;
	[tilespmem:$0x9F80] =	vst v63  }
0x54: {  	s15 =	rddreg [dreg:$0x13];
	s16 =	simm.s32 $0x4C00  }
0x55: {  	[tilespmem:s16], [sflag:$0x1] =	stream.linear.gather [hbm4b:s15+s3], $0x400, $0x38;
	[tilespmem:$0x9F80] =	vst v63  }
0x56: {  	s17 =	rddreg [dreg:$0x14];
	s18 =	simm.s32 $0x5000  }
0x57: {  	[tilespmem:s18], [sflag:$0x1] =	stream.linear.gather [hbm4b:s17+s3], $0x400, $0x38;
	[tilespmem:$0x9F80] =	vst v63  }
0x58: {  	s19 =	rddreg [dreg:$0x15];
	s20 =	simm.s32 $0x5400  }
0x59: {  	[tilespmem:s20], [sflag:$0x1] =	stream.linear.gather [hbm4b:s19+s3], $0x400, $0x38;
	[tilespmem:$0x9F80] =	vst v63  }
0x5a: {  	s21 =	rddreg [dreg:$0x16];
	s22 =	simm.s32 $0x5800  }
0x5b: {  	[tilespmem:s22], [sflag:$0x1] =	stream.linear.gather [hbm4b:s21+s3], $0x400, $0x38;
	[tilespmem:$0x9F80] =	vst v63  }
0x5c: {  	s16 =	rddreg [dreg:$0x17];
	s17 =	simm.s32 $0x5C00  }
0x5d: {  	[tilespmem:s17], [sflag:$0x1] =	stream.linear.gather [hbm4b:s16+s3], $0x400, $0x38;
	[tilespmem:$0x9F80] =	vst v63  }
0x5e: {  	s18 =	simm.s32 $0x6000  }
0x5f: {  	[tilespmem:s18], [sflag:$0x1] =	stream.linear.gather [hbm4b:s25+s3], $0x400, $0x38;
	[tilespmem:$0x9F80] =	vst v63  }
0x60: {  	s19 =	simm.s32 $0x6400  }
0x61: {  	[tilespmem:s19], [sflag:$0x1] =	stream.linear.gather [hbm4b:s26+s3], $0x400, $0x38;
	[tilespmem:$0x9F80] =	vst v63  }
0x62: {  	s20 =	simm.s32 $0x6800  }
0x63: {  	[tilespmem:s20], [sflag:$0x1] =	stream.linear.gather [hbm4b:s28+s3], $0x400, $0x38;
	[tilespmem:$0x9F80] =	vst v63  }
0x64: {  	s21 =	simm.s32 $0x6C00  }
0x65: {  	[tilespmem:s21], [sflag:$0x1] =	stream.linear.gather [hbm4b:s29+s3], $0x400, $0x38;
	[tilespmem:$0x9F80] =	vst v63  }
0x66: {  	s22 =	simm.s32 $0x7000  }
0x67: {  	[tilespmem:s22], [sflag:$0x1] =	stream.linear.gather [hbm4b:s30+s3], $0x400, $0x38;
	[tilespmem:$0x9F80] =	vst v63  }
0x68: {  	s15 =	simm.s32 $0x7400  }
0x69: {  	[tilespmem:s15], [sflag:$0x1] =	stream.linear.gather [hbm4b:s31+s3], $0x400, $0x38;
	[tilespmem:$0x9F80] =	vst v63  }
0x6a: {  	s16 =	simm.s32 $0x7800  }
0x6b: {  	[tilespmem:s16], [sflag:$0x1] =	stream.linear.gather [hbm4b:s0+s3], $0x400, $0x38;
	[tilespmem:$0x9F80] =	vst v63  }
0x6c: {  	s17 =	simm.s32 $0x7C00  }
0x6d: {  	[tilespmem:s17], [sflag:$0x1] =	stream.linear.gather [hbm4b:s1+s3], $0x400, $0x38;
	[tilespmem:$0x9F80] =	vst v63  }
0x6e: {  	[tilespmem:$0x9080] =	vst v2  }
0x6f: {  	[tilespmem:$0x9090] =	vst v2  }
0x70: {  	[tilespmem:$0x90A0] =	vst v2  }
0x71: {  	[tilespmem:$0x90B0] =	vst v2  }
0x72: {  	[tilespmem:$0x90C0] =	vst v2  }
0x73: {  	[tilespmem:$0x90D0] =	vst v2  }
0x74: {  	[tilespmem:$0x90E0] =	vst v2  }
0x75: {  	[tilespmem:$0x90F0] =	vst v2  }
0x76: {  	[tilespmem:$0x9100] =	vst v2  }
0x77: {  	[tilespmem:$0x9110] =	vst v2  }
0x78: {  	[tilespmem:$0x9120] =	vst v2  }
0x79: {  	[tilespmem:$0x9130] =	vst v2  }
0x7a: {  	[tilespmem:$0x9140] =	vst v2  }
0x7b: {  	[tilespmem:$0x9150] =	vst v2  }
0x7c: {  	[tilespmem:$0x9160] =	vst v2  }
0x7d: {  	[tilespmem:$0x9170] =	vst v2  }
0x7e: {  	[tilespmem:$0x9180] =	vst v2  }
0x7f: {  	[tilespmem:$0x9190] =	vst v2  }
0x80: {  	_ =	swait.ge [sflag:s8], $0x400  }
0x81: {  	[sflag:s8] =	ssyncset.done $0x0  }
0x82: {  	[sflag:s8] =	ssyncadd.s32 $0xFFFFFC00  }
0x83: {  	_ =	swait.ge [sflag:s8], $0x400  }
0x84: {  	[sflag:s8] =	ssyncset.done $0x0  }
0x85: {  	[sflag:s8] =	ssyncadd.s32 $0xFFFFFC00  }
0x86: {  	_ =	swait.ge [sflag:s8], $0x400  }
0x87: {  	[sflag:s8] =	ssyncset.done $0x0  }
0x88: {  	[sflag:s8] =	ssyncadd.s32 $0xFFFFFC00  }
0x89: {  	_ =	swait.ge [sflag:s8], $0x400  }
0x8a: {  	[sflag:s8] =	ssyncset.done $0x0  }
0x8b: {  	[sflag:s8] =	ssyncadd.s32 $0xFFFFFC00  }
0x8c: {  	_ =	swait.ge [sflag:s8], $0x400  }
0x8d: {  	[sflag:s8] =	ssyncset.done $0x0  }
0x8e: {  	[sflag:s8] =	ssyncadd.s32 $0xFFFFFC00  }
0x8f: {  	_ =	swait.ge [sflag:s8], $0x400  }
0x90: {  	[sflag:s8] =	ssyncset.done $0x0  }
0x91: {  	[sflag:s8] =	ssyncadd.s32 $0xFFFFFC00  }
0x92: {  	_ =	swait.ge [sflag:s8], $0x400  }
0x93: {  	[sflag:s8] =	ssyncset.done $0x0  }
0x94: {  	[sflag:s8] =	ssyncadd.s32 $0xFFFFFC00  }
0x95: {  	_ =	swait.ge [sflag:s8], $0x400  }
0x96: {  	[sflag:s8] =	ssyncset.done $0x0  }
0x97: {  	[sflag:s8] =	ssyncadd.s32 $0xFFFFFC00  }
0x98: {  	_ =	swait.ge [sflag:s8], $0x400  }
0x99: {  	[sflag:s8] =	ssyncset.done $0x0  }
0x9a: {  	[sflag:s8] =	ssyncadd.s32 $0xFFFFFC00  }
0x9b: {  	_ =	swait.ge [sflag:s8], $0x400  }
0x9c: {  	[sflag:s8] =	ssyncset.done $0x0  }
0x9d: {  	[sflag:s8] =	ssyncadd.s32 $0xFFFFFC00  }
0x9e: {  	_ =	swait.ge [sflag:s8], $0x400  }
0x9f: {  	[sflag:s8] =	ssyncset.done $0x0  }
0xa0: {  	[sflag:s8] =	ssyncadd.s32 $0xFFFFFC00  }
0xa1: {  	_ =	swait.ge [sflag:s8], $0x400  }
0xa2: {  	[sflag:s8] =	ssyncset.done $0x0  }
0xa3: {  	[sflag:s8] =	ssyncadd.s32 $0xFFFFFC00  }
0xa4: {  	_ =	swait.ge [sflag:s8], $0x400  }
0xa5: {  	[sflag:s8] =	ssyncset.done $0x0  }
0xa6: {  	[sflag:s8] =	ssyncadd.s32 $0xFFFFFC00  }
0xa7: {  	_ =	swait.ge [sflag:s8], $0x400  }
0xa8: {  	[sflag:s8] =	ssyncset.done $0x0  }
0xa9: {  	[sflag:s8] =	ssyncadd.s32 $0xFFFFFC00  }
0xaa: {  	_ =	swait.ge [sflag:s8], $0x400  }
0xab: {  	[sflag:s8] =	ssyncset.done $0x0  }
0xac: {  	[sflag:s8] =	ssyncadd.s32 $0xFFFFFC00  }
0xad: {  	_ =	swait.ge [sflag:s8], $0x400  }
0xae: {  	[sflag:s8] =	ssyncset.done $0x0  }
0xaf: {  	[sflag:s8] =	ssyncadd.s32 $0xFFFFFC00  }
0xb0: {  	_ =	swait.ge [sflag:s8], $0x400  }
0xb1: {  	[sflag:s8] =	ssyncset.done $0x0  }
0xb2: {  	[sflag:s8] =	ssyncadd.s32 $0xFFFFFC00  }
0xb3: {  	_ =	swait.ge [sflag:s8], $0x400  }
0xb4: {  	[sflag:s8] =	ssyncset.done $0x0  }
0xb5: {  	[sflag:s8] =	ssyncadd.s32 $0xFFFFFC00  }
0xb6: {  	_ =	swait.ge [sflag:s8], $0x400  }
0xb7: {  	[sflag:s8] =	ssyncset.done $0x0  }
0xb8: {  	[sflag:s8] =	ssyncadd.s32 $0xFFFFFC00  }
0xb9: {  	_ =	swait.ge [sflag:s8], $0x400  }
0xba: {  	[sflag:s8] =	ssyncset.done $0x0  }
0xbb: {  	[sflag:s8] =	ssyncadd.s32 $0xFFFFFC00  }
0xbc: {  	_ =	swait.ge [sflag:s8], $0x400  }
0xbd: {  	[sflag:s8] =	ssyncset.done $0x0  }
0xbe: {  	[sflag:s8] =	ssyncadd.s32 $0xFFFFFC00  }
0xbf: {  	_ =	swait.ge [sflag:s8], $0x400  }
0xc0: {  	[sflag:s8] =	ssyncset.done $0x0  }
0xc1: {  	[sflag:s8] =	ssyncadd.s32 $0xFFFFFC00  }
0xc2: {  	_ =	swait.ge [sflag:s8], $0x400  }
0xc3: {  	[sflag:s8] =	ssyncset.done $0x0  }
0xc4: {  	[sflag:s8] =	ssyncadd.s32 $0xFFFFFC00  }
0xc5: {  	_ =	swait.ge [sflag:s8], $0x400  }
0xc6: {  	[sflag:s8] =	ssyncset.done $0x0  }
0xc7: {  	[sflag:s8] =	ssyncadd.s32 $0xFFFFFC00  }
0xc8: {  	_ =	swait.ge [sflag:s8], $0x400  }
0xc9: {  	[sflag:s8] =	ssyncset.done $0x0  }
0xca: {  	[sflag:s8] =	ssyncadd.s32 $0xFFFFFC00  }
0xcb: {  	_ =	swait.ge [sflag:s8], $0x400  }
0xcc: {  	[sflag:s8] =	ssyncset.done $0x0  }
0xcd: {  	[sflag:s8] =	ssyncadd.s32 $0xFFFFFC00  }
0xce: {  	_ =	swait.ge [sflag:s8], $0x400  }
0xcf: {  	[sflag:s8] =	ssyncset.done $0x0  }
0xd0: {  	[sflag:s8] =	ssyncadd.s32 $0xFFFFFC00  }
0xd1: {  	s18 =	sand.u32 $0xE0, s3;
	_ =	swait.ge [sflag:s8], $0x400  }
0xd2: {  	s19 =	sand.u32 $0x18, s3;
	s16 =	simm.s32 $0x0;
	[sflag:s8] =	ssyncset.done $0x0  }
0xd3: {  	s14 =	sor.u32 s18, s19;
	s16 =	sand.u32 $0x4, s16;
	[sflag:s8] =	ssyncadd.s32 $0xFFFFFC00  }
0xd4: {  	s14 =	sor.u32 s16, s14;
	_ =	swait.ge [sflag:s8], $0x400  }
0xd5: {  	s14 =	sor.u32 $0x1, s14;
	[sflag:s8] =	ssyncset.done $0x0  }
0xd6: {  	v24 =	vmov s14;
	[sflag:s8] =	ssyncadd.s32 $0xFFFFFC00  }
0xd7: {  	v24 =	vshll.u32 v24, $0x7;
	_ =	swait.ge [sflag:s8], $0x400  }
0xd8: {  	s20 =	sand.u32 $0x40, s3;
	v24 =	vbroadcast v24, $0x0;
	[sflag:s8] =	ssyncset.done $0x0  }
0xd9: {  	s14 =	sor.u32 $0x1, s20;
	[sflag:s8] =	ssyncadd.s32 $0xFFFFFC00  }
0xda: {  	v25 =	vor.u32 s14, v1;
	v26 =	vadd.s32 $0x80, v24;
	_ =	swait.ge [sflag:s8], $0x400  }
0xdb: {  	v27 =	vor.u32 v25, v26;
	[sflag:s8] =	ssyncset.done $0x0  }
0xdc: {  	v28 =	vadd.s32 s14, v3;
	v25 =	vor.u32 v25, v24;
	[sflag:s8] =	ssyncadd.s32 $0xFFFFFC00  }
0xdd: {  	v24 =	vor.u32 v28, v24;
	_ =	swait.ge [sflag:s8], $0x400  }
0xde: {  	v26 =	vor.u32 v28, v26;
	[sflag:s8] =	ssyncset.done $0x0  }
0xdf: {  	[sflag:s8] =	ssyncadd.s32 $0xFFFFFC00  }
0xe0: {  	v27 =	vld.idx.msk [tilespmem:v27+s3+$0x0], $0xffff  }
0xe1: {  	v25 =	vld.idx.msk [tilespmem:v25+s3+$0x0], $0xffff  }
0xe2: {  	v24 =	vld.idx.msk [tilespmem:v24+s3+$0x0], $0xffff  }
0xe3: {  	v26 =	vld.idx.msk [tilespmem:v26+s3+$0x0], $0xffff;
	_ =	sdelay $0x3  }
0xe4: {  	s16 =	simm.s32 $0x4;
	s17 =	simm.s32 $0x2  }
0xe5: {  	s18 =	simm.s32 $0x0;
	s21 =	sand.u32 $0xE0, s17;
	s22 =	sand.u32 $0x18, s16;
	v25 =	vadd.f32 v27, v25;
	v24 =	vadd.f32 v26, v24  }
0xe6: {  	s18 =	sand.u32 $0x4, s18;
	s14 =	sor.u32 s21, s22  }
0xe7: {  	s14 =	sor.u32 s18, s14;
	v24 =	vadd.f32 v24, v25  }
0xe8: {  	s15 =	simm.s32 $0x0;
	s18 =	simm.s32 $0x2;
	s19 =	sor.u32 $0x1, s14  }
.LBB2_2:
0xe9: {  	p0 =	sne.s32 s18, $0x7F;
	v25 =	vmov s19;
	v24 =	vmul.f32 $2.500000000e-01, v24  }
0xea: {  	s14 =	sshra.s32 s15, $0x2;
	s15 =	sadd.s32 $0x40, s15;
	v25 =	vshll.u32 v25, $0x7  }
0xeb: {  	s19 =	sand.u32 $0x40, s15;
	v25 =	vbroadcast v25, $0x0;
	[tilespmem:s14+$0x8800] =	vst v24;
	v26 =	vshra.s32 v24, $0x18  }
0xec: {  	s19 =	sor.u32 $0x1, s19;
	[tilespmem:s14+$0x8000] =	vst v24;
	v24 =	vand.u32 $0xFFFFFFF0, v26  }
0xed: {  	v26 =	vor.u32 s19, v1;
	v27 =	vadd.s32 $0x80, v25;
	v24 =	vadd.s32 v4, v24  }
0xee: {  	v28 =	vor.u32 v26, v27  }
0xef: {  	v29 =	vadd.s32 s19, v3;
	v26 =	vor.u32 v26, v25  }
0xf0: {  	v25 =	vor.u32 v29, v25  }
0xf1: {  	v27 =	vor.u32 v29, v27  }
0xf2: {  	s14 =	simm.s32 $0x0;
	[tilespmem:v24+s9+$0x0] =	vst.idx.add.s32.msk $0xffff, v5  }
0xf3: {  	v24 =	vld.idx.msk [tilespmem:v28+s14+$0x0], $0xffff  }
0xf4: {  	v26 =	vld.idx.msk [tilespmem:v26+s14+$0x0], $0xffff  }
0xf5: {  	v25 =	vld.idx.msk [tilespmem:v25+s14+$0x0], $0xffff  }
0xf6: {  	v27 =	vld.idx.msk [tilespmem:v27+s14+$0x0], $0xffff;
	_ =	sdelay $0x4  }
.Ltmp2:
0xf7: {  	s16 =	sadd.s32 $0x4, s16;
	s17 =	sadd.s32 $0x2, s17;
	(pc) =	sbr.rel @p0 .LBB2_2-.Ltmp2, $4  }
0xf8: {  	s21 =	sshrl.u32 s18, $0x1;
	s20 =	sand.u32 $0x18, s16;
	s19 =	sand.u32 $0xE0, s17;
	v24 =	vadd.f32 v24, v26;
	v25 =	vadd.f32 v27, v25  }
0xf9: {  	s21 =	sand.u32 $0x4, s21;
	s19 =	sor.u32 s19, s20  }
0xfa: {  	s19 =	sor.u32 s21, s19;
	v24 =	vadd.f32 v25, v24  }
0xfb: {  	s18 =	sadd.s32 $0x1, s18;
	s19 =	sor.u32 $0x1, s19  }
0xfc: {  	v25 =	vmov s19;
	v24 =	vmul.f32 $2.500000000e-01, v24  }
0xfd: {  	s16 =	sadd.s32 $0x40, s15;
	v25 =	vshll.u32 v25, $0x7  }
0xfe: {  	s17 =	sand.u32 $0x40, s16;
	v25 =	vbroadcast v25, $0x0;
	v26 =	vshra.s32 v24, $0x18  }
0xff: {  	s17 =	sor.u32 $0x1, s17;
	v26 =	vand.u32 $0xFFFFFFF0, v26  }
0x100: {  	v27 =	vor.u32 s17, v1;
	v28 =	vadd.s32 $0x80, v25;
	v26 =	vadd.s32 v4, v26  }
0x101: {  	v29 =	vor.u32 v27, v28  }
0x102: {  	s21 =	sshra.s32 s15, $0x2;
	v30 =	vadd.s32 s17, v3;
	v27 =	vor.u32 v27, v25  }
0x103: {  	[tilespmem:s21+$0x8800] =	vst v24;
	v25 =	vor.u32 v30, v25  }
0x104: {  	[tilespmem:s21+$0x8000] =	vst v24;
	v62 =	vor.u32 v30, v28  }
0x105: {  	[tilespmem:v26+s9+$0x0] =	vst.idx.add.s32.msk $0xffff, v5  }
0x106: {  	v26 =	vld.idx.msk [tilespmem:v29+s14+$0x0], $0xffff  }
0x107: {  	v27 =	vld.idx.msk [tilespmem:v27+s14+$0x0], $0xffff  }
0x108: {  	v25 =	vld.idx.msk [tilespmem:v25+s14+$0x0], $0xffff  }
0x109: {  	v24 =	vld.idx.msk [tilespmem:v62+s14+$0x0], $0xffff;
	_ =	sdelay $0x4  }
0x10a: {  	v26 =	vadd.f32 v26, v27;
	v24 =	vadd.f32 v24, v25;
	_ =	sdelay $0x1  }
0x10b: {  	v24 =	vadd.f32 v24, v26;
	_ =	sdelay $0x1  }
0x10c: {  	v24 =	vmul.f32 $2.500000000e-01, v24;
	_ =	sdelay $0x1  }
0x10d: {  	v63 =	vshra.s32 v24, $0x18  }
0x10e: {  	v25 =	vand.u32 $0xFFFFFFF0, v63  }
0x10f: {  	v25 =	vadd.s32 v4, v25  }
.Ltmp3:
0x110: {  	_ = 	snop;
	(pc) =	sbr.rel .LBB2_4-.Ltmp3, $4  }
0x111: {  	s22 =	sshra.s32 s16, $0x2  }
0x112: {  	[tilespmem:s22+$0x8800] =	vst v24  }
0x113: {  	[tilespmem:s22+$0x8000] =	vst v24  }
0x114: {  	s15 =	simm.s32 $0x0;
	s16 =	simm.s32 $0x0;
	s17 =	simm.s32 $0x800;
	[tilespmem:v25+s9+$0x0] =	vst.idx.add.s32.msk $0xffff, v5  }
.LBB2_6:
0x115: {  	s17 =	simm.s32 $0x0;
	s16 =	sadd.s32 $0x1, s16  }
.LBB2_4:
0x116: {  	_ =	sdelay $0x3  }
0x117: {  	v24 =	vld.idx.msk [tilespmem:v6+s9+$0x0], $0xffff  }
0x118: {  	v25 =	vld.idx.msk [tilespmem:v7+s9+$0x0], $0xffff  }
0x119: {  	v26 =	vld.idx.msk [tilespmem:v8+s9+$0x0], $0xffff  }
0x11a: {  	v27 =	vld.idx.msk [tilespmem:v9+s9+$0x0], $0xffff  }
0x11b: {  	v28 =	vld.idx.msk [tilespmem:v10+s9+$0x0], $0xffff  }
0x11c: {  	v29 =	vld.idx.msk [tilespmem:v11+s9+$0x0], $0xffff  }
0x11d: {  	v24 =	vadd.s32 v24, v25;
	v25 =	vld.idx.msk [tilespmem:v12+s9+$0x0], $0xffff  }
0x11e: {  	v24 =	vadd.s32 v26, v24;
	v26 =	vld.idx.msk [tilespmem:v13+s9+$0x0], $0xffff  }
0x11f: {  	v24 =	vadd.s32 v27, v24;
	v27 =	vld.idx.msk [tilespmem:v14+s9+$0x0], $0xffff  }
0x120: {  	v24 =	vadd.s32 v28, v24;
	v28 =	vld.idx.msk [tilespmem:v15+s9+$0x0], $0xffff  }
0x121: {  	v24 =	vadd.s32 v29, v24;
	v29 =	vld.idx.msk [tilespmem:v16+s9+$0x0], $0xffff  }
0x122: {  	v24 =	vadd.s32 v25, v24;
	v25 =	vld.idx.msk [tilespmem:v17+s9+$0x0], $0xffff  }
0x123: {  	v24 =	vadd.s32 v26, v24;
	v26 =	vld.idx.msk [tilespmem:v18+s9+$0x0], $0xffff  }
0x124: {  	v24 =	vadd.s32 v27, v24;
	v27 =	vld.idx.msk [tilespmem:v19+s9+$0x0], $0xffff  }
0x125: {  	v24 =	vadd.s32 v28, v24;
	v28 =	vld.idx.msk [tilespmem:v20+s9+$0x0], $0xffff  }
0x126: {  	v24 =	vadd.s32 v29, v24;
	v29 =	vld.idx.msk [tilespmem:v21+s9+$0x0], $0xffff  }
0x127: {  	v24 =	vadd.s32 v25, v24  }
0x128: {  	v24 =	vadd.s32 v26, v24  }
0x129: {  	s18 =	sshll.u32 s16, $0xB;
	v24 =	vadd.s32 v27, v24  }
0x12a: {  	s18 =	sand.u32 $0x800, s18;
	v24 =	vadd.s32 v28, v24  }
0x12b: {  	s18 =	sadd.s32 s18, s4;
	v24 =	vadd.s32 v29, v24  }
0x12c: {  	s19 =	sadd.s32 s6, s18;
	[tilespmem:$0x9A00] =	vst v24  }
0x12d: {  	[spmem:s19] =	stream.linear.scatter [tilespmem:s10], [sflag:$0x2], $0x80, $0x38;
	[tilespmem:$0x9F80] =	vst v63  }
0x12e: {  	_ =	swait.ge [sflag:s11], $0x80  }
0x12f: {  	[sflag:s11] =	ssyncset.done $0x0  }
0x130: {  	[sflag:s11] =	ssyncadd.s32 $0xFFFFFF80  }
0x131: {  	s18 =	sadd.s32 s7, s18;
	[bflag:$0x0] =	sbarrier.arrive $0xFFFF  }
0x132: {  	[tilespmem:s12], [sflag:$0x2] =	stream.linear.gather [spmem:s18], $0x400, $0x38;
	[tilespmem:$0x9F80] =	vst v63  }
0x133: {  	_ =	swait.ge [sflag:s11], $0x400  }
0x134: {  	[sflag:s11] =	ssyncset.done $0x0  }
0x135: {  	[sflag:s11] =	ssyncadd.s32 $0xFFFFFC00  }
0x136: {  	v31 =	vld [tilespmem:$0x9A80]  }
0x137: {  	v30 =	vld [tilespmem:$0x9B00]  }
0x138: {  	v29 =	vld [tilespmem:$0x9B80]  }
0x139: {  	v28 =	vld [tilespmem:$0x9C00]  }
0x13a: {  	v27 =	vld [tilespmem:$0x9C80]  }
0x13b: {  	v26 =	vld [tilespmem:$0x9D00]  }
0x13c: {  	v25 =	vld [tilespmem:$0x9D80];
	v32 =	vadd.s32 v31, v30  }
0x13d: {  	v33 =	vld [tilespmem:$0x9E00];
	v32 =	vadd.s32 v29, v32  }
0x13e: {  	v32 =	vadd.s32 v28, v32  }
0x13f: {  	v32 =	vadd.s32 v27, v32  }
0x140: {  	v32 =	vadd.s32 v26, v32  }
0x141: {  	v32 =	vadd.s32 v25, v32  }
0x142: {  	v32 =	vadd.s32 v33, v32  }
0x143: {  	v32 =	vperm.xlane v32, v22;
	_ =	sdelay $0x1  }
0x144: {  	(xrf0) =	vadd.scan.msk.s32 $0xffff, v32;
	_ =	sdelay $0x5  }
0x145: {  	v32, _, _ =	vpop (xrf0)  }
0x146: {  	v32 =	vperm.xlane v32, v22;
	_ =	sdelay $0x1  }
0x147: {  	v62 =	vadd.s32 s14, v32  }
0x148: {  	vm1 =	vgt.s32 v62, $0x1387  }
0x149: {  	v33 =	vmpcnt.ones.xlane vm1;
	_ =	sdelay $0x1  }
0x14a: {  	v33 =	vxor.u32 $0x80000000, v33  }
0x14b: {  	(xrf0) =	vmax.scan.msk.u32 $0xffff, v33;
	_ =	sdelay $0x5  }
0x14c: {  	v33, _, _ =	vpop (xrf0)  }
0x14d: {  	(v2sf) =	vpush v33, $0xF;
	_ =	sdelay $0xe  }
0x14e: {  	s21 =	spop (v2sf)  }
0x14f: {  	s22 =	sxor.u32 $0x80000000, s21  }
0x150: {  	v63 =	vmov s22  }
0x151: {  	vm1 =	veq.s32 v63, v0  }
0x152: {  	v32 =	vnsel vm1, $0x0, v32  }
0x153: {  	(xrf0) =	vadd.scan.msk.s32 $0xffff, v32;
	_ =	sdelay $0x5  }
0x154: {  	v32, _, _ =	vpop (xrf0)  }
0x155: {  	(v2sf) =	vpush v32, $0xF;
	_ =	sdelay $0xa  }
0x156: {  	p0 =	seq.s32 s16, $0x7  }
.Ltmp4:
0x157: {  	_ = 	snop;
	(pc) =	sbr.rel @p0 .LBB2_12-.Ltmp4, $4  }
0x158: {  	s18 =	sshll.u32 s16, $0x2  }
0x159: {  	s20 =	ssub.s32 $0x1C, s18;
	s19 =	sadd.s32 $0x7FFFFFFF, s21  }
0x15a: {  	s20 =	sshll.u32 s19, s20;
	s21 =	spop (v2sf)  }
0x15b: {  	s15 =	sadd.s32 s15, s20;
	s14 =	sadd.s32 s14, s21  }
0x15c: {  	[tilespmem:$0x9080] =	vst v2  }
0x15d: {  	[tilespmem:$0x9090] =	vst v2  }
0x15e: {  	[tilespmem:$0x90A0] =	vst v2  }
0x15f: {  	[tilespmem:$0x90B0] =	vst v2  }
0x160: {  	[tilespmem:$0x90C0] =	vst v2  }
0x161: {  	[tilespmem:$0x90D0] =	vst v2  }
0x162: {  	[tilespmem:$0x90E0] =	vst v2  }
0x163: {  	[tilespmem:$0x90F0] =	vst v2  }
0x164: {  	[tilespmem:$0x9100] =	vst v2  }
0x165: {  	[tilespmem:$0x9110] =	vst v2  }
0x166: {  	[tilespmem:$0x9120] =	vst v2;
	s19 =	sadd.s32 $0xF, s17  }
0x167: {  	[tilespmem:$0x9130] =	vst v2;
	s19 =	sshra.s32 s19, $0x4  }
0x168: {  	[tilespmem:$0x9140] =	vst v2;
	p0 =	slt.s32 s19, $0x1  }
.Ltmp5:
0x169: {  	[tilespmem:$0x9150] =	vst v2;
	(pc) =	sbr.rel @p0 .LBB2_6-.Ltmp5, $4  }
0x16a: {  	[tilespmem:$0x9160] =	vst v2  }
0x16b: {  	[tilespmem:$0x9170] =	vst v2  }
0x16c: {  	[tilespmem:$0x9180] =	vst v2  }
0x16d: {  	[tilespmem:$0x9190] =	vst v2  }
0x16e: {  	s20 =	simm.s32 $0x8800  }
0x16f: {  	v24 =	vld [tilespmem:s20+$0x0];
	_ =	sdelay $0x1  }
0x170: {  	s18 =	ssub.s32 $0x18, s18  }
0x171: {  	s22 =	sshra.s32 s15, s18  }
0x172: {  	v25 =	vmov s18;
	s20 =	sadd.s32 $0xFFFFFFFF, s22  }
0x173: {  	v26 =	vmov s20;
	v27 =	vshra.s32 v24, v25  }
0x174: {  	v28 =	vsub.s32 v27, v26  }
0x175: {  	s18 =	simm.s32 $0x0;
	vm1 =	vgt.s32 v28, $0x0  }
0x176: {  	v29 =	vor.u32 s18, v0;
	v27 =	vmov s17;
	v28 =	vnsel vm1, $0x0, v28  }
0x177: {  	vm1 =	vlt.s32 v29, v27;
	v28 =	vmin.u32 v28, $0x11  }
0x178: {  	v28 =	vnsel vm1, $0x0, v28  }
0x179: {  	v29 =	vshll.u32 v28, $0x4;
	v28 =	vadd.s32 $0xFFFFFFFF, v28  }
0x17a: {  	p1 =	sne.s32 s19, $0x1;
	v29 =	vor.u32 v0, v29;
	vm2 =	vlt.u32 v28, $0x10  }
.Ltmp6:
0x17b: {  	vm1 =	vmand vm1, vm2;
	(pc) =	sbr.rel @!p1 .LBB2_8-.Ltmp6, $3  }
0x17c: {  	v28 =	vmpcnt.ones.xlane vm1;
	_ =	sdelay $0x1  }
0x17d: {  	v28 =	vxor.u32 $0x80000000, v28  }
0x17e: {  	p0 =	por $0x0, $0x0;
	s20 =	sadd.s32 $0xFFFFFFFF, s19;
	[tilespmem:v29+s9+$0x0] =	vst.idx.add.s32.msk $0xffff, v5;
	(xrf0) =	vmax.scan.msk.u32 $0xffff, v28  }
0x17f: {  	_ =	sdelay $0x2  }
0x180: {  	[tilespmem:s18+$0x8800] =	vst.msk vm1, v24;
	s17 =	simm.s32 $0x8810  }
0x181: {  	v24 =	vld [tilespmem:s17+$0x0]  }
0x182: {  	v28, _, _ =	vpop (xrf0)  }
0x183: {  	(v2sf) =	vpush v28, $0xF;
	_ =	sdelay $0x2  }
0x184: {  	v28 =	vshra.s32 v24, v25  }
0x185: {  	v28 =	vsub.s32 v28, v26  }
0x186: {  	s19 =	simm.s32 $0x10;
	vm1 =	vgt.s32 v28, $0x0  }
0x187: {  	v29 =	vor.u32 s19, v0;
	v28 =	vnsel vm1, $0x0, v28  }
0x188: {  	vm1 =	vlt.s32 v29, v27;
	v28 =	vmin.u32 v28, $0x11  }
0x189: {  	v28 =	vnsel vm1, $0x0, v28  }
0x18a: {  	v29 =	vshll.u32 v28, $0x4;
	v28 =	vadd.s32 $0xFFFFFFFF, v28  }
0x18b: {  	vm2 =	vlt.u32 v28, $0x10  }
0x18c: {  	p1 =	sne.s32 s20, $0x1;
	v29 =	vor.u32 v0, v29;
	vm1 =	vmand vm1, vm2  }
.Ltmp7:
0x18d: {  	v28 =	vmpcnt.ones.xlane vm1;
	(pc) =	sbr.rel @!p1 .LBB2_11-.Ltmp7, $4  }
0x18e: {  	_ = 	snop  }
0x18f: {  	v28 =	vxor.u32 $0x80000000, v28  }
0x190: {  	(xrf0) =	vmax.scan.msk.u32 $0xffff, v28;
	s21 =	spop (v2sf)  }
0x191: {  	s20 =	sadd.s32 $0xFFFFFFFF, s20;
	p0 =	por $0x1, $0x1;
	[tilespmem:v29+s9+$0x0] =	vst.idx.add.s32.msk $0xffff, v5;
	s21 =	sadd.s32 $0x0, s21  }
.LBB2_10:
0x192: {  	p1 =	sne.s32 s20, $0x1;
	s20 =	sadd.s32 $0xFFFFFFFF, s20;
	s21 =	sadd.s32 $0x80000000, s21  }
0x193: {  	[tilespmem:s21+$0x8800] =	vst.msk vm1, v24  }
0x194: {  	s17 =	sadd.s32 $0x10, s17  }
0x195: {  	v24 =	vld [tilespmem:s17+$0x0]  }
0x196: {  	v28, _, _ =	vpop (xrf0)  }
0x197: {  	(v2sf) =	vpush v28, $0xF;
	_ =	sdelay $0x2  }
0x198: {  	v28 =	vshra.s32 v24, v25  }
0x199: {  	v28 =	vsub.s32 v28, v26  }
0x19a: {  	s19 =	sadd.s32 $0x10, s19;
	vm1 =	vgt.s32 v28, $0x0  }
0x19b: {  	v29 =	vor.u32 s19, v0;
	v28 =	vnsel vm1, $0x0, v28  }
0x19c: {  	vm1 =	vlt.s32 v29, v27;
	v28 =	vmin.u32 v28, $0x11  }
0x19d: {  	v28 =	vnsel vm1, $0x0, v28  }
0x19e: {  	v29 =	vshll.u32 v28, $0x4;
	v28 =	vadd.s32 $0xFFFFFFFF, v28  }
0x19f: {  	v29 =	vor.u32 v0, v29;
	vm2 =	vlt.u32 v28, $0x10  }
0x1a0: {  	vm1 =	vmand vm1, vm2  }
.Ltmp8:
0x1a1: {  	v28 =	vmpcnt.ones.xlane vm1;
	(pc) =	sbr.rel @p1 .LBB2_10-.Ltmp8, $4  }
0x1a2: {  	_ = 	snop  }
0x1a3: {  	v28 =	vxor.u32 $0x80000000, v28  }
0x1a4: {  	[tilespmem:v29+s9+$0x0] =	vst.idx.add.s32.msk $0xffff, v5;
	(xrf0) =	vmax.scan.msk.u32 $0xffff, v28;
	s22 =	spop (v2sf)  }
0x1a5: {  	s21 =	sadd.s32 s22, s21  }
.LBB2_11:
0x1a6: {  	_ =	sdelay $0x3  }
0x1a7: {  	v25, _, _ =	vpop (xrf0)  }
0x1a8: {  	(v2sf) =	vpush v25, $0xF;
	_ =	sdelay $0xc  }
.Ltmp9:
0x1a9: {  	_ = 	snop;
	(pc) =	sbr.rel .LBB2_4-.Ltmp9, $4  }
0x1aa: {  	s17 =	sadd.s32 @p0 $0x80000000, s21  }
0x1ab: {  	s18 =	smov.u32 @p0 s17;
	s22 =	spop (v2sf)  }
0x1ac: {  	s17 =	sadd.s32 s22, s18  }
0x1ad: {  	s16 =	sadd.s32 $0x1, s16;
	[tilespmem:s18+$0x8800] =	vst.msk vm1, v24;
	s17 =	sadd.s32 $0x80000000, s17  }
.LBB2_8:
.Ltmp10:
0x1ae: {  	(pc) =	sbr.rel .LBB2_11-.Ltmp10, $2  }
0x1af: {  	_ =	sdelay $0x2  }
0x1b0: {  	_ = 	snop  }
.LBB2_12:
0x1b1: {  	v32 =	vmov s19  }
0x1b2: {  	vm1 =	veq.s32 v32, v0  }
0x1b3: {  	v24 =	vnsel vm1, $0x0, v24  }
0x1b4: {  	(xrf0) =	vadd.scan.msk.s32 $0xffff, v24;
	v24 =	vnsel vm1, $0x0, v31  }
0x1b5: {  	(xrf0) =	vadd.scan.msk.s32 $0xffff, v24  }
0x1b6: {  	v24 =	vnsel vm1, $0x0, v30  }
0x1b7: {  	(xrf0) =	vadd.scan.msk.s32 $0xffff, v24;
	v24 =	vnsel vm1, $0x0, v29  }
0x1b8: {  	(xrf0) =	vadd.scan.msk.s32 $0xffff, v24;
	v24 =	vnsel vm1, $0x0, v28  }
0x1b9: {  	(xrf0) =	vadd.scan.msk.s32 $0xffff, v24;
	v24 =	vnsel vm1, $0x0, v27  }
0x1ba: {  	v27, _, _ =	vpop (xrf0);
	(xrf0) =	vadd.scan.msk.s32 $0xffff, v24;
	v24 =	vnsel vm1, $0x0, v26  }
0x1bb: {  	v26, _, _ =	vpop (xrf0);
	(xrf0) =	vadd.scan.msk.s32 $0xffff, v24;
	v24 =	vnsel vm1, $0x0, v25  }
0x1bc: {  	(v2sf) =	vpush v27, $0xF  }
0x1bd: {  	(v2sf) =	vpush v26, $0xF;
	v25, _, _ =	vpop (xrf0);
	(xrf0) =	vadd.scan.msk.s32 $0xffff, v24  }
0x1be: {  	(v2sf) =	vpush v25, $0xF;
	v24, _, _ =	vpop (xrf0)  }
0x1bf: {  	(v2sf) =	vpush v24, $0xF;
	v24, _, _ =	vpop (xrf0)  }
0x1c0: {  	v25, _, _ =	vpop (xrf0);
	(v2sf) =	vpush v24, $0xF  }
0x1c1: {  	(v2sf) =	vpush v25, $0xF  }
0x1c2: {  	v24, _, _ =	vpop (xrf0)  }
0x1c3: {  	(v2sf) =	vpush v24, $0xF;
	v24, _, _ =	vpop (xrf0)  }
0x1c4: {  	(v2sf) =	vpush v24, $0xF;
	_ =	sdelay $0x6  }
0x1c5: {  	s17 =	spop (v2sf)  }
0x1c6: {  	s21 =	sld [smem:$0x7FD];
	s16 =	spop (v2sf)  }
0x1c7: {  	s22 =	sld [smem:$0x7FC];
	s18 =	spop (v2sf)  }
0x1c8: {  	s16 =	simm.s32 @p6 $0x0;
	s18 =	simm.s32 @!p5 $0x0;
	s19 =	spop (v2sf)  }
0x1c9: {  	s16 =	sadd.s32 s18, s16;
	s18 =	spop (v2sf);
	s19 =	simm.s32 @!p4 $0x0  }
0x1ca: {  	s16 =	sadd.s32 s19, s16;
	s19 =	spop (v2sf);
	s18 =	simm.s32 @!p3 $0x0  }
0x1cb: {  	s16 =	sadd.s32 s18, s16;
	s19 =	simm.s32 @!p2 $0x0  }
0x1cc: {  	p0 =	seq.s32 s21, $0x1;
	s18 =	spop (v2sf);
	s16 =	sadd.s32 s19, s16  }
0x1cd: {  	s18 =	simm.s32 @!p0 $0x0;
	s19 =	spop (v2sf);
	p0 =	seq.s32 s22, $0x1  }
0x1ce: {  	s16 =	sadd.s32 s18, s16;
	s19 =	simm.s32 @!p0 $0x0  }
0x1cf: {  	s16 =	sadd.s32 s19, s16  }
0x1d0: {  	s14 =	sadd.s32 s16, s14  }
0x1d1: {  	s14 =	ssub.s32 $0x1388, s14  }
0x1d2: {  	p0 =	sgt.s32 s14, $0x0  }
0x1d3: {  	s14 =	simm.s32 @!p0 $0x0  }
0x1d4: {  	p0 =	slt.s32 s17, s14;
	s16 =	smov.u32 s14  }
0x1d5: {  	s16 =	smov.u32 @p0 s17;
	p0 =	sge.s32 s14, s17  }
0x1d6: {  	p1 =	sgt.s32 @!p0 s16, $0x0  }
0x1d7: {  	p0 =	por p0, !p1  }
.Ltmp11:
0x1d8: {  	_ = 	snop;
	(pc) =	sbr.rel @p0 .LBB2_13-.Ltmp11, $2  }
0x1d9: {  	_ =	sdelay $0x2  }
0x1da: {  	v24 =	vmov s15  }
0x1db: {  	s14 =	simm.s32 $0x8000  }
0x1dc: {  	v26 =	vld [tilespmem:s14+$0x0];
	_ =	sdelay $0x4  }
0x1dd: {  	vm1 =	veq.s32 v26, v24  }
0x1de: {  	v25 =	vsel vm1, $0x1, v2  }
0x1df: {  	(xrf0) =	vadd.scan.msk.s32 $0xffff, v25;
	_ =	sdelay $0x2  }
0x1e0: {  	s14 =	simm.s32 $0x0  }
0x1e1: {  	v25 =	vmov s14  }
0x1e2: {  	v25 =	vadd.s32 $0xFFFFFFFF, v25  }
0x1e3: {  	v27 =	vbroadcast v25, $0x0;
	v28, _, _ =	vpop (xrf0)  }
0x1e4: {  	(v2sf) =	vpush v28, $0xF  }
0x1e5: {  	v25 =	vmov s16;
	v27 =	vadd.s32 v28, v27  }
0x1e6: {  	vm2 =	vlt.s32 v27, v25  }
0x1e7: {  	vm3 =	vgt.s32 v26, v24;
	vm1 =	vmand vm1, vm2  }
0x1e8: {  	vm1 =	vmor vm3, vm1  }
0x1e9: {  	s15 =	sand.u32 $0x7F0, s14;
	v26 =	vsel vm1, $0x3F800000, v23  }
0x1ea: {  	s16 =	simm.s32 $0x8010;
	[tilespmem:s15+$0x9200] =	vst v26  }
0x1eb: {  	s17 =	simm.s32 $0x20;
	s15 =	simm.s32 $0x10;
	v26 =	vld [tilespmem:s16+$0x0]  }
.LBB2_17:
0x1ec: {  	p0 =	seq.s32 s17, $0x7F0;
	_ =	sdelay $0x3  }
0x1ed: {  	vm1 =	vgt.s32 v26, v24;
	vm2 =	veq.s32 v26, v24  }
0x1ee: {  	v26 =	vsel vm2, $0x1, v2  }
0x1ef: {  	(xrf0) =	vadd.scan.msk.s32 $0xffff, v26  }
0x1f0: {  	s18 =	spop (v2sf)  }
0x1f1: {  	s14 =	sadd.s32 s14, s18  }
0x1f2: {  	v26 =	vmov s14  }
0x1f3: {  	v26 =	vadd.s32 $0xFFFFFFFF, v26  }
0x1f4: {  	v26 =	vbroadcast v26, $0x0  }
0x1f5: {  	v27, _, _ =	vpop (xrf0)  }
0x1f6: {  	v26 =	vadd.s32 v27, v26;
	(v2sf) =	vpush v27, $0xF  }
0x1f7: {  	vm3 =	vlt.s32 v26, v25  }
0x1f8: {  	vm2 =	vmand vm2, vm3  }
.Ltmp12:
0x1f9: {  	vm1 =	vmor vm1, vm2;
	(pc) =	sbr.rel @!p0 .LBB2_17-.Ltmp12, $4  }
0x1fa: {  	s18 =	sand.u32 $0x7F0, s15;
	s15 =	smov.u32 s17;
	v26 =	vsel vm1, $0x3F800000, v23  }
0x1fb: {  	[tilespmem:s18+$0x9200] =	vst v26  }
0x1fc: {  	s16 =	sadd.s32 $0x10, s16  }
0x1fd: {  	s17 =	sadd.s32 $0x10, s17;
	v26 =	vld [tilespmem:s16+$0x0]  }
0x1fe: {  	_ =	sdelay $0x3  }
0x1ff: {  	vm1 =	veq.s32 v26, v24  }
0x200: {  	v27 =	vsel vm1, $0x1, v2  }
0x201: {  	(xrf0) =	vadd.scan.msk.s32 $0xffff, v27;
	_ =	sdelay $0x5  }
0x202: {  	v27, _, _ =	vpop (xrf0)  }
0x203: {  	(v2sf) =	vpush v27, $0xF;
	_ =	sdelay $0x3  }
0x204: {  	s16 =	spop (v2sf)  }
0x205: {  	s14 =	sadd.s32 s14, s16  }
0x206: {  	v28 =	vmov s14  }
0x207: {  	v28 =	vadd.s32 $0xFFFFFFFF, v28  }
0x208: {  	v28 =	vbroadcast v28, $0x0;
	_ =	sdelay $0x1  }
0x209: {  	v27 =	vadd.s32 v27, v28  }
.Ltmp13:
0x20a: {  	vm2 =	vlt.s32 v27, v25;
	(pc) =	sbr.rel .LBB2_19-.Ltmp13, $4  }
0x20b: {  	vm3 =	vgt.s32 v26, v24;
	vm1 =	vmand vm1, vm2  }
0x20c: {  	vm1 =	vmor vm3, vm1  }
0x20d: {  	s21 =	sand.u32 $0x7F0, s15;
	v63 =	vsel vm1, $0x3F800000, v23  }
0x20e: {  	[tilespmem:s21+$0x9200] =	vst v63;
	s22 =	spop (v2sf)  }
.LBB2_13:
0x20f: {  	p0 =	sgt.s32 s16, $0x0;
	vm1 =	vmmov vm0;
	s15 =	simm.s32 $0x8000  }
0x210: {  	s14 =	simm.s32 $0x0;
	s16 =	simm.s32 $0x10;
	vm1 =	vmneg @p0 vm1;
	v25 =	vld [tilespmem:s15+$0x0]  }
.LBB2_14:
0x211: {  	p0 =	sne.s32 s16, $0x7F0;
	_ =	sdelay $0x3  }
0x212: {  	vm2 =	veq.s32 v25, v24  }
.Ltmp14:
0x213: {  	vm3 =	vgt.s32 v25, v24;
	vm2 =	vmand vm1, vm2;
	(pc) =	sbr.rel @p0 .LBB2_14-.Ltmp14, $4  }
0x214: {  	vm2 =	vmor vm3, vm2  }
0x215: {  	s17 =	sand.u32 $0x7F0, s14;
	s14 =	smov.u32 s16;
	v25 =	vsel vm2, $0x3F800000, v23  }
0x216: {  	s15 =	sadd.s32 $0x10, s15;
	[tilespmem:s17+$0x9200] =	vst v25  }
0x217: {  	s16 =	sadd.s32 $0x10, s16;
	v25 =	vld [tilespmem:s15+$0x0]  }
0x218: {  	_ =	sdelay $0x3  }
.Ltmp15:
0x219: {  	vm2 =	veq.s32 v25, v24;
	(pc) =	sbr.rel .LBB2_19-.Ltmp15, $4  }
0x21a: {  	vm3 =	vgt.s32 v25, v24;
	vm1 =	vmand vm1, vm2  }
0x21b: {  	vm1 =	vmor vm3, vm1  }
0x21c: {  	s14 =	sand.u32 $0x7F0, s14;
	v63 =	vsel vm1, $0x3F800000, v23  }
0x21d: {  	[tilespmem:s14+$0x9200] =	vst v63  }
.LBB2_20:
0x21e: {  	_ =	sfence.sel $0x180000  }
0x21f: {  	[bflag:$0x0] =	sbarrier.arrive $0xFFFF  }
0x220: {  	_ =	strace $0x90000047  }
0x221: {  	s0 =	stileid.u32;
	[bflag:$0x2] =	sbarrier.arrive $0xFFFF  }
0x222: {  	p0 =	sne.s32 s0, $0x0;
	s0 =	rddreg [dreg:$0x3]  }
0x223: {  	s0 =	sadd.s32 @!p0 $0x100000, s0  }
0x224: {  	[sflag:s0] =	ssyncadd.tile.s32 @!p0 $0x1;
	_ =	shalt  }
.Lfunc_end2:
_tile_overlayer_lowered:
.L_overlay_start_2:
0x225: {  	(tag) =	ssettag $0x2  }
0x226: {  	s0 =	rddreg [dreg:$0x0];
	s2 =	stileid.u32  }
0x227: {  	s1 =	rddreg [dreg:$0x1];
	p0 =	sne.s32 s2, $0x0  }
0x228: {  	s3 =	rddreg [dreg:$0x2];
	[bflag:$0x3] =	sbarrier.arrive $0xFFFF;
	s2 =	simm.s32 @!p0 $0x1C02  }
0x229: {  	[timem:s3], [sflag:s2] =	dma.local @!p0 [hbm:s0], s1  }
0x22a: {  	s0 =	simm.s32 @!p0 $0x2  }
0x22b: {  	_ =	swait.ge @!p0 [sflag:s0], s1  }
0x22c: {  	s1 =	ssub.s32 @!p0 $0x0, s1;
	[sflag:s0] =	ssyncset.done @!p0 $0x0  }
0x22d: {  	[sflag:s0] =	ssyncadd.s32 @!p0 s1  }
0x22e: {  	[bflag:$0x3] =	sbarrier.arrive $0xFFFF  }
0x22f: {  	_ =	shalt  }

</sc_bundles>
